<compile_context>
chip_gen: v7x
topology: tpu7x:2x2x1
jax: 0.10.2.dev20260603
libtpu: 0.0.44.dev20260713+nightly
codegen_flags: <defaults>
</compile_context>

<pallas_src>
import functools

import jax
import jax.numpy as jnp
from jax import lax
from jax.experimental import pallas as pl
from jax.experimental.pallas import tpu as pltpu
from jax.experimental.pallas import tpu_sc as plsc

NC = 2
NS = 16
NW = NC * NS
CHUNK = 2000


def _unpack_lo(w):
    return plsc.bitcast(w << 16, jnp.float32)


def _unpack_hi(w):
    return plsc.bitcast((w >> 16) << 16, jnp.float32)


def _bond_kernel(nchunks, xy_hbm, z_hbm, idxi_hbm, idxj_hbm, r0_hbm, k_hbm,
                 out_hbm, stage_hbm,
                 table_v,
                 pi0_v, pj0_v, dd0_v, r00_v, k0_v,
                 pi1_v, pj1_v, dd1_v, r01_v, k1_v,
                 acc_v, sem0, sem1, osem0, osem1):
    cid = lax.axis_index("c")
    sid = lax.axis_index("s")
    wid = sid * NC + cid
    base_e = wid * nchunks * CHUNK

    lane2 = lax.iota(jnp.int32, 16) * 2

    bufs = (
        (pi0_v, pj0_v, dd0_v, r00_v, k0_v, sem0, osem0),
        (pi1_v, pj1_v, dd1_v, r01_v, k1_v, sem1, osem1),
    )

    pltpu.sync_copy(xy_hbm, table_v)

    def issue1(ch, b):
        pi_v, pj_v, _, _, _, sem, _ = bufs[b]
        eb = base_e + ch * CHUNK
        pltpu.async_copy(idxi_hbm.at[pl.ds(eb, CHUNK)], pi_v, sem)
        pltpu.async_copy(idxj_hbm.at[pl.ds(eb, CHUNK)], pj_v, sem)

    def drain1(b):
        pi_v, pj_v, _, _, _, sem, _ = bufs[b]
        pltpu.make_async_copy(idxi_hbm.at[pl.ds(0, CHUNK)], pi_v,
                              sem).wait()
        pltpu.make_async_copy(idxj_hbm.at[pl.ds(0, CHUNK)], pj_v,
                              sem).wait()

    def compute1(ch, b):
        pi_v, pj_v, dd_v, _, _, _, osem = bufs[b]
        eb = base_e + ch * CHUNK

        @plsc.parallel_loop(0, CHUNK // 16, unroll=5)
        def vloop(v):
            e0 = pl.multiple_of(v * 16, 16)
            iv = pi_v[pl.ds(e0, 16)]
            jv = pj_v[pl.ds(e0, 16)]
            wi = plsc.load_gather(table_v, [iv])
            wj = plsc.load_gather(table_v, [jv])
            dx = _unpack_lo(wi) - _unpack_lo(wj)
            dy = _unpack_hi(wi) - _unpack_hi(wj)
            dd_v[pl.ds(e0, 16)] = dx * dx + dy * dy

        pltpu.async_copy(dd_v, stage_hbm.at[pl.ds(eb, CHUNK)], osem)

    def drain_out(b):
        _, _, dd_v, _, _, _, osem = bufs[b]
        pltpu.make_async_copy(stage_hbm.at[pl.ds(0, CHUNK)], dd_v,
                              osem).wait()

    issue1(0, 0)
    issue1(1, 1)

    def body1(p, carry):
        drain1(0)
        compute1(2 * p, 0)
        issue1(2 * p + 2, 0)
        drain1(1)
        compute1(2 * p + 1, 1)
        issue1(2 * p + 3, 1)
        drain_out(0)
        drain_out(1)
        return carry

    lax.fori_loop(0, nchunks // 2 - 1, body1, jnp.int32(0))
    drain1(0)
    compute1(nchunks - 2, 0)
    drain1(1)
    compute1(nchunks - 1, 1)
    drain_out(0)
    drain_out(1)

    pltpu.sync_copy(z_hbm, table_v)

    def issue2(ch, b):
        pi_v, pj_v, dd_v, r0_v, k_v, sem, _ = bufs[b]
        eb = base_e + ch * CHUNK
        pltpu.async_copy(idxi_hbm.at[pl.ds(eb, CHUNK)], pi_v, sem)
        pltpu.async_copy(idxj_hbm.at[pl.ds(eb, CHUNK)], pj_v, sem)
        pltpu.async_copy(stage_hbm.at[pl.ds(eb, CHUNK)], dd_v, sem)
        pltpu.async_copy(r0_hbm.at[pl.ds(eb, CHUNK)], r0_v, sem)
        pltpu.async_copy(k_hbm.at[pl.ds(eb, CHUNK)], k_v, sem)

    def drain2(b):
        pi_v, pj_v, dd_v, r0_v, k_v, sem, _ = bufs[b]
        pltpu.make_async_copy(idxi_hbm.at[pl.ds(0, CHUNK)], pi_v,
                              sem).wait()
        pltpu.make_async_copy(idxj_hbm.at[pl.ds(0, CHUNK)], pj_v,
                              sem).wait()
        pltpu.make_async_copy(stage_hbm.at[pl.ds(0, CHUNK)], dd_v,
                              sem).wait()
        pltpu.make_async_copy(r0_hbm.at[pl.ds(0, CHUNK)], r0_v, sem).wait()
        pltpu.make_async_copy(k_hbm.at[pl.ds(0, CHUNK)], k_v, sem).wait()

    def compute2(b, acc):
        pi_v, pj_v, dd_v, r0_v, k_v, _, _ = bufs[b]

        @plsc.parallel_loop(0, CHUNK // 16, unroll=5, carry=acc)
        def vloop(v, acc):
            e0 = pl.multiple_of(v * 16, 16)
            iv = pi_v[pl.ds(e0, 16)]
            jv = pj_v[pl.ds(e0, 16)]
            zi = plsc.bitcast(plsc.load_gather(table_v, [iv]), jnp.float32)
            zj = plsc.bitcast(plsc.load_gather(table_v, [jv]), jnp.float32)
            dz = zi - zj
            d2 = dd_v[pl.ds(e0, 16)] + dz * dz
            d2 = jnp.maximum(d2, 1e-12)
            ib = plsc.bitcast(d2, jnp.int32)
            y = plsc.bitcast(jnp.int32(0x5F3759DF) - (ib >> 1), jnp.float32)
            hx = 0.5 * d2
            y = y * (1.5 - hx * y * y)
            y = y * (1.5 - hx * y * y)
            r = d2 * y
            t = r - r0_v[pl.ds(e0, 16)]
            return acc + (t * t) * k_v[pl.ds(e0, 16)]

        return vloop

    issue2(0, 0)
    issue2(1, 1)

    def body2(p, acc):
        drain2(0)
        acc = compute2(0, acc)
        issue2(2 * p + 2, 0)
        drain2(1)
        acc = compute2(1, acc)
        issue2(2 * p + 3, 1)
        return acc

    acc = lax.fori_loop(0, nchunks // 2 - 1, body2,
                        jnp.zeros((16,), jnp.float32))
    drain2(0)
    acc = compute2(0, acc)
    drain2(1)
    acc = compute2(1, acc)

    acc_v[...] = acc * 0.5
    pltpu.sync_copy(acc_v, out_hbm.at[wid])


def kernel(coords, pairs, r0, k):
    e = pairs.shape[0]
    n = coords.shape[0]
    r0 = r0.astype(jnp.float32)
    k = k.astype(jnp.float32)
    idx_i = pairs[:, 0].astype(jnp.int32)
    idx_j = pairs[:, 1].astype(jnp.int32)

    grain = NW * CHUNK * 2
    e_pad = ((e + grain - 1) // grain) * grain
    pad = e_pad - e
    if pad:
        idx_i = jnp.pad(idx_i, (0, pad))
        idx_j = jnp.pad(idx_j, (0, pad))
        r0 = jnp.pad(r0, (0, pad))
        k = jnp.pad(k, (0, pad))
    nchunks = e_pad // (NW * CHUNK)

    cf = coords.astype(jnp.float32)
    xb = lax.bitcast_convert_type(cf[:, 0].astype(jnp.bfloat16),
                                  jnp.uint16).astype(jnp.uint32)
    yb = lax.bitcast_convert_type(cf[:, 1].astype(jnp.bfloat16),
                                  jnp.uint16).astype(jnp.uint32)
    xy_packed = ((yb << 16) | xb).astype(jnp.int32)
    z_bits = lax.bitcast_convert_type(cf[:, 2], jnp.int32)

    mesh = plsc.VectorSubcoreMesh(core_axis_name="c", subcore_axis_name="s")
    buf = lambda: [
        pltpu.VMEM((CHUNK,), jnp.int32),
        pltpu.VMEM((CHUNK,), jnp.int32),
        pltpu.VMEM((CHUNK,), jnp.float32),
        pltpu.VMEM((CHUNK,), jnp.float32),
        pltpu.VMEM((CHUNK,), jnp.float32),
    ]
    f = pl.kernel(
        functools.partial(_bond_kernel, nchunks),
        mesh=mesh,
        out_type=(
            jax.ShapeDtypeStruct((NW, 16), jnp.float32),
            jax.ShapeDtypeStruct((e_pad,), jnp.float32),
        ),
        scratch_types=[pltpu.VMEM((n,), jnp.int32)] + buf() + buf() + [
            pltpu.VMEM((16,), jnp.float32),
            pltpu.SemaphoreType.DMA,
            pltpu.SemaphoreType.DMA,
            pltpu.SemaphoreType.DMA,
            pltpu.SemaphoreType.DMA,
        ],
        compiler_params=pltpu.CompilerParams(
            needs_layout_passes=False, use_tc_tiling_on_sc=False),
    )
    partials, _ = f(xy_packed, z_bits, idx_i, idx_j, r0, k)
    return jnp.sum(partials)

# --- scband reference (transcript-rebuilt; emitter-appended) ---
"""Pipeline reference for scband-hamronic-bond-37503654428904 (READ-ONLY COPY).

The authoritative reference and input builder live on the scoring server;
editing this copy changes nothing except your own understanding.
"""

import jax, jax.numpy as jnp
import numpy as np


def setup_inputs(seed: int = 0) -> dict:
    key = jax.random.key(seed)
    k0, k1, k2, k3 = jax.random.split(key, 4)
    N = 100000
    E = 3200000
    coords = jax.random.normal(k0, (N, 3), dtype=jnp.float32)
    pairs = jax.random.randint(k1, (E, 2), 0, N, dtype=jnp.int64)
    r0 = jax.random.uniform(k2, (E,), dtype=jnp.float32)
    kconst = jax.random.uniform(k3, (E,), dtype=jnp.float32)
    return {"coords": coords, "pairs": pairs, "r0": r0, "k": kconst}


def reference(coords, pairs, r0, k):
    # gather endpoint coordinates for each bond
    ci = jnp.take(coords, pairs[:, 0], axis=0)
    cj = jnp.take(coords, pairs[:, 1], axis=0)
    d = ci - cj
    r = jnp.sqrt(jnp.sum(d * d, axis=1))
    ene = (r - r0) ** 2 * k / 2
    return jnp.sum(ene)

if __name__ == "__main__":
    import jax
    _d = setup_inputs()
    print(jax.jit(kernel)(*tuple(_d.values())))

</pallas_src>

<mosaic_0001>
#map = affine_map<(d0, d1) -> (0)>
#map1 = affine_map<(d0, d1) -> (0, 0)>
module attributes {stable_mosaic.version = 14 : i64} {
  func.func @_bond_kernel(%arg0: i32, %arg1: i32, %arg2: memref<100000xi32, #tpu.memory_space<hbm>>, %arg3: memref<100000xi32, #tpu.memory_space<hbm>>, %arg4: memref<3200000xi32, #tpu.memory_space<hbm>>, %arg5: memref<3200000xi32, #tpu.memory_space<hbm>>, %arg6: memref<3200000xf32, #tpu.memory_space<hbm>>, %arg7: memref<3200000xf32, #tpu.memory_space<hbm>>, %arg8: memref<32x16xf32, #tpu.memory_space<hbm>>, %arg9: memref<3200000xf32, #tpu.memory_space<hbm>>, %arg10: memref<100000xi32, #tpu.memory_space<vmem>>, %arg11: memref<2000xi32, #tpu.memory_space<vmem>>, %arg12: memref<2000xi32, #tpu.memory_space<vmem>>, %arg13: memref<2000xf32, #tpu.memory_space<vmem>>, %arg14: memref<2000xf32, #tpu.memory_space<vmem>>, %arg15: memref<2000xf32, #tpu.memory_space<vmem>>, %arg16: memref<2000xi32, #tpu.memory_space<vmem>>, %arg17: memref<2000xi32, #tpu.memory_space<vmem>>, %arg18: memref<2000xf32, #tpu.memory_space<vmem>>, %arg19: memref<2000xf32, #tpu.memory_space<vmem>>, %arg20: memref<2000xf32, #tpu.memory_space<vmem>>, %arg21: memref<16xf32, #tpu.memory_space<vmem>>, %arg22: memref<!tpu.dma_semaphore, #tpu.memory_space<semaphore_mem>>, %arg23: memref<!tpu.dma_semaphore, #tpu.memory_space<semaphore_mem>>, %arg24: memref<!tpu.dma_semaphore, #tpu.memory_space<semaphore_mem>>, %arg25: memref<!tpu.dma_semaphore, #tpu.memory_space<semaphore_mem>>) attributes {dimension_semantics = [#tpu.dimension_semantics<core_parallel>, #tpu.dimension_semantics<subcore_parallel>], iteration_bounds = array<i64: 2, 16>, scalar_prefetch = 0 : i64, scratch_operands = 16 : i64, tpu.core_type = #tpu.core_type<sc_vector_subcore>, window_params = [{transform_indices = #map}, {transform_indices = #map}, {transform_indices = #map}, {transform_indices = #map}, {transform_indices = #map}, {transform_indices = #map}, {transform_indices = #map1}, {transform_indices = #map}]} {
    %mul3A = arith.constant 2 : i32
    %mul3A_0 = arith.muli %arg1, %mul3A : i32
    %add3A = arith.addi %mul3A_0, %arg0 : i32
    %mul3A_1 = arith.constant 50 : i32
    %mul3A_2 = arith.muli %add3A, %mul3A_1 : i32
    %mul3A_3 = arith.constant 2000 : i32
    %mul3A_4 = arith.muli %mul3A_2, %mul3A_3 : i32
    %iota3A = tpu.iota {dimensions = array<i32: 0>} : vector<16xi32>
    %mul3A_5 = arith.constant 2 : i32
    %mul3A_6 = vector.broadcast %mul3A_5 : i32 to vector<16xi32>
    %mul3A_7 = arith.muli %iota3A, %mul3A_6 : vector<16xi32>
    "tpu.region"() ({
      %run_scoped3A = tpu.sem_alloc : memref<!tpu.dma_semaphore, #tpu.memory_space<semaphore_mem>>
      tpu.enqueue_dma source(%arg2 : memref<100000xi32, #tpu.memory_space<hbm>>) target(%arg10 : memref<100000xi32, #tpu.memory_space<vmem>>) target_semaphore(%run_scoped3A : memref<!tpu.dma_semaphore, #tpu.memory_space<semaphore_mem>>)
      tpu.wait_dma2 semaphore(%run_scoped3A : memref<!tpu.dma_semaphore, #tpu.memory_space<semaphore_mem>>) src(%arg2 : memref<100000xi32, #tpu.memory_space<hbm>>) dst(%arg10 : memref<100000xi32, #tpu.memory_space<vmem>>)
      tpu.yield
    }) : () -> ()
    %add3A_8 = arith.constant 0 : i32
    %add3A_9 = arith.addi %mul3A_4, %add3A_8 : i32
    %dma_start3A = tpu.memref_slice %arg4[%add3A_9] : memref<3200000xi32, #tpu.memory_space<hbm>> -> memref<2000xi32, #tpu.memory_space<hbm>>
    %dma_start3A_10 = tpu.memref_slice %arg4[%add3A_9] : memref<3200000xi32, #tpu.memory_space<hbm>> -> memref<2000xi32, #tpu.memory_space<hbm>>
    tpu.enqueue_dma source(%dma_start3A_10 : memref<2000xi32, #tpu.memory_space<hbm>>) target(%arg11 : memref<2000xi32, #tpu.memory_space<vmem>>) target_semaphore(%arg22 : memref<!tpu.dma_semaphore, #tpu.memory_space<semaphore_mem>>)
    %dma_start3A_11 = tpu.memref_slice %arg5[%add3A_9] : memref<3200000xi32, #tpu.memory_space<hbm>> -> memref<2000xi32, #tpu.memory_space<hbm>>
    %dma_start3A_12 = tpu.memref_slice %arg5[%add3A_9] : memref<3200000xi32, #tpu.memory_space<hbm>> -> memref<2000xi32, #tpu.memory_space<hbm>>
    tpu.enqueue_dma source(%dma_start3A_12 : memref<2000xi32, #tpu.memory_space<hbm>>) target(%arg12 : memref<2000xi32, #tpu.memory_space<vmem>>) target_semaphore(%arg22 : memref<!tpu.dma_semaphore, #tpu.memory_space<semaphore_mem>>)
    %add3A_13 = arith.constant 2000 : i32
    %add3A_14 = arith.addi %mul3A_4, %add3A_13 : i32
    %dma_start3A_15 = tpu.memref_slice %arg4[%add3A_14] : memref<3200000xi32, #tpu.memory_space<hbm>> -> memref<2000xi32, #tpu.memory_space<hbm>>
    %dma_start3A_16 = tpu.memref_slice %arg4[%add3A_14] : memref<3200000xi32, #tpu.memory_space<hbm>> -> memref<2000xi32, #tpu.memory_space<hbm>>
    tpu.enqueue_dma source(%dma_start3A_16 : memref<2000xi32, #tpu.memory_space<hbm>>) target(%arg16 : memref<2000xi32, #tpu.memory_space<vmem>>) target_semaphore(%arg23 : memref<!tpu.dma_semaphore, #tpu.memory_space<semaphore_mem>>)
    %dma_start3A_17 = tpu.memref_slice %arg5[%add3A_14] : memref<3200000xi32, #tpu.memory_space<hbm>> -> memref<2000xi32, #tpu.memory_space<hbm>>
    %dma_start3A_18 = tpu.memref_slice %arg5[%add3A_14] : memref<3200000xi32, #tpu.memory_space<hbm>> -> memref<2000xi32, #tpu.memory_space<hbm>>
    tpu.enqueue_dma source(%dma_start3A_18 : memref<2000xi32, #tpu.memory_space<hbm>>) target(%arg17 : memref<2000xi32, #tpu.memory_space<vmem>>) target_semaphore(%arg23 : memref<!tpu.dma_semaphore, #tpu.memory_space<semaphore_mem>>)
    %scan3A = arith.constant 0 : i32
    %scan3A_19 = arith.constant 0 : i32
    %scan3A_20 = arith.constant 24 : i32
    %scan3A_21 = arith.addi %scan3A_19, %scan3A_20 : i32
    %scan3A_22 = arith.constant 1 : i32
    scf.for %scan3A_143 = %scan3A_19 to %scan3A_21 step %scan3A_22  : i32 {
      %dma_wait3A_144 = arith.constant 0 : i32
      %dma_wait3A_145 = tpu.memref_slice %arg4[%dma_wait3A_144] : memref<3200000xi32, #tpu.memory_space<hbm>> -> memref<2000xi32, #tpu.memory_space<hbm>>
      %dma_wait3A_146 = arith.constant 0 : i32
      %dma_wait3A_147 = tpu.memref_slice %arg4[%dma_wait3A_146] : memref<3200000xi32, #tpu.memory_space<hbm>> -> memref<2000xi32, #tpu.memory_space<hbm>>
      tpu.wait_dma2 semaphore(%arg22 : memref<!tpu.dma_semaphore, #tpu.memory_space<semaphore_mem>>) src(%dma_wait3A_147 : memref<2000xi32, #tpu.memory_space<hbm>>) dst(%arg11 : memref<2000xi32, #tpu.memory_space<vmem>>)
      %dma_wait3A_148 = arith.constant 0 : i32
      %dma_wait3A_149 = tpu.memref_slice %arg5[%dma_wait3A_148] : memref<3200000xi32, #tpu.memory_space<hbm>> -> memref<2000xi32, #tpu.memory_space<hbm>>
      %dma_wait3A_150 = arith.constant 0 : i32
      %dma_wait3A_151 = tpu.memref_slice %arg5[%dma_wait3A_150] : memref<3200000xi32, #tpu.memory_space<hbm>> -> memref<2000xi32, #tpu.memory_space<hbm>>
      tpu.wait_dma2 semaphore(%arg22 : memref<!tpu.dma_semaphore, #tpu.memory_space<semaphore_mem>>) src(%dma_wait3A_151 : memref<2000xi32, #tpu.memory_space<hbm>>) dst(%arg12 : memref<2000xi32, #tpu.memory_space<vmem>>)
      %mul3A_152 = arith.constant 2 : i32
      %mul3A_153 = arith.muli %mul3A_152, %scan3A_143 : i32
      %mul3A_154 = arith.constant 2000 : i32
      %mul3A_155 = arith.muli %mul3A_153, %mul3A_154 : i32
      %add3A_156 = arith.addi %mul3A_4, %mul3A_155 : i32
      %parallel_loop3A_157 = arith.constant 0 : i32
      %parallel_loop3A_158 = arith.constant 125 : i32
      %parallel_loop3A_159 = arith.constant 1 : i32
      scf.for %parallel_loop3A_212 = %parallel_loop3A_157 to %parallel_loop3A_158 step %parallel_loop3A_159  : i32 {
        %parallel_loop3A_213 = arith.constant 16 : i32
        %parallel_loop3A_214 = arith.muli %parallel_loop3A_212, %parallel_loop3A_213 : i32
        %parallel_loop3A_215 = tpu.assume_multiple %parallel_loop3A_214, 16 : i32
        %parallel_loop3A_216 = arith.index_cast %parallel_loop3A_215 : i32 to index
        %parallel_loop3A_217 = tpu.vector_load %arg11[%parallel_loop3A_216] {strides = array<i32>} : memref<2000xi32, #tpu.memory_space<vmem>>, vector<16xi32>,
        %parallel_loop3A_218 = arith.index_cast %parallel_loop3A_215 : i32 to index
        %parallel_loop3A_219 = tpu.vector_load %arg12[%parallel_loop3A_218] {strides = array<i32>} : memref<2000xi32, #tpu.memory_space<vmem>>, vector<16xi32>,
        %parallel_loop3A_220 = tpu.vector_load_idx %arg10[%parallel_loop3A_217] : memref<100000xi32, #tpu.memory_space<vmem>>[vector<16xi32>], vector<16xi32>,
        %parallel_loop3A_221 = tpu.vector_load_idx %arg10[%parallel_loop3A_219] : memref<100000xi32, #tpu.memory_space<vmem>>[vector<16xi32>], vector<16xi32>,
        %parallel_loop3A_222 = arith.constant 16 : i32
        %parallel_loop3A_223 = vector.broadcast %parallel_loop3A_222 : i32 to vector<16xi32>
        %parallel_loop3A_224 = arith.shli %parallel_loop3A_220, %parallel_loop3A_223 : vector<16xi32>
        %parallel_loop3A_225 = vector.bitcast %parallel_loop3A_224 : vector<16xi32> to vector<16xf32>
        %parallel_loop3A_226 = arith.constant 16 : i32
        %parallel_loop3A_227 = vector.broadcast %parallel_loop3A_226 : i32 to vector<16xi32>
        %parallel_loop3A_228 = arith.shli %parallel_loop3A_221, %parallel_loop3A_227 : vector<16xi32>
        %parallel_loop3A_229 = vector.bitcast %parallel_loop3A_228 : vector<16xi32> to vector<16xf32>
        %parallel_loop3A_230 = arith.subf %parallel_loop3A_225, %parallel_loop3A_229 : vector<16xf32>
        %parallel_loop3A_231 = arith.constant 16 : i32
        %parallel_loop3A_232 = vector.broadcast %parallel_loop3A_231 : i32 to vector<16xi32>
        %parallel_loop3A_233 = arith.shrsi %parallel_loop3A_220, %parallel_loop3A_232 : vector<16xi32>
        %parallel_loop3A_234 = arith.constant 16 : i32
        %parallel_loop3A_235 = vector.broadcast %parallel_loop3A_234 : i32 to vector<16xi32>
        %parallel_loop3A_236 = arith.shli %parallel_loop3A_233, %parallel_loop3A_235 : vector<16xi32>
        %parallel_loop3A_237 = vector.bitcast %parallel_loop3A_236 : vector<16xi32> to vector<16xf32>
        %parallel_loop3A_238 = arith.constant 16 : i32
        %parallel_loop3A_239 = vector.broadcast %parallel_loop3A_238 : i32 to vector<16xi32>
        %parallel_loop3A_240 = arith.shrsi %parallel_loop3A_221, %parallel_loop3A_239 : vector<16xi32>
        %parallel_loop3A_241 = arith.constant 16 : i32
        %parallel_loop3A_242 = vector.broadcast %parallel_loop3A_241 : i32 to vector<16xi32>
        %parallel_loop3A_243 = arith.shli %parallel_loop3A_240, %parallel_loop3A_242 : vector<16xi32>
        %parallel_loop3A_244 = vector.bitcast %parallel_loop3A_243 : vector<16xi32> to vector<16xf32>
        %parallel_loop3A_245 = arith.subf %parallel_loop3A_237, %parallel_loop3A_244 : vector<16xf32>
        %parallel_loop3A_246 = arith.mulf %parallel_loop3A_230, %parallel_loop3A_230 : vector<16xf32>
        %parallel_loop3A_247 = arith.mulf %parallel_loop3A_245, %parallel_loop3A_245 : vector<16xf32>
        %parallel_loop3A_248 = arith.addf %parallel_loop3A_246, %parallel_loop3A_247 : vector<16xf32>
        %parallel_loop3A_249 = arith.index_cast %parallel_loop3A_215 : i32 to index
        %parallel_loop3A_250 = tpu.vector_load %arg13[%parallel_loop3A_249] {strides = array<i32>} : memref<2000xf32, #tpu.memory_space<vmem>>, vector<16xf32>,
        tpu.vector_store %arg13[%parallel_loop3A_249], %parallel_loop3A_248 {strides = array<i32>} : memref<2000xf32, #tpu.memory_space<vmem>>, vector<16xf32>,
      } {sc.loop_unroll_factor = 5 : i64, sc.parallel_access}
      %dma_start3A_160 = tpu.memref_slice %arg9[%add3A_156] : memref<3200000xf32, #tpu.memory_space<hbm>> -> memref<2000xf32, #tpu.memory_space<hbm>>
      %dma_start3A_161 = tpu.memref_slice %arg9[%add3A_156] : memref<3200000xf32, #tpu.memory_space<hbm>> -> memref<2000xf32, #tpu.memory_space<hbm>>
      tpu.enqueue_dma source(%arg13 : memref<2000xf32, #tpu.memory_space<vmem>>) target(%dma_start3A_161 : memref<2000xf32, #tpu.memory_space<hbm>>) target_semaphore(%arg24 : memref<!tpu.dma_semaphore, #tpu.memory_space<semaphore_mem>>)
      %mul3A_162 = arith.constant 2 : i32
      %mul3A_163 = arith.muli %mul3A_162, %scan3A_143 : i32
      %add3A_164 = arith.constant 2 : i32
      %add3A_165 = arith.addi %mul3A_163, %add3A_164 : i32
      %mul3A_166 = arith.constant 2000 : i32
      %mul3A_167 = arith.muli %add3A_165, %mul3A_166 : i32
      %add3A_168 = arith.addi %mul3A_4, %mul3A_167 : i32
      %dma_start3A_169 = tpu.memref_slice %arg4[%add3A_168] : memref<3200000xi32, #tpu.memory_space<hbm>> -> memref<2000xi32, #tpu.memory_space<hbm>>
      %dma_start3A_170 = tpu.memref_slice %arg4[%add3A_168] : memref<3200000xi32, #tpu.memory_space<hbm>> -> memref<2000xi32, #tpu.memory_space<hbm>>
      tpu.enqueue_dma source(%dma_start3A_170 : memref<2000xi32, #tpu.memory_space<hbm>>) target(%arg11 : memref<2000xi32, #tpu.memory_space<vmem>>) target_semaphore(%arg22 : memref<!tpu.dma_semaphore, #tpu.memory_space<semaphore_mem>>)
      %dma_start3A_171 = tpu.memref_slice %arg5[%add3A_168] : memref<3200000xi32, #tpu.memory_space<hbm>> -> memref<2000xi32, #tpu.memory_space<hbm>>
      %dma_start3A_172 = tpu.memref_slice %arg5[%add3A_168] : memref<3200000xi32, #tpu.memory_space<hbm>> -> memref<2000xi32, #tpu.memory_space<hbm>>
      tpu.enqueue_dma source(%dma_start3A_172 : memref<2000xi32, #tpu.memory_space<hbm>>) target(%arg12 : memref<2000xi32, #tpu.memory_space<vmem>>) target_semaphore(%arg22 : memref<!tpu.dma_semaphore, #tpu.memory_space<semaphore_mem>>)
      %dma_wait3A_173 = arith.constant 0 : i32
      %dma_wait3A_174 = tpu.memref_slice %arg4[%dma_wait3A_173] : memref<3200000xi32, #tpu.memory_space<hbm>> -> memref<2000xi32, #tpu.memory_space<hbm>>
      %dma_wait3A_175 = arith.constant 0 : i32
      %dma_wait3A_176 = tpu.memref_slice %arg4[%dma_wait3A_175] : memref<3200000xi32, #tpu.memory_space<hbm>> -> memref<2000xi32, #tpu.memory_space<hbm>>
      tpu.wait_dma2 semaphore(%arg23 : memref<!tpu.dma_semaphore, #tpu.memory_space<semaphore_mem>>) src(%dma_wait3A_176 : memref<2000xi32, #tpu.memory_space<hbm>>) dst(%arg16 : memref<2000xi32, #tpu.memory_space<vmem>>)
      %dma_wait3A_177 = arith.constant 0 : i32
      %dma_wait3A_178 = tpu.memref_slice %arg5[%dma_wait3A_177] : memref<3200000xi32, #tpu.memory_space<hbm>> -> memref<2000xi32, #tpu.memory_space<hbm>>
      %dma_wait3A_179 = arith.constant 0 : i32
      %dma_wait3A_180 = tpu.memref_slice %arg5[%dma_wait3A_179] : memref<3200000xi32, #tpu.memory_space<hbm>> -> memref<2000xi32, #tpu.memory_space<hbm>>
      tpu.wait_dma2 semaphore(%arg23 : memref<!tpu.dma_semaphore, #tpu.memory_space<semaphore_mem>>) src(%dma_wait3A_180 : memref<2000xi32, #tpu.memory_space<hbm>>) dst(%arg17 : memref<2000xi32, #tpu.memory_space<vmem>>)
      %mul3A_181 = arith.constant 2 : i32
      %mul3A_182 = arith.muli %mul3A_181, %scan3A_143 : i32
      %add3A_183 = arith.constant 1 : i32
      %add3A_184 = arith.addi %mul3A_182, %add3A_183 : i32
      %mul3A_185 = arith.constant 2000 : i32
      %mul3A_186 = arith.muli %add3A_184, %mul3A_185 : i32
      %add3A_187 = arith.addi %mul3A_4, %mul3A_186 : i32
      %parallel_loop3A_188 = arith.constant 0 : i32
      %parallel_loop3A_189 = arith.constant 125 : i32
      %parallel_loop3A_190 = arith.constant 1 : i32
      scf.for %parallel_loop3A_212 = %parallel_loop3A_188 to %parallel_loop3A_189 step %parallel_loop3A_190  : i32 {
        %parallel_loop3A_213 = arith.constant 16 : i32
        %parallel_loop3A_214 = arith.muli %parallel_loop3A_212, %parallel_loop3A_213 : i32
        %parallel_loop3A_215 = tpu.assume_multiple %parallel_loop3A_214, 16 : i32
        %parallel_loop3A_216 = arith.index_cast %parallel_loop3A_215 : i32 to index
        %parallel_loop3A_217 = tpu.vector_load %arg16[%parallel_loop3A_216] {strides = array<i32>} : memref<2000xi32, #tpu.memory_space<vmem>>, vector<16xi32>,
        %parallel_loop3A_218 = arith.index_cast %parallel_loop3A_215 : i32 to index
        %parallel_loop3A_219 = tpu.vector_load %arg17[%parallel_loop3A_218] {strides = array<i32>} : memref<2000xi32, #tpu.memory_space<vmem>>, vector<16xi32>,
        %parallel_loop3A_220 = tpu.vector_load_idx %arg10[%parallel_loop3A_217] : memref<100000xi32, #tpu.memory_space<vmem>>[vector<16xi32>], vector<16xi32>,
        %parallel_loop3A_221 = tpu.vector_load_idx %arg10[%parallel_loop3A_219] : memref<100000xi32, #tpu.memory_space<vmem>>[vector<16xi32>], vector<16xi32>,
        %parallel_loop3A_222 = arith.constant 16 : i32
        %parallel_loop3A_223 = vector.broadcast %parallel_loop3A_222 : i32 to vector<16xi32>
        %parallel_loop3A_224 = arith.shli %parallel_loop3A_220, %parallel_loop3A_223 : vector<16xi32>
        %parallel_loop3A_225 = vector.bitcast %parallel_loop3A_224 : vector<16xi32> to vector<16xf32>
        %parallel_loop3A_226 = arith.constant 16 : i32
        %parallel_loop3A_227 = vector.broadcast %parallel_loop3A_226 : i32 to vector<16xi32>
        %parallel_loop3A_228 = arith.shli %parallel_loop3A_221, %parallel_loop3A_227 : vector<16xi32>
        %parallel_loop3A_229 = vector.bitcast %parallel_loop3A_228 : vector<16xi32> to vector<16xf32>
        %parallel_loop3A_230 = arith.subf %parallel_loop3A_225, %parallel_loop3A_229 : vector<16xf32>
        %parallel_loop3A_231 = arith.constant 16 : i32
        %parallel_loop3A_232 = vector.broadcast %parallel_loop3A_231 : i32 to vector<16xi32>
        %parallel_loop3A_233 = arith.shrsi %parallel_loop3A_220, %parallel_loop3A_232 : vector<16xi32>
        %parallel_loop3A_234 = arith.constant 16 : i32
        %parallel_loop3A_235 = vector.broadcast %parallel_loop3A_234 : i32 to vector<16xi32>
        %parallel_loop3A_236 = arith.shli %parallel_loop3A_233, %parallel_loop3A_235 : vector<16xi32>
        %parallel_loop3A_237 = vector.bitcast %parallel_loop3A_236 : vector<16xi32> to vector<16xf32>
        %parallel_loop3A_238 = arith.constant 16 : i32
        %parallel_loop3A_239 = vector.broadcast %parallel_loop3A_238 : i32 to vector<16xi32>
        %parallel_loop3A_240 = arith.shrsi %parallel_loop3A_221, %parallel_loop3A_239 : vector<16xi32>
        %parallel_loop3A_241 = arith.constant 16 : i32
        %parallel_loop3A_242 = vector.broadcast %parallel_loop3A_241 : i32 to vector<16xi32>
        %parallel_loop3A_243 = arith.shli %parallel_loop3A_240, %parallel_loop3A_242 : vector<16xi32>
        %parallel_loop3A_244 = vector.bitcast %parallel_loop3A_243 : vector<16xi32> to vector<16xf32>
        %parallel_loop3A_245 = arith.subf %parallel_loop3A_237, %parallel_loop3A_244 : vector<16xf32>
        %parallel_loop3A_246 = arith.mulf %parallel_loop3A_230, %parallel_loop3A_230 : vector<16xf32>
        %parallel_loop3A_247 = arith.mulf %parallel_loop3A_245, %parallel_loop3A_245 : vector<16xf32>
        %parallel_loop3A_248 = arith.addf %parallel_loop3A_246, %parallel_loop3A_247 : vector<16xf32>
        %parallel_loop3A_249 = arith.index_cast %parallel_loop3A_215 : i32 to index
        %parallel_loop3A_250 = tpu.vector_load %arg18[%parallel_loop3A_249] {strides = array<i32>} : memref<2000xf32, #tpu.memory_space<vmem>>, vector<16xf32>,
        tpu.vector_store %arg18[%parallel_loop3A_249], %parallel_loop3A_248 {strides = array<i32>} : memref<2000xf32, #tpu.memory_space<vmem>>, vector<16xf32>,
      } {sc.loop_unroll_factor = 5 : i64, sc.parallel_access}
      %dma_start3A_191 = tpu.memref_slice %arg9[%add3A_187] : memref<3200000xf32, #tpu.memory_space<hbm>> -> memref<2000xf32, #tpu.memory_space<hbm>>
      %dma_start3A_192 = tpu.memref_slice %arg9[%add3A_187] : memref<3200000xf32, #tpu.memory_space<hbm>> -> memref<2000xf32, #tpu.memory_space<hbm>>
      tpu.enqueue_dma source(%arg18 : memref<2000xf32, #tpu.memory_space<vmem>>) target(%dma_start3A_192 : memref<2000xf32, #tpu.memory_space<hbm>>) target_semaphore(%arg25 : memref<!tpu.dma_semaphore, #tpu.memory_space<semaphore_mem>>)
      %mul3A_193 = arith.constant 2 : i32
      %mul3A_194 = arith.muli %mul3A_193, %scan3A_143 : i32
      %add3A_195 = arith.constant 3 : i32
      %add3A_196 = arith.addi %mul3A_194, %add3A_195 : i32
      %mul3A_197 = arith.constant 2000 : i32
      %mul3A_198 = arith.muli %add3A_196, %mul3A_197 : i32
      %add3A_199 = arith.addi %mul3A_4, %mul3A_198 : i32
      %dma_start3A_200 = tpu.memref_slice %arg4[%add3A_199] : memref<3200000xi32, #tpu.memory_space<hbm>> -> memref<2000xi32, #tpu.memory_space<hbm>>
      %dma_start3A_201 = tpu.memref_slice %arg4[%add3A_199] : memref<3200000xi32, #tpu.memory_space<hbm>> -> memref<2000xi32, #tpu.memory_space<hbm>>
      tpu.enqueue_dma source(%dma_start3A_201 : memref<2000xi32, #tpu.memory_space<hbm>>) target(%arg16 : memref<2000xi32, #tpu.memory_space<vmem>>) target_semaphore(%arg23 : memref<!tpu.dma_semaphore, #tpu.memory_space<semaphore_mem>>)
      %dma_start3A_202 = tpu.memref_slice %arg5[%add3A_199] : memref<3200000xi32, #tpu.memory_space<hbm>> -> memref<2000xi32, #tpu.memory_space<hbm>>
      %dma_start3A_203 = tpu.memref_slice %arg5[%add3A_199] : memref<3200000xi32, #tpu.memory_space<hbm>> -> memref<2000xi32, #tpu.memory_space<hbm>>
      tpu.enqueue_dma source(%dma_start3A_203 : memref<2000xi32, #tpu.memory_space<hbm>>) target(%arg17 : memref<2000xi32, #tpu.memory_space<vmem>>) target_semaphore(%arg23 : memref<!tpu.dma_semaphore, #tpu.memory_space<semaphore_mem>>)
      %dma_wait3A_204 = arith.constant 0 : i32
      %dma_wait3A_205 = tpu.memref_slice %arg9[%dma_wait3A_204] : memref<3200000xf32, #tpu.memory_space<hbm>> -> memref<2000xf32, #tpu.memory_space<hbm>>
      %dma_wait3A_206 = arith.constant 0 : i32
      %dma_wait3A_207 = tpu.memref_slice %arg9[%dma_wait3A_206] : memref<3200000xf32, #tpu.memory_space<hbm>> -> memref<2000xf32, #tpu.memory_space<hbm>>
      tpu.wait_dma2 semaphore(%arg24 : memref<!tpu.dma_semaphore, #tpu.memory_space<semaphore_mem>>) src(%dma_wait3A_207 : memref<2000xf32, #tpu.memory_space<hbm>>) dst(%arg13 : memref<2000xf32, #tpu.memory_space<vmem>>)
      %dma_wait3A_208 = arith.constant 0 : i32
      %dma_wait3A_209 = tpu.memref_slice %arg9[%dma_wait3A_208] : memref<3200000xf32, #tpu.memory_space<hbm>> -> memref<2000xf32, #tpu.memory_space<hbm>>
      %dma_wait3A_210 = arith.constant 0 : i32
      %dma_wait3A_211 = tpu.memref_slice %arg9[%dma_wait3A_210] : memref<3200000xf32, #tpu.memory_space<hbm>> -> memref<2000xf32, #tpu.memory_space<hbm>>
      tpu.wait_dma2 semaphore(%arg25 : memref<!tpu.dma_semaphore, #tpu.memory_space<semaphore_mem>>) src(%dma_wait3A_211 : memref<2000xf32, #tpu.memory_space<hbm>>) dst(%arg18 : memref<2000xf32, #tpu.memory_space<vmem>>)
    }
    %scan3A_23 = arith.constant 24 : i32
    %dma_wait3A = arith.constant 0 : i32
    %dma_wait3A_24 = tpu.memref_slice %arg4[%dma_wait3A] : memref<3200000xi32, #tpu.memory_space<hbm>> -> memref<2000xi32, #tpu.memory_space<hbm>>
    %dma_wait3A_25 = arith.constant 0 : i32
    %dma_wait3A_26 = tpu.memref_slice %arg4[%dma_wait3A_25] : memref<3200000xi32, #tpu.memory_space<hbm>> -> memref<2000xi32, #tpu.memory_space<hbm>>
    tpu.wait_dma2 semaphore(%arg22 : memref<!tpu.dma_semaphore, #tpu.memory_space<semaphore_mem>>) src(%dma_wait3A_26 : memref<2000xi32, #tpu.memory_space<hbm>>) dst(%arg11 : memref<2000xi32, #tpu.memory_space<vmem>>)
    %dma_wait3A_27 = arith.constant 0 : i32
    %dma_wait3A_28 = tpu.memref_slice %arg5[%dma_wait3A_27] : memref<3200000xi32, #tpu.memory_space<hbm>> -> memref<2000xi32, #tpu.memory_space<hbm>>
    %dma_wait3A_29 = arith.constant 0 : i32
    %dma_wait3A_30 = tpu.memref_slice %arg5[%dma_wait3A_29] : memref<3200000xi32, #tpu.memory_space<hbm>> -> memref<2000xi32, #tpu.memory_space<hbm>>
    tpu.wait_dma2 semaphore(%arg22 : memref<!tpu.dma_semaphore, #tpu.memory_space<semaphore_mem>>) src(%dma_wait3A_30 : memref<2000xi32, #tpu.memory_space<hbm>>) dst(%arg12 : memref<2000xi32, #tpu.memory_space<vmem>>)
    %add3A_31 = arith.constant 96000 : i32
    %add3A_32 = arith.addi %mul3A_4, %add3A_31 : i32
    %parallel_loop3A = arith.constant 0 : i32
    %parallel_loop3A_33 = arith.constant 125 : i32
    %parallel_loop3A_34 = arith.constant 1 : i32
    scf.for %parallel_loop3A_143 = %parallel_loop3A to %parallel_loop3A_33 step %parallel_loop3A_34  : i32 {
      %parallel_loop3A_144 = arith.constant 16 : i32
      %parallel_loop3A_145 = arith.muli %parallel_loop3A_143, %parallel_loop3A_144 : i32
      %parallel_loop3A_146 = tpu.assume_multiple %parallel_loop3A_145, 16 : i32
      %parallel_loop3A_147 = arith.index_cast %parallel_loop3A_146 : i32 to index
      %parallel_loop3A_148 = tpu.vector_load %arg11[%parallel_loop3A_147] {strides = array<i32>} : memref<2000xi32, #tpu.memory_space<vmem>>, vector<16xi32>,
      %parallel_loop3A_149 = arith.index_cast %parallel_loop3A_146 : i32 to index
      %parallel_loop3A_150 = tpu.vector_load %arg12[%parallel_loop3A_149] {strides = array<i32>} : memref<2000xi32, #tpu.memory_space<vmem>>, vector<16xi32>,
      %parallel_loop3A_151 = tpu.vector_load_idx %arg10[%parallel_loop3A_148] : memref<100000xi32, #tpu.memory_space<vmem>>[vector<16xi32>], vector<16xi32>,
      %parallel_loop3A_152 = tpu.vector_load_idx %arg10[%parallel_loop3A_150] : memref<100000xi32, #tpu.memory_space<vmem>>[vector<16xi32>], vector<16xi32>,
      %parallel_loop3A_153 = arith.constant 16 : i32
      %parallel_loop3A_154 = vector.broadcast %parallel_loop3A_153 : i32 to vector<16xi32>
      %parallel_loop3A_155 = arith.shli %parallel_loop3A_151, %parallel_loop3A_154 : vector<16xi32>
      %parallel_loop3A_156 = vector.bitcast %parallel_loop3A_155 : vector<16xi32> to vector<16xf32>
      %parallel_loop3A_157 = arith.constant 16 : i32
      %parallel_loop3A_158 = vector.broadcast %parallel_loop3A_157 : i32 to vector<16xi32>
      %parallel_loop3A_159 = arith.shli %parallel_loop3A_152, %parallel_loop3A_158 : vector<16xi32>
      %parallel_loop3A_160 = vector.bitcast %parallel_loop3A_159 : vector<16xi32> to vector<16xf32>
      %parallel_loop3A_161 = arith.subf %parallel_loop3A_156, %parallel_loop3A_160 : vector<16xf32>
      %parallel_loop3A_162 = arith.constant 16 : i32
      %parallel_loop3A_163 = vector.broadcast %parallel_loop3A_162 : i32 to vector<16xi32>
      %parallel_loop3A_164 = arith.shrsi %parallel_loop3A_151, %parallel_loop3A_163 : vector<16xi32>
      %parallel_loop3A_165 = arith.constant 16 : i32
      %parallel_loop3A_166 = vector.broadcast %parallel_loop3A_165 : i32 to vector<16xi32>
      %parallel_loop3A_167 = arith.shli %parallel_loop3A_164, %parallel_loop3A_166 : vector<16xi32>
      %parallel_loop3A_168 = vector.bitcast %parallel_loop3A_167 : vector<16xi32> to vector<16xf32>
      %parallel_loop3A_169 = arith.constant 16 : i32
      %parallel_loop3A_170 = vector.broadcast %parallel_loop3A_169 : i32 to vector<16xi32>
      %parallel_loop3A_171 = arith.shrsi %parallel_loop3A_152, %parallel_loop3A_170 : vector<16xi32>
      %parallel_loop3A_172 = arith.constant 16 : i32
      %parallel_loop3A_173 = vector.broadcast %parallel_loop3A_172 : i32 to vector<16xi32>
      %parallel_loop3A_174 = arith.shli %parallel_loop3A_171, %parallel_loop3A_173 : vector<16xi32>
      %parallel_loop3A_175 = vector.bitcast %parallel_loop3A_174 : vector<16xi32> to vector<16xf32>
      %parallel_loop3A_176 = arith.subf %parallel_loop3A_168, %parallel_loop3A_175 : vector<16xf32>
      %parallel_loop3A_177 = arith.mulf %parallel_loop3A_161, %parallel_loop3A_161 : vector<16xf32>
      %parallel_loop3A_178 = arith.mulf %parallel_loop3A_176, %parallel_loop3A_176 : vector<16xf32>
      %parallel_loop3A_179 = arith.addf %parallel_loop3A_177, %parallel_loop3A_178 : vector<16xf32>
      %parallel_loop3A_180 = arith.index_cast %parallel_loop3A_146 : i32 to index
      %parallel_loop3A_181 = tpu.vector_load %arg13[%parallel_loop3A_180] {strides = array<i32>} : memref<2000xf32, #tpu.memory_space<vmem>>, vector<16xf32>,
      tpu.vector_store %arg13[%parallel_loop3A_180], %parallel_loop3A_179 {strides = array<i32>} : memref<2000xf32, #tpu.memory_space<vmem>>, vector<16xf32>,
    } {sc.loop_unroll_factor = 5 : i64, sc.parallel_access}
    %dma_start3A_35 = tpu.memref_slice %arg9[%add3A_32] : memref<3200000xf32, #tpu.memory_space<hbm>> -> memref<2000xf32, #tpu.memory_space<hbm>>
    %dma_start3A_36 = tpu.memref_slice %arg9[%add3A_32] : memref<3200000xf32, #tpu.memory_space<hbm>> -> memref<2000xf32, #tpu.memory_space<hbm>>
    tpu.enqueue_dma source(%arg13 : memref<2000xf32, #tpu.memory_space<vmem>>) target(%dma_start3A_36 : memref<2000xf32, #tpu.memory_space<hbm>>) target_semaphore(%arg24 : memref<!tpu.dma_semaphore, #tpu.memory_space<semaphore_mem>>)
    %dma_wait3A_37 = arith.constant 0 : i32
    %dma_wait3A_38 = tpu.memref_slice %arg4[%dma_wait3A_37] : memref<3200000xi32, #tpu.memory_space<hbm>> -> memref<2000xi32, #tpu.memory_space<hbm>>
    %dma_wait3A_39 = arith.constant 0 : i32
    %dma_wait3A_40 = tpu.memref_slice %arg4[%dma_wait3A_39] : memref<3200000xi32, #tpu.memory_space<hbm>> -> memref<2000xi32, #tpu.memory_space<hbm>>
    tpu.wait_dma2 semaphore(%arg23 : memref<!tpu.dma_semaphore, #tpu.memory_space<semaphore_mem>>) src(%dma_wait3A_40 : memref<2000xi32, #tpu.memory_space<hbm>>) dst(%arg16 : memref<2000xi32, #tpu.memory_space<vmem>>)
    %dma_wait3A_41 = arith.constant 0 : i32
    %dma_wait3A_42 = tpu.memref_slice %arg5[%dma_wait3A_41] : memref<3200000xi32, #tpu.memory_space<hbm>> -> memref<2000xi32, #tpu.memory_space<hbm>>
    %dma_wait3A_43 = arith.constant 0 : i32
    %dma_wait3A_44 = tpu.memref_slice %arg5[%dma_wait3A_43] : memref<3200000xi32, #tpu.memory_space<hbm>> -> memref<2000xi32, #tpu.memory_space<hbm>>
    tpu.wait_dma2 semaphore(%arg23 : memref<!tpu.dma_semaphore, #tpu.memory_space<semaphore_mem>>) src(%dma_wait3A_44 : memref<2000xi32, #tpu.memory_space<hbm>>) dst(%arg17 : memref<2000xi32, #tpu.memory_space<vmem>>)
    %add3A_45 = arith.constant 98000 : i32
    %add3A_46 = arith.addi %mul3A_4, %add3A_45 : i32
    %parallel_loop3A_47 = arith.constant 0 : i32
    %parallel_loop3A_48 = arith.constant 125 : i32
    %parallel_loop3A_49 = arith.constant 1 : i32
    scf.for %parallel_loop3A_143 = %parallel_loop3A_47 to %parallel_loop3A_48 step %parallel_loop3A_49  : i32 {
      %parallel_loop3A_144 = arith.constant 16 : i32
      %parallel_loop3A_145 = arith.muli %parallel_loop3A_143, %parallel_loop3A_144 : i32
      %parallel_loop3A_146 = tpu.assume_multiple %parallel_loop3A_145, 16 : i32
      %parallel_loop3A_147 = arith.index_cast %parallel_loop3A_146 : i32 to index
      %parallel_loop3A_148 = tpu.vector_load %arg16[%parallel_loop3A_147] {strides = array<i32>} : memref<2000xi32, #tpu.memory_space<vmem>>, vector<16xi32>,
      %parallel_loop3A_149 = arith.index_cast %parallel_loop3A_146 : i32 to index
      %parallel_loop3A_150 = tpu.vector_load %arg17[%parallel_loop3A_149] {strides = array<i32>} : memref<2000xi32, #tpu.memory_space<vmem>>, vector<16xi32>,
      %parallel_loop3A_151 = tpu.vector_load_idx %arg10[%parallel_loop3A_148] : memref<100000xi32, #tpu.memory_space<vmem>>[vector<16xi32>], vector<16xi32>,
      %parallel_loop3A_152 = tpu.vector_load_idx %arg10[%parallel_loop3A_150] : memref<100000xi32, #tpu.memory_space<vmem>>[vector<16xi32>], vector<16xi32>,
      %parallel_loop3A_153 = arith.constant 16 : i32
      %parallel_loop3A_154 = vector.broadcast %parallel_loop3A_153 : i32 to vector<16xi32>
      %parallel_loop3A_155 = arith.shli %parallel_loop3A_151, %parallel_loop3A_154 : vector<16xi32>
      %parallel_loop3A_156 = vector.bitcast %parallel_loop3A_155 : vector<16xi32> to vector<16xf32>
      %parallel_loop3A_157 = arith.constant 16 : i32
      %parallel_loop3A_158 = vector.broadcast %parallel_loop3A_157 : i32 to vector<16xi32>
      %parallel_loop3A_159 = arith.shli %parallel_loop3A_152, %parallel_loop3A_158 : vector<16xi32>
      %parallel_loop3A_160 = vector.bitcast %parallel_loop3A_159 : vector<16xi32> to vector<16xf32>
      %parallel_loop3A_161 = arith.subf %parallel_loop3A_156, %parallel_loop3A_160 : vector<16xf32>
      %parallel_loop3A_162 = arith.constant 16 : i32
      %parallel_loop3A_163 = vector.broadcast %parallel_loop3A_162 : i32 to vector<16xi32>
      %parallel_loop3A_164 = arith.shrsi %parallel_loop3A_151, %parallel_loop3A_163 : vector<16xi32>
      %parallel_loop3A_165 = arith.constant 16 : i32
      %parallel_loop3A_166 = vector.broadcast %parallel_loop3A_165 : i32 to vector<16xi32>
      %parallel_loop3A_167 = arith.shli %parallel_loop3A_164, %parallel_loop3A_166 : vector<16xi32>
      %parallel_loop3A_168 = vector.bitcast %parallel_loop3A_167 : vector<16xi32> to vector<16xf32>
      %parallel_loop3A_169 = arith.constant 16 : i32
      %parallel_loop3A_170 = vector.broadcast %parallel_loop3A_169 : i32 to vector<16xi32>
      %parallel_loop3A_171 = arith.shrsi %parallel_loop3A_152, %parallel_loop3A_170 : vector<16xi32>
      %parallel_loop3A_172 = arith.constant 16 : i32
      %parallel_loop3A_173 = vector.broadcast %parallel_loop3A_172 : i32 to vector<16xi32>
      %parallel_loop3A_174 = arith.shli %parallel_loop3A_171, %parallel_loop3A_173 : vector<16xi32>
      %parallel_loop3A_175 = vector.bitcast %parallel_loop3A_174 : vector<16xi32> to vector<16xf32>
      %parallel_loop3A_176 = arith.subf %parallel_loop3A_168, %parallel_loop3A_175 : vector<16xf32>
      %parallel_loop3A_177 = arith.mulf %parallel_loop3A_161, %parallel_loop3A_161 : vector<16xf32>
      %parallel_loop3A_178 = arith.mulf %parallel_loop3A_176, %parallel_loop3A_176 : vector<16xf32>
      %parallel_loop3A_179 = arith.addf %parallel_loop3A_177, %parallel_loop3A_178 : vector<16xf32>
      %parallel_loop3A_180 = arith.index_cast %parallel_loop3A_146 : i32 to index
      %parallel_loop3A_181 = tpu.vector_load %arg18[%parallel_loop3A_180] {strides = array<i32>} : memref<2000xf32, #tpu.memory_space<vmem>>, vector<16xf32>,
      tpu.vector_store %arg18[%parallel_loop3A_180], %parallel_loop3A_179 {strides = array<i32>} : memref<2000xf32, #tpu.memory_space<vmem>>, vector<16xf32>,
    } {sc.loop_unroll_factor = 5 : i64, sc.parallel_access}
    %dma_start3A_50 = tpu.memref_slice %arg9[%add3A_46] : memref<3200000xf32, #tpu.memory_space<hbm>> -> memref<2000xf32, #tpu.memory_space<hbm>>
    %dma_start3A_51 = tpu.memref_slice %arg9[%add3A_46] : memref<3200000xf32, #tpu.memory_space<hbm>> -> memref<2000xf32, #tpu.memory_space<hbm>>
    tpu.enqueue_dma source(%arg18 : memref<2000xf32, #tpu.memory_space<vmem>>) target(%dma_start3A_51 : memref<2000xf32, #tpu.memory_space<hbm>>) target_semaphore(%arg25 : memref<!tpu.dma_semaphore, #tpu.memory_space<semaphore_mem>>)
    %dma_wait3A_52 = arith.constant 0 : i32
    %dma_wait3A_53 = tpu.memref_slice %arg9[%dma_wait3A_52] : memref<3200000xf32, #tpu.memory_space<hbm>> -> memref<2000xf32, #tpu.memory_space<hbm>>
    %dma_wait3A_54 = arith.constant 0 : i32
    %dma_wait3A_55 = tpu.memref_slice %arg9[%dma_wait3A_54] : memref<3200000xf32, #tpu.memory_space<hbm>> -> memref<2000xf32, #tpu.memory_space<hbm>>
    tpu.wait_dma2 semaphore(%arg24 : memref<!tpu.dma_semaphore, #tpu.memory_space<semaphore_mem>>) src(%dma_wait3A_55 : memref<2000xf32, #tpu.memory_space<hbm>>) dst(%arg13 : memref<2000xf32, #tpu.memory_space<vmem>>)
    %dma_wait3A_56 = arith.constant 0 : i32
    %dma_wait3A_57 = tpu.memref_slice %arg9[%dma_wait3A_56] : memref<3200000xf32, #tpu.memory_space<hbm>> -> memref<2000xf32, #tpu.memory_space<hbm>>
    %dma_wait3A_58 = arith.constant 0 : i32
    %dma_wait3A_59 = tpu.memref_slice %arg9[%dma_wait3A_58] : memref<3200000xf32, #tpu.memory_space<hbm>> -> memref<2000xf32, #tpu.memory_space<hbm>>
    tpu.wait_dma2 semaphore(%arg25 : memref<!tpu.dma_semaphore, #tpu.memory_space<semaphore_mem>>) src(%dma_wait3A_59 : memref<2000xf32, #tpu.memory_space<hbm>>) dst(%arg18 : memref<2000xf32, #tpu.memory_space<vmem>>)
    "tpu.region"() ({
      %run_scoped3A = tpu.sem_alloc : memref<!tpu.dma_semaphore, #tpu.memory_space<semaphore_mem>>
      tpu.enqueue_dma source(%arg3 : memref<100000xi32, #tpu.memory_space<hbm>>) target(%arg10 : memref<100000xi32, #tpu.memory_space<vmem>>) target_semaphore(%run_scoped3A : memref<!tpu.dma_semaphore, #tpu.memory_space<semaphore_mem>>)
      tpu.wait_dma2 semaphore(%run_scoped3A : memref<!tpu.dma_semaphore, #tpu.memory_space<semaphore_mem>>) src(%arg3 : memref<100000xi32, #tpu.memory_space<hbm>>) dst(%arg10 : memref<100000xi32, #tpu.memory_space<vmem>>)
      tpu.yield
    }) : () -> ()
    %add3A_60 = arith.constant 0 : i32
    %add3A_61 = arith.addi %mul3A_4, %add3A_60 : i32
    %dma_start3A_62 = tpu.memref_slice %arg4[%add3A_61] : memref<3200000xi32, #tpu.memory_space<hbm>> -> memref<2000xi32, #tpu.memory_space<hbm>>
    %dma_start3A_63 = tpu.memref_slice %arg4[%add3A_61] : memref<3200000xi32, #tpu.memory_space<hbm>> -> memref<2000xi32, #tpu.memory_space<hbm>>
    tpu.enqueue_dma source(%dma_start3A_63 : memref<2000xi32, #tpu.memory_space<hbm>>) target(%arg11 : memref<2000xi32, #tpu.memory_space<vmem>>) target_semaphore(%arg22 : memref<!tpu.dma_semaphore, #tpu.memory_space<semaphore_mem>>)
    %dma_start3A_64 = tpu.memref_slice %arg5[%add3A_61] : memref<3200000xi32, #tpu.memory_space<hbm>> -> memref<2000xi32, #tpu.memory_space<hbm>>
    %dma_start3A_65 = tpu.memref_slice %arg5[%add3A_61] : memref<3200000xi32, #tpu.memory_space<hbm>> -> memref<2000xi32, #tpu.memory_space<hbm>>
    tpu.enqueue_dma source(%dma_start3A_65 : memref<2000xi32, #tpu.memory_space<hbm>>) target(%arg12 : memref<2000xi32, #tpu.memory_space<vmem>>) target_semaphore(%arg22 : memref<!tpu.dma_semaphore, #tpu.memory_space<semaphore_mem>>)
    %dma_start3A_66 = tpu.memref_slice %arg9[%add3A_61] : memref<3200000xf32, #tpu.memory_space<hbm>> -> memref<2000xf32, #tpu.memory_space<hbm>>
    %dma_start3A_67 = tpu.memref_slice %arg9[%add3A_61] : memref<3200000xf32, #tpu.memory_space<hbm>> -> memref<2000xf32, #tpu.memory_space<hbm>>
    tpu.enqueue_dma source(%dma_start3A_67 : memref<2000xf32, #tpu.memory_space<hbm>>) target(%arg13 : memref<2000xf32, #tpu.memory_space<vmem>>) target_semaphore(%arg22 : memref<!tpu.dma_semaphore, #tpu.memory_space<semaphore_mem>>)
    %dma_start3A_68 = tpu.memref_slice %arg6[%add3A_61] : memref<3200000xf32, #tpu.memory_space<hbm>> -> memref<2000xf32, #tpu.memory_space<hbm>>
    %dma_start3A_69 = tpu.memref_slice %arg6[%add3A_61] : memref<3200000xf32, #tpu.memory_space<hbm>> -> memref<2000xf32, #tpu.memory_space<hbm>>
    tpu.enqueue_dma source(%dma_start3A_69 : memref<2000xf32, #tpu.memory_space<hbm>>) target(%arg14 : memref<2000xf32, #tpu.memory_space<vmem>>) target_semaphore(%arg22 : memref<!tpu.dma_semaphore, #tpu.memory_space<semaphore_mem>>)
    %dma_start3A_70 = tpu.memref_slice %arg7[%add3A_61] : memref<3200000xf32, #tpu.memory_space<hbm>> -> memref<2000xf32, #tpu.memory_space<hbm>>
    %dma_start3A_71 = tpu.memref_slice %arg7[%add3A_61] : memref<3200000xf32, #tpu.memory_space<hbm>> -> memref<2000xf32, #tpu.memory_space<hbm>>
    tpu.enqueue_dma source(%dma_start3A_71 : memref<2000xf32, #tpu.memory_space<hbm>>) target(%arg15 : memref<2000xf32, #tpu.memory_space<vmem>>) target_semaphore(%arg22 : memref<!tpu.dma_semaphore, #tpu.memory_space<semaphore_mem>>)
    %add3A_72 = arith.constant 2000 : i32
    %add3A_73 = arith.addi %mul3A_4, %add3A_72 : i32
    %dma_start3A_74 = tpu.memref_slice %arg4[%add3A_73] : memref<3200000xi32, #tpu.memory_space<hbm>> -> memref<2000xi32, #tpu.memory_space<hbm>>
    %dma_start3A_75 = tpu.memref_slice %arg4[%add3A_73] : memref<3200000xi32, #tpu.memory_space<hbm>> -> memref<2000xi32, #tpu.memory_space<hbm>>
    tpu.enqueue_dma source(%dma_start3A_75 : memref<2000xi32, #tpu.memory_space<hbm>>) target(%arg16 : memref<2000xi32, #tpu.memory_space<vmem>>) target_semaphore(%arg23 : memref<!tpu.dma_semaphore, #tpu.memory_space<semaphore_mem>>)
    %dma_start3A_76 = tpu.memref_slice %arg5[%add3A_73] : memref<3200000xi32, #tpu.memory_space<hbm>> -> memref<2000xi32, #tpu.memory_space<hbm>>
    %dma_start3A_77 = tpu.memref_slice %arg5[%add3A_73] : memref<3200000xi32, #tpu.memory_space<hbm>> -> memref<2000xi32, #tpu.memory_space<hbm>>
    tpu.enqueue_dma source(%dma_start3A_77 : memref<2000xi32, #tpu.memory_space<hbm>>) target(%arg17 : memref<2000xi32, #tpu.memory_space<vmem>>) target_semaphore(%arg23 : memref<!tpu.dma_semaphore, #tpu.memory_space<semaphore_mem>>)
    %dma_start3A_78 = tpu.memref_slice %arg9[%add3A_73] : memref<3200000xf32, #tpu.memory_space<hbm>> -> memref<2000xf32, #tpu.memory_space<hbm>>
    %dma_start3A_79 = tpu.memref_slice %arg9[%add3A_73] : memref<3200000xf32, #tpu.memory_space<hbm>> -> memref<2000xf32, #tpu.memory_space<hbm>>
    tpu.enqueue_dma source(%dma_start3A_79 : memref<2000xf32, #tpu.memory_space<hbm>>) target(%arg18 : memref<2000xf32, #tpu.memory_space<vmem>>) target_semaphore(%arg23 : memref<!tpu.dma_semaphore, #tpu.memory_space<semaphore_mem>>)
    %dma_start3A_80 = tpu.memref_slice %arg6[%add3A_73] : memref<3200000xf32, #tpu.memory_space<hbm>> -> memref<2000xf32, #tpu.memory_space<hbm>>
    %dma_start3A_81 = tpu.memref_slice %arg6[%add3A_73] : memref<3200000xf32, #tpu.memory_space<hbm>> -> memref<2000xf32, #tpu.memory_space<hbm>>
    tpu.enqueue_dma source(%dma_start3A_81 : memref<2000xf32, #tpu.memory_space<hbm>>) target(%arg19 : memref<2000xf32, #tpu.memory_space<vmem>>) target_semaphore(%arg23 : memref<!tpu.dma_semaphore, #tpu.memory_space<semaphore_mem>>)
    %dma_start3A_82 = tpu.memref_slice %arg7[%add3A_73] : memref<3200000xf32, #tpu.memory_space<hbm>> -> memref<2000xf32, #tpu.memory_space<hbm>>
    %dma_start3A_83 = tpu.memref_slice %arg7[%add3A_73] : memref<3200000xf32, #tpu.memory_space<hbm>> -> memref<2000xf32, #tpu.memory_space<hbm>>
    tpu.enqueue_dma source(%dma_start3A_83 : memref<2000xf32, #tpu.memory_space<hbm>>) target(%arg20 : memref<2000xf32, #tpu.memory_space<vmem>>) target_semaphore(%arg23 : memref<!tpu.dma_semaphore, #tpu.memory_space<semaphore_mem>>)
    %broadcast_in_dim3A = arith.constant 0.000000e+00 : f32
    %broadcast_in_dim3A_84 = vector.broadcast %broadcast_in_dim3A : f32 to vector<16xf32>
    %scan3A_85 = arith.constant 0 : i32
    %scan3A_86 = arith.constant 24 : i32
    %scan3A_87 = arith.addi %scan3A_85, %scan3A_86 : i32
    %scan3A_88 = arith.constant 1 : i32
    %scan3A_89 = scf.for %scan3A_143 = %scan3A_85 to %scan3A_87 step %scan3A_88 iter_args(%scan3A_144 = %broadcast_in_dim3A_84) -> (vector<16xf32>)  : i32 {
      %dma_wait3A_145 = arith.constant 0 : i32
      %dma_wait3A_146 = tpu.memref_slice %arg4[%dma_wait3A_145] : memref<3200000xi32, #tpu.memory_space<hbm>> -> memref<2000xi32, #tpu.memory_space<hbm>>
      %dma_wait3A_147 = arith.constant 0 : i32
      %dma_wait3A_148 = tpu.memref_slice %arg4[%dma_wait3A_147] : memref<3200000xi32, #tpu.memory_space<hbm>> -> memref<2000xi32, #tpu.memory_space<hbm>>
      tpu.wait_dma2 semaphore(%arg22 : memref<!tpu.dma_semaphore, #tpu.memory_space<semaphore_mem>>) src(%dma_wait3A_148 : memref<2000xi32, #tpu.memory_space<hbm>>) dst(%arg11 : memref<2000xi32, #tpu.memory_space<vmem>>)
      %dma_wait3A_149 = arith.constant 0 : i32
      %dma_wait3A_150 = tpu.memref_slice %arg5[%dma_wait3A_149] : memref<3200000xi32, #tpu.memory_space<hbm>> -> memref<2000xi32, #tpu.memory_space<hbm>>
      %dma_wait3A_151 = arith.constant 0 : i32
      %dma_wait3A_152 = tpu.memref_slice %arg5[%dma_wait3A_151] : memref<3200000xi32, #tpu.memory_space<hbm>> -> memref<2000xi32, #tpu.memory_space<hbm>>
      tpu.wait_dma2 semaphore(%arg22 : memref<!tpu.dma_semaphore, #tpu.memory_space<semaphore_mem>>) src(%dma_wait3A_152 : memref<2000xi32, #tpu.memory_space<hbm>>) dst(%arg12 : memref<2000xi32, #tpu.memory_space<vmem>>)
      %dma_wait3A_153 = arith.constant 0 : i32
      %dma_wait3A_154 = tpu.memref_slice %arg9[%dma_wait3A_153] : memref<3200000xf32, #tpu.memory_space<hbm>> -> memref<2000xf32, #tpu.memory_space<hbm>>
      %dma_wait3A_155 = arith.constant 0 : i32
      %dma_wait3A_156 = tpu.memref_slice %arg9[%dma_wait3A_155] : memref<3200000xf32, #tpu.memory_space<hbm>> -> memref<2000xf32, #tpu.memory_space<hbm>>
      tpu.wait_dma2 semaphore(%arg22 : memref<!tpu.dma_semaphore, #tpu.memory_space<semaphore_mem>>) src(%dma_wait3A_156 : memref<2000xf32, #tpu.memory_space<hbm>>) dst(%arg13 : memref<2000xf32, #tpu.memory_space<vmem>>)
      %dma_wait3A_157 = arith.constant 0 : i32
      %dma_wait3A_158 = tpu.memref_slice %arg6[%dma_wait3A_157] : memref<3200000xf32, #tpu.memory_space<hbm>> -> memref<2000xf32, #tpu.memory_space<hbm>>
      %dma_wait3A_159 = arith.constant 0 : i32
      %dma_wait3A_160 = tpu.memref_slice %arg6[%dma_wait3A_159] : memref<3200000xf32, #tpu.memory_space<hbm>> -> memref<2000xf32, #tpu.memory_space<hbm>>
      tpu.wait_dma2 semaphore(%arg22 : memref<!tpu.dma_semaphore, #tpu.memory_space<semaphore_mem>>) src(%dma_wait3A_160 : memref<2000xf32, #tpu.memory_space<hbm>>) dst(%arg14 : memref<2000xf32, #tpu.memory_space<vmem>>)
      %dma_wait3A_161 = arith.constant 0 : i32
      %dma_wait3A_162 = tpu.memref_slice %arg7[%dma_wait3A_161] : memref<3200000xf32, #tpu.memory_space<hbm>> -> memref<2000xf32, #tpu.memory_space<hbm>>
      %dma_wait3A_163 = arith.constant 0 : i32
      %dma_wait3A_164 = tpu.memref_slice %arg7[%dma_wait3A_163] : memref<3200000xf32, #tpu.memory_space<hbm>> -> memref<2000xf32, #tpu.memory_space<hbm>>
      tpu.wait_dma2 semaphore(%arg22 : memref<!tpu.dma_semaphore, #tpu.memory_space<semaphore_mem>>) src(%dma_wait3A_164 : memref<2000xf32, #tpu.memory_space<hbm>>) dst(%arg15 : memref<2000xf32, #tpu.memory_space<vmem>>)
      %parallel_loop3A_165 = arith.constant 0 : i32
      %parallel_loop3A_166 = arith.constant 125 : i32
      %parallel_loop3A_167 = arith.constant 1 : i32
      %parallel_loop3A_168 = scf.for %parallel_loop3A_227 = %parallel_loop3A_165 to %parallel_loop3A_166 step %parallel_loop3A_167 iter_args(%parallel_loop3A_228 = %scan3A_144) -> (vector<16xf32>)  : i32 {
        %parallel_loop3A_229 = arith.constant 16 : i32
        %parallel_loop3A_230 = arith.muli %parallel_loop3A_227, %parallel_loop3A_229 : i32
        %parallel_loop3A_231 = tpu.assume_multiple %parallel_loop3A_230, 16 : i32
        %parallel_loop3A_232 = arith.index_cast %parallel_loop3A_231 : i32 to index
        %parallel_loop3A_233 = tpu.vector_load %arg11[%parallel_loop3A_232] {strides = array<i32>} : memref<2000xi32, #tpu.memory_space<vmem>>, vector<16xi32>,
        %parallel_loop3A_234 = arith.index_cast %parallel_loop3A_231 : i32 to index
        %parallel_loop3A_235 = tpu.vector_load %arg12[%parallel_loop3A_234] {strides = array<i32>} : memref<2000xi32, #tpu.memory_space<vmem>>, vector<16xi32>,
        %parallel_loop3A_236 = tpu.vector_load_idx %arg10[%parallel_loop3A_233] : memref<100000xi32, #tpu.memory_space<vmem>>[vector<16xi32>], vector<16xi32>,
        %parallel_loop3A_237 = vector.bitcast %parallel_loop3A_236 : vector<16xi32> to vector<16xf32>
        %parallel_loop3A_238 = tpu.vector_load_idx %arg10[%parallel_loop3A_235] : memref<100000xi32, #tpu.memory_space<vmem>>[vector<16xi32>], vector<16xi32>,
        %parallel_loop3A_239 = vector.bitcast %parallel_loop3A_238 : vector<16xi32> to vector<16xf32>
        %parallel_loop3A_240 = arith.subf %parallel_loop3A_237, %parallel_loop3A_239 : vector<16xf32>
        %parallel_loop3A_241 = arith.index_cast %parallel_loop3A_231 : i32 to index
        %parallel_loop3A_242 = tpu.vector_load %arg13[%parallel_loop3A_241] {strides = array<i32>} : memref<2000xf32, #tpu.memory_space<vmem>>, vector<16xf32>,
        %parallel_loop3A_243 = arith.mulf %parallel_loop3A_240, %parallel_loop3A_240 : vector<16xf32>
        %parallel_loop3A_244 = arith.addf %parallel_loop3A_242, %parallel_loop3A_243 : vector<16xf32>
        %parallel_loop3A_245 = arith.constant 9.99999996E-13 : f32
        %parallel_loop3A_246 = vector.broadcast %parallel_loop3A_245 : f32 to vector<16xf32>
        %parallel_loop3A_247 = arith.maximumf %parallel_loop3A_244, %parallel_loop3A_246 : vector<16xf32>
        %parallel_loop3A_248 = vector.bitcast %parallel_loop3A_247 : vector<16xf32> to vector<16xi32>
        %parallel_loop3A_249 = arith.constant 1 : i32
        %parallel_loop3A_250 = vector.broadcast %parallel_loop3A_249 : i32 to vector<16xi32>
        %parallel_loop3A_251 = arith.shrsi %parallel_loop3A_248, %parallel_loop3A_250 : vector<16xi32>
        %parallel_loop3A_252 = arith.constant 1597463007 : i32
        %parallel_loop3A_253 = vector.broadcast %parallel_loop3A_252 : i32 to vector<16xi32>
        %parallel_loop3A_254 = arith.subi %parallel_loop3A_253, %parallel_loop3A_251 : vector<16xi32>
        %parallel_loop3A_255 = vector.bitcast %parallel_loop3A_254 : vector<16xi32> to vector<16xf32>
        %parallel_loop3A_256 = arith.constant 5.000000e-01 : f32
        %parallel_loop3A_257 = vector.broadcast %parallel_loop3A_256 : f32 to vector<16xf32>
        %parallel_loop3A_258 = arith.mulf %parallel_loop3A_257, %parallel_loop3A_247 : vector<16xf32>
        %parallel_loop3A_259 = arith.mulf %parallel_loop3A_258, %parallel_loop3A_255 : vector<16xf32>
        %parallel_loop3A_260 = arith.mulf %parallel_loop3A_259, %parallel_loop3A_255 : vector<16xf32>
        %parallel_loop3A_261 = arith.constant 1.500000e+00 : f32
        %parallel_loop3A_262 = vector.broadcast %parallel_loop3A_261 : f32 to vector<16xf32>
        %parallel_loop3A_263 = arith.subf %parallel_loop3A_262, %parallel_loop3A_260 : vector<16xf32>
        %parallel_loop3A_264 = arith.mulf %parallel_loop3A_255, %parallel_loop3A_263 : vector<16xf32>
        %parallel_loop3A_265 = arith.mulf %parallel_loop3A_258, %parallel_loop3A_264 : vector<16xf32>
        %parallel_loop3A_266 = arith.mulf %parallel_loop3A_265, %parallel_loop3A_264 : vector<16xf32>
        %parallel_loop3A_267 = arith.constant 1.500000e+00 : f32
        %parallel_loop3A_268 = vector.broadcast %parallel_loop3A_267 : f32 to vector<16xf32>
        %parallel_loop3A_269 = arith.subf %parallel_loop3A_268, %parallel_loop3A_266 : vector<16xf32>
        %parallel_loop3A_270 = arith.mulf %parallel_loop3A_264, %parallel_loop3A_269 : vector<16xf32>
        %parallel_loop3A_271 = arith.mulf %parallel_loop3A_247, %parallel_loop3A_270 : vector<16xf32>
        %parallel_loop3A_272 = arith.index_cast %parallel_loop3A_231 : i32 to index
        %parallel_loop3A_273 = tpu.vector_load %arg14[%parallel_loop3A_272] {strides = array<i32>} : memref<2000xf32, #tpu.memory_space<vmem>>, vector<16xf32>,
        %parallel_loop3A_274 = arith.subf %parallel_loop3A_271, %parallel_loop3A_273 : vector<16xf32>
        %parallel_loop3A_275 = arith.mulf %parallel_loop3A_274, %parallel_loop3A_274 : vector<16xf32>
        %parallel_loop3A_276 = arith.index_cast %parallel_loop3A_231 : i32 to index
        %parallel_loop3A_277 = tpu.vector_load %arg15[%parallel_loop3A_276] {strides = array<i32>} : memref<2000xf32, #tpu.memory_space<vmem>>, vector<16xf32>,
        %parallel_loop3A_278 = arith.mulf %parallel_loop3A_275, %parallel_loop3A_277 : vector<16xf32>
        %parallel_loop3A_279 = arith.addf %parallel_loop3A_228, %parallel_loop3A_278 : vector<16xf32>
        scf.yield %parallel_loop3A_279 : vector<16xf32>
      } {sc.loop_unroll_factor = 5 : i64, sc.parallel_access}
      %mul3A_169 = arith.constant 2 : i32
      %mul3A_170 = arith.muli %mul3A_169, %scan3A_143 : i32
      %add3A_171 = arith.constant 2 : i32
      %add3A_172 = arith.addi %mul3A_170, %add3A_171 : i32
      %mul3A_173 = arith.constant 2000 : i32
      %mul3A_174 = arith.muli %add3A_172, %mul3A_173 : i32
      %add3A_175 = arith.addi %mul3A_4, %mul3A_174 : i32
      %dma_start3A_176 = tpu.memref_slice %arg4[%add3A_175] : memref<3200000xi32, #tpu.memory_space<hbm>> -> memref<2000xi32, #tpu.memory_space<hbm>>
      %dma_start3A_177 = tpu.memref_slice %arg4[%add3A_175] : memref<3200000xi32, #tpu.memory_space<hbm>> -> memref<2000xi32, #tpu.memory_space<hbm>>
      tpu.enqueue_dma source(%dma_start3A_177 : memref<2000xi32, #tpu.memory_space<hbm>>) target(%arg11 : memref<2000xi32, #tpu.memory_space<vmem>>) target_semaphore(%arg22 : memref<!tpu.dma_semaphore, #tpu.memory_space<semaphore_mem>>)
      %dma_start3A_178 = tpu.memref_slice %arg5[%add3A_175] : memref<3200000xi32, #tpu.memory_space<hbm>> -> memref<2000xi32, #tpu.memory_space<hbm>>
      %dma_start3A_179 = tpu.memref_slice %arg5[%add3A_175] : memref<3200000xi32, #tpu.memory_space<hbm>> -> memref<2000xi32, #tpu.memory_space<hbm>>
      tpu.enqueue_dma source(%dma_start3A_179 : memref<2000xi32, #tpu.memory_space<hbm>>) target(%arg12 : memref<2000xi32, #tpu.memory_space<vmem>>) target_semaphore(%arg22 : memref<!tpu.dma_semaphore, #tpu.memory_space<semaphore_mem>>)
      %dma_start3A_180 = tpu.memref_slice %arg9[%add3A_175] : memref<3200000xf32, #tpu.memory_space<hbm>> -> memref<2000xf32, #tpu.memory_space<hbm>>
      %dma_start3A_181 = tpu.memref_slice %arg9[%add3A_175] : memref<3200000xf32, #tpu.memory_space<hbm>> -> memref<2000xf32, #tpu.memory_space<hbm>>
      tpu.enqueue_dma source(%dma_start3A_181 : memref<2000xf32, #tpu.memory_space<hbm>>) target(%arg13 : memref<2000xf32, #tpu.memory_space<vmem>>) target_semaphore(%arg22 : memref<!tpu.dma_semaphore, #tpu.memory_space<semaphore_mem>>)
      %dma_start3A_182 = tpu.memref_slice %arg6[%add3A_175] : memref<3200000xf32, #tpu.memory_space<hbm>> -> memref<2000xf32, #tpu.memory_space<hbm>>
      %dma_start3A_183 = tpu.memref_slice %arg6[%add3A_175] : memref<3200000xf32, #tpu.memory_space<hbm>> -> memref<2000xf32, #tpu.memory_space<hbm>>
      tpu.enqueue_dma source(%dma_start3A_183 : memref<2000xf32, #tpu.memory_space<hbm>>) target(%arg14 : memref<2000xf32, #tpu.memory_space<vmem>>) target_semaphore(%arg22 : memref<!tpu.dma_semaphore, #tpu.memory_space<semaphore_mem>>)
      %dma_start3A_184 = tpu.memref_slice %arg7[%add3A_175] : memref<3200000xf32, #tpu.memory_space<hbm>> -> memref<2000xf32, #tpu.memory_space<hbm>>
      %dma_start3A_185 = tpu.memref_slice %arg7[%add3A_175] : memref<3200000xf32, #tpu.memory_space<hbm>> -> memref<2000xf32, #tpu.memory_space<hbm>>
      tpu.enqueue_dma source(%dma_start3A_185 : memref<2000xf32, #tpu.memory_space<hbm>>) target(%arg15 : memref<2000xf32, #tpu.memory_space<vmem>>) target_semaphore(%arg22 : memref<!tpu.dma_semaphore, #tpu.memory_space<semaphore_mem>>)
      %dma_wait3A_186 = arith.constant 0 : i32
      %dma_wait3A_187 = tpu.memref_slice %arg4[%dma_wait3A_186] : memref<3200000xi32, #tpu.memory_space<hbm>> -> memref<2000xi32, #tpu.memory_space<hbm>>
      %dma_wait3A_188 = arith.constant 0 : i32
      %dma_wait3A_189 = tpu.memref_slice %arg4[%dma_wait3A_188] : memref<3200000xi32, #tpu.memory_space<hbm>> -> memref<2000xi32, #tpu.memory_space<hbm>>
      tpu.wait_dma2 semaphore(%arg23 : memref<!tpu.dma_semaphore, #tpu.memory_space<semaphore_mem>>) src(%dma_wait3A_189 : memref<2000xi32, #tpu.memory_space<hbm>>) dst(%arg16 : memref<2000xi32, #tpu.memory_space<vmem>>)
      %dma_wait3A_190 = arith.constant 0 : i32
      %dma_wait3A_191 = tpu.memref_slice %arg5[%dma_wait3A_190] : memref<3200000xi32, #tpu.memory_space<hbm>> -> memref<2000xi32, #tpu.memory_space<hbm>>
      %dma_wait3A_192 = arith.constant 0 : i32
      %dma_wait3A_193 = tpu.memref_slice %arg5[%dma_wait3A_192] : memref<3200000xi32, #tpu.memory_space<hbm>> -> memref<2000xi32, #tpu.memory_space<hbm>>
      tpu.wait_dma2 semaphore(%arg23 : memref<!tpu.dma_semaphore, #tpu.memory_space<semaphore_mem>>) src(%dma_wait3A_193 : memref<2000xi32, #tpu.memory_space<hbm>>) dst(%arg17 : memref<2000xi32, #tpu.memory_space<vmem>>)
      %dma_wait3A_194 = arith.constant 0 : i32
      %dma_wait3A_195 = tpu.memref_slice %arg9[%dma_wait3A_194] : memref<3200000xf32, #tpu.memory_space<hbm>> -> memref<2000xf32, #tpu.memory_space<hbm>>
      %dma_wait3A_196 = arith.constant 0 : i32
      %dma_wait3A_197 = tpu.memref_slice %arg9[%dma_wait3A_196] : memref<3200000xf32, #tpu.memory_space<hbm>> -> memref<2000xf32, #tpu.memory_space<hbm>>
      tpu.wait_dma2 semaphore(%arg23 : memref<!tpu.dma_semaphore, #tpu.memory_space<semaphore_mem>>) src(%dma_wait3A_197 : memref<2000xf32, #tpu.memory_space<hbm>>) dst(%arg18 : memref<2000xf32, #tpu.memory_space<vmem>>)
      %dma_wait3A_198 = arith.constant 0 : i32
      %dma_wait3A_199 = tpu.memref_slice %arg6[%dma_wait3A_198] : memref<3200000xf32, #tpu.memory_space<hbm>> -> memref<2000xf32, #tpu.memory_space<hbm>>
      %dma_wait3A_200 = arith.constant 0 : i32
      %dma_wait3A_201 = tpu.memref_slice %arg6[%dma_wait3A_200] : memref<3200000xf32, #tpu.memory_space<hbm>> -> memref<2000xf32, #tpu.memory_space<hbm>>
      tpu.wait_dma2 semaphore(%arg23 : memref<!tpu.dma_semaphore, #tpu.memory_space<semaphore_mem>>) src(%dma_wait3A_201 : memref<2000xf32, #tpu.memory_space<hbm>>) dst(%arg19 : memref<2000xf32, #tpu.memory_space<vmem>>)
      %dma_wait3A_202 = arith.constant 0 : i32
      %dma_wait3A_203 = tpu.memref_slice %arg7[%dma_wait3A_202] : memref<3200000xf32, #tpu.memory_space<hbm>> -> memref<2000xf32, #tpu.memory_space<hbm>>
      %dma_wait3A_204 = arith.constant 0 : i32
      %dma_wait3A_205 = tpu.memref_slice %arg7[%dma_wait3A_204] : memref<3200000xf32, #tpu.memory_space<hbm>> -> memref<2000xf32, #tpu.memory_space<hbm>>
      tpu.wait_dma2 semaphore(%arg23 : memref<!tpu.dma_semaphore, #tpu.memory_space<semaphore_mem>>) src(%dma_wait3A_205 : memref<2000xf32, #tpu.memory_space<hbm>>) dst(%arg20 : memref<2000xf32, #tpu.memory_space<vmem>>)
      %parallel_loop3A_206 = arith.constant 0 : i32
      %parallel_loop3A_207 = arith.constant 125 : i32
      %parallel_loop3A_208 = arith.constant 1 : i32
      %parallel_loop3A_209 = scf.for %parallel_loop3A_227 = %parallel_loop3A_206 to %parallel_loop3A_207 step %parallel_loop3A_208 iter_args(%parallel_loop3A_228 = %parallel_loop3A_168) -> (vector<16xf32>)  : i32 {
        %parallel_loop3A_229 = arith.constant 16 : i32
        %parallel_loop3A_230 = arith.muli %parallel_loop3A_227, %parallel_loop3A_229 : i32
        %parallel_loop3A_231 = tpu.assume_multiple %parallel_loop3A_230, 16 : i32
        %parallel_loop3A_232 = arith.index_cast %parallel_loop3A_231 : i32 to index
        %parallel_loop3A_233 = tpu.vector_load %arg16[%parallel_loop3A_232] {strides = array<i32>} : memref<2000xi32, #tpu.memory_space<vmem>>, vector<16xi32>,
        %parallel_loop3A_234 = arith.index_cast %parallel_loop3A_231 : i32 to index
        %parallel_loop3A_235 = tpu.vector_load %arg17[%parallel_loop3A_234] {strides = array<i32>} : memref<2000xi32, #tpu.memory_space<vmem>>, vector<16xi32>,
        %parallel_loop3A_236 = tpu.vector_load_idx %arg10[%parallel_loop3A_233] : memref<100000xi32, #tpu.memory_space<vmem>>[vector<16xi32>], vector<16xi32>,
        %parallel_loop3A_237 = vector.bitcast %parallel_loop3A_236 : vector<16xi32> to vector<16xf32>
        %parallel_loop3A_238 = tpu.vector_load_idx %arg10[%parallel_loop3A_235] : memref<100000xi32, #tpu.memory_space<vmem>>[vector<16xi32>], vector<16xi32>,
        %parallel_loop3A_239 = vector.bitcast %parallel_loop3A_238 : vector<16xi32> to vector<16xf32>
        %parallel_loop3A_240 = arith.subf %parallel_loop3A_237, %parallel_loop3A_239 : vector<16xf32>
        %parallel_loop3A_241 = arith.index_cast %parallel_loop3A_231 : i32 to index
        %parallel_loop3A_242 = tpu.vector_load %arg18[%parallel_loop3A_241] {strides = array<i32>} : memref<2000xf32, #tpu.memory_space<vmem>>, vector<16xf32>,
        %parallel_loop3A_243 = arith.mulf %parallel_loop3A_240, %parallel_loop3A_240 : vector<16xf32>
        %parallel_loop3A_244 = arith.addf %parallel_loop3A_242, %parallel_loop3A_243 : vector<16xf32>
        %parallel_loop3A_245 = arith.constant 9.99999996E-13 : f32
        %parallel_loop3A_246 = vector.broadcast %parallel_loop3A_245 : f32 to vector<16xf32>
        %parallel_loop3A_247 = arith.maximumf %parallel_loop3A_244, %parallel_loop3A_246 : vector<16xf32>
        %parallel_loop3A_248 = vector.bitcast %parallel_loop3A_247 : vector<16xf32> to vector<16xi32>
        %parallel_loop3A_249 = arith.constant 1 : i32
        %parallel_loop3A_250 = vector.broadcast %parallel_loop3A_249 : i32 to vector<16xi32>
        %parallel_loop3A_251 = arith.shrsi %parallel_loop3A_248, %parallel_loop3A_250 : vector<16xi32>
        %parallel_loop3A_252 = arith.constant 1597463007 : i32
        %parallel_loop3A_253 = vector.broadcast %parallel_loop3A_252 : i32 to vector<16xi32>
        %parallel_loop3A_254 = arith.subi %parallel_loop3A_253, %parallel_loop3A_251 : vector<16xi32>
        %parallel_loop3A_255 = vector.bitcast %parallel_loop3A_254 : vector<16xi32> to vector<16xf32>
        %parallel_loop3A_256 = arith.constant 5.000000e-01 : f32
        %parallel_loop3A_257 = vector.broadcast %parallel_loop3A_256 : f32 to vector<16xf32>
        %parallel_loop3A_258 = arith.mulf %parallel_loop3A_257, %parallel_loop3A_247 : vector<16xf32>
        %parallel_loop3A_259 = arith.mulf %parallel_loop3A_258, %parallel_loop3A_255 : vector<16xf32>
        %parallel_loop3A_260 = arith.mulf %parallel_loop3A_259, %parallel_loop3A_255 : vector<16xf32>
        %parallel_loop3A_261 = arith.constant 1.500000e+00 : f32
        %parallel_loop3A_262 = vector.broadcast %parallel_loop3A_261 : f32 to vector<16xf32>
        %parallel_loop3A_263 = arith.subf %parallel_loop3A_262, %parallel_loop3A_260 : vector<16xf32>
        %parallel_loop3A_264 = arith.mulf %parallel_loop3A_255, %parallel_loop3A_263 : vector<16xf32>
        %parallel_loop3A_265 = arith.mulf %parallel_loop3A_258, %parallel_loop3A_264 : vector<16xf32>
        %parallel_loop3A_266 = arith.mulf %parallel_loop3A_265, %parallel_loop3A_264 : vector<16xf32>
        %parallel_loop3A_267 = arith.constant 1.500000e+00 : f32
        %parallel_loop3A_268 = vector.broadcast %parallel_loop3A_267 : f32 to vector<16xf32>
        %parallel_loop3A_269 = arith.subf %parallel_loop3A_268, %parallel_loop3A_266 : vector<16xf32>
        %parallel_loop3A_270 = arith.mulf %parallel_loop3A_264, %parallel_loop3A_269 : vector<16xf32>
        %parallel_loop3A_271 = arith.mulf %parallel_loop3A_247, %parallel_loop3A_270 : vector<16xf32>
        %parallel_loop3A_272 = arith.index_cast %parallel_loop3A_231 : i32 to index
        %parallel_loop3A_273 = tpu.vector_load %arg19[%parallel_loop3A_272] {strides = array<i32>} : memref<2000xf32, #tpu.memory_space<vmem>>, vector<16xf32>,
        %parallel_loop3A_274 = arith.subf %parallel_loop3A_271, %parallel_loop3A_273 : vector<16xf32>
        %parallel_loop3A_275 = arith.mulf %parallel_loop3A_274, %parallel_loop3A_274 : vector<16xf32>
        %parallel_loop3A_276 = arith.index_cast %parallel_loop3A_231 : i32 to index
        %parallel_loop3A_277 = tpu.vector_load %arg20[%parallel_loop3A_276] {strides = array<i32>} : memref<2000xf32, #tpu.memory_space<vmem>>, vector<16xf32>,
        %parallel_loop3A_278 = arith.mulf %parallel_loop3A_275, %parallel_loop3A_277 : vector<16xf32>
        %parallel_loop3A_279 = arith.addf %parallel_loop3A_228, %parallel_loop3A_278 : vector<16xf32>
        scf.yield %parallel_loop3A_279 : vector<16xf32>
      } {sc.loop_unroll_factor = 5 : i64, sc.parallel_access}
      %mul3A_210 = arith.constant 2 : i32
      %mul3A_211 = arith.muli %mul3A_210, %scan3A_143 : i32
      %add3A_212 = arith.constant 3 : i32
      %add3A_213 = arith.addi %mul3A_211, %add3A_212 : i32
      %mul3A_214 = arith.constant 2000 : i32
      %mul3A_215 = arith.muli %add3A_213, %mul3A_214 : i32
      %add3A_216 = arith.addi %mul3A_4, %mul3A_215 : i32
      %dma_start3A_217 = tpu.memref_slice %arg4[%add3A_216] : memref<3200000xi32, #tpu.memory_space<hbm>> -> memref<2000xi32, #tpu.memory_space<hbm>>
      %dma_start3A_218 = tpu.memref_slice %arg4[%add3A_216] : memref<3200000xi32, #tpu.memory_space<hbm>> -> memref<2000xi32, #tpu.memory_space<hbm>>
      tpu.enqueue_dma source(%dma_start3A_218 : memref<2000xi32, #tpu.memory_space<hbm>>) target(%arg16 : memref<2000xi32, #tpu.memory_space<vmem>>) target_semaphore(%arg23 : memref<!tpu.dma_semaphore, #tpu.memory_space<semaphore_mem>>)
      %dma_start3A_219 = tpu.memref_slice %arg5[%add3A_216] : memref<3200000xi32, #tpu.memory_space<hbm>> -> memref<2000xi32, #tpu.memory_space<hbm>>
      %dma_start3A_220 = tpu.memref_slice %arg5[%add3A_216] : memref<3200000xi32, #tpu.memory_space<hbm>> -> memref<2000xi32, #tpu.memory_space<hbm>>
      tpu.enqueue_dma source(%dma_start3A_220 : memref<2000xi32, #tpu.memory_space<hbm>>) target(%arg17 : memref<2000xi32, #tpu.memory_space<vmem>>) target_semaphore(%arg23 : memref<!tpu.dma_semaphore, #tpu.memory_space<semaphore_mem>>)
      %dma_start3A_221 = tpu.memref_slice %arg9[%add3A_216] : memref<3200000xf32, #tpu.memory_space<hbm>> -> memref<2000xf32, #tpu.memory_space<hbm>>
      %dma_start3A_222 = tpu.memref_slice %arg9[%add3A_216] : memref<3200000xf32, #tpu.memory_space<hbm>> -> memref<2000xf32, #tpu.memory_space<hbm>>
      tpu.enqueue_dma source(%dma_start3A_222 : memref<2000xf32, #tpu.memory_space<hbm>>) target(%arg18 : memref<2000xf32, #tpu.memory_space<vmem>>) target_semaphore(%arg23 : memref<!tpu.dma_semaphore, #tpu.memory_space<semaphore_mem>>)
      %dma_start3A_223 = tpu.memref_slice %arg6[%add3A_216] : memref<3200000xf32, #tpu.memory_space<hbm>> -> memref<2000xf32, #tpu.memory_space<hbm>>
      %dma_start3A_224 = tpu.memref_slice %arg6[%add3A_216] : memref<3200000xf32, #tpu.memory_space<hbm>> -> memref<2000xf32, #tpu.memory_space<hbm>>
      tpu.enqueue_dma source(%dma_start3A_224 : memref<2000xf32, #tpu.memory_space<hbm>>) target(%arg19 : memref<2000xf32, #tpu.memory_space<vmem>>) target_semaphore(%arg23 : memref<!tpu.dma_semaphore, #tpu.memory_space<semaphore_mem>>)
      %dma_start3A_225 = tpu.memref_slice %arg7[%add3A_216] : memref<3200000xf32, #tpu.memory_space<hbm>> -> memref<2000xf32, #tpu.memory_space<hbm>>
      %dma_start3A_226 = tpu.memref_slice %arg7[%add3A_216] : memref<3200000xf32, #tpu.memory_space<hbm>> -> memref<2000xf32, #tpu.memory_space<hbm>>
      tpu.enqueue_dma source(%dma_start3A_226 : memref<2000xf32, #tpu.memory_space<hbm>>) target(%arg20 : memref<2000xf32, #tpu.memory_space<vmem>>) target_semaphore(%arg23 : memref<!tpu.dma_semaphore, #tpu.memory_space<semaphore_mem>>)
      scf.yield %parallel_loop3A_209 : vector<16xf32>
    }
    %scan3A_90 = arith.constant 24 : i32
    %dma_wait3A_91 = arith.constant 0 : i32
    %dma_wait3A_92 = tpu.memref_slice %arg4[%dma_wait3A_91] : memref<3200000xi32, #tpu.memory_space<hbm>> -> memref<2000xi32, #tpu.memory_space<hbm>>
    %dma_wait3A_93 = arith.constant 0 : i32
    %dma_wait3A_94 = tpu.memref_slice %arg4[%dma_wait3A_93] : memref<3200000xi32, #tpu.memory_space<hbm>> -> memref<2000xi32, #tpu.memory_space<hbm>>
    tpu.wait_dma2 semaphore(%arg22 : memref<!tpu.dma_semaphore, #tpu.memory_space<semaphore_mem>>) src(%dma_wait3A_94 : memref<2000xi32, #tpu.memory_space<hbm>>) dst(%arg11 : memref<2000xi32, #tpu.memory_space<vmem>>)
    %dma_wait3A_95 = arith.constant 0 : i32
    %dma_wait3A_96 = tpu.memref_slice %arg5[%dma_wait3A_95] : memref<3200000xi32, #tpu.memory_space<hbm>> -> memref<2000xi32, #tpu.memory_space<hbm>>
    %dma_wait3A_97 = arith.constant 0 : i32
    %dma_wait3A_98 = tpu.memref_slice %arg5[%dma_wait3A_97] : memref<3200000xi32, #tpu.memory_space<hbm>> -> memref<2000xi32, #tpu.memory_space<hbm>>
    tpu.wait_dma2 semaphore(%arg22 : memref<!tpu.dma_semaphore, #tpu.memory_space<semaphore_mem>>) src(%dma_wait3A_98 : memref<2000xi32, #tpu.memory_space<hbm>>) dst(%arg12 : memref<2000xi32, #tpu.memory_space<vmem>>)
    %dma_wait3A_99 = arith.constant 0 : i32
    %dma_wait3A_100 = tpu.memref_slice %arg9[%dma_wait3A_99] : memref<3200000xf32, #tpu.memory_space<hbm>> -> memref<2000xf32, #tpu.memory_space<hbm>>
    %dma_wait3A_101 = arith.constant 0 : i32
    %dma_wait3A_102 = tpu.memref_slice %arg9[%dma_wait3A_101] : memref<3200000xf32, #tpu.memory_space<hbm>> -> memref<2000xf32, #tpu.memory_space<hbm>>
    tpu.wait_dma2 semaphore(%arg22 : memref<!tpu.dma_semaphore, #tpu.memory_space<semaphore_mem>>) src(%dma_wait3A_102 : memref<2000xf32, #tpu.memory_space<hbm>>) dst(%arg13 : memref<2000xf32, #tpu.memory_space<vmem>>)
    %dma_wait3A_103 = arith.constant 0 : i32
    %dma_wait3A_104 = tpu.memref_slice %arg6[%dma_wait3A_103] : memref<3200000xf32, #tpu.memory_space<hbm>> -> memref<2000xf32, #tpu.memory_space<hbm>>
    %dma_wait3A_105 = arith.constant 0 : i32
    %dma_wait3A_106 = tpu.memref_slice %arg6[%dma_wait3A_105] : memref<3200000xf32, #tpu.memory_space<hbm>> -> memref<2000xf32, #tpu.memory_space<hbm>>
    tpu.wait_dma2 semaphore(%arg22 : memref<!tpu.dma_semaphore, #tpu.memory_space<semaphore_mem>>) src(%dma_wait3A_106 : memref<2000xf32, #tpu.memory_space<hbm>>) dst(%arg14 : memref<2000xf32, #tpu.memory_space<vmem>>)
    %dma_wait3A_107 = arith.constant 0 : i32
    %dma_wait3A_108 = tpu.memref_slice %arg7[%dma_wait3A_107] : memref<3200000xf32, #tpu.memory_space<hbm>> -> memref<2000xf32, #tpu.memory_space<hbm>>
    %dma_wait3A_109 = arith.constant 0 : i32
    %dma_wait3A_110 = tpu.memref_slice %arg7[%dma_wait3A_109] : memref<3200000xf32, #tpu.memory_space<hbm>> -> memref<2000xf32, #tpu.memory_space<hbm>>
    tpu.wait_dma2 semaphore(%arg22 : memref<!tpu.dma_semaphore, #tpu.memory_space<semaphore_mem>>) src(%dma_wait3A_110 : memref<2000xf32, #tpu.memory_space<hbm>>) dst(%arg15 : memref<2000xf32, #tpu.memory_space<vmem>>)
    %parallel_loop3A_111 = arith.constant 0 : i32
    %parallel_loop3A_112 = arith.constant 125 : i32
    %parallel_loop3A_113 = arith.constant 1 : i32
    %parallel_loop3A_114 = scf.for %parallel_loop3A_143 = %parallel_loop3A_111 to %parallel_loop3A_112 step %parallel_loop3A_113 iter_args(%parallel_loop3A_144 = %scan3A_89) -> (vector<16xf32>)  : i32 {
      %parallel_loop3A_145 = arith.constant 16 : i32
      %parallel_loop3A_146 = arith.muli %parallel_loop3A_143, %parallel_loop3A_145 : i32
      %parallel_loop3A_147 = tpu.assume_multiple %parallel_loop3A_146, 16 : i32
      %parallel_loop3A_148 = arith.index_cast %parallel_loop3A_147 : i32 to index
      %parallel_loop3A_149 = tpu.vector_load %arg11[%parallel_loop3A_148] {strides = array<i32>} : memref<2000xi32, #tpu.memory_space<vmem>>, vector<16xi32>,
      %parallel_loop3A_150 = arith.index_cast %parallel_loop3A_147 : i32 to index
      %parallel_loop3A_151 = tpu.vector_load %arg12[%parallel_loop3A_150] {strides = array<i32>} : memref<2000xi32, #tpu.memory_space<vmem>>, vector<16xi32>,
      %parallel_loop3A_152 = tpu.vector_load_idx %arg10[%parallel_loop3A_149] : memref<100000xi32, #tpu.memory_space<vmem>>[vector<16xi32>], vector<16xi32>,
      %parallel_loop3A_153 = vector.bitcast %parallel_loop3A_152 : vector<16xi32> to vector<16xf32>
      %parallel_loop3A_154 = tpu.vector_load_idx %arg10[%parallel_loop3A_151] : memref<100000xi32, #tpu.memory_space<vmem>>[vector<16xi32>], vector<16xi32>,
      %parallel_loop3A_155 = vector.bitcast %parallel_loop3A_154 : vector<16xi32> to vector<16xf32>
      %parallel_loop3A_156 = arith.subf %parallel_loop3A_153, %parallel_loop3A_155 : vector<16xf32>
      %parallel_loop3A_157 = arith.index_cast %parallel_loop3A_147 : i32 to index
      %parallel_loop3A_158 = tpu.vector_load %arg13[%parallel_loop3A_157] {strides = array<i32>} : memref<2000xf32, #tpu.memory_space<vmem>>, vector<16xf32>,
      %parallel_loop3A_159 = arith.mulf %parallel_loop3A_156, %parallel_loop3A_156 : vector<16xf32>
      %parallel_loop3A_160 = arith.addf %parallel_loop3A_158, %parallel_loop3A_159 : vector<16xf32>
      %parallel_loop3A_161 = arith.constant 9.99999996E-13 : f32
      %parallel_loop3A_162 = vector.broadcast %parallel_loop3A_161 : f32 to vector<16xf32>
      %parallel_loop3A_163 = arith.maximumf %parallel_loop3A_160, %parallel_loop3A_162 : vector<16xf32>
      %parallel_loop3A_164 = vector.bitcast %parallel_loop3A_163 : vector<16xf32> to vector<16xi32>
      %parallel_loop3A_165 = arith.constant 1 : i32
      %parallel_loop3A_166 = vector.broadcast %parallel_loop3A_165 : i32 to vector<16xi32>
      %parallel_loop3A_167 = arith.shrsi %parallel_loop3A_164, %parallel_loop3A_166 : vector<16xi32>
      %parallel_loop3A_168 = arith.constant 1597463007 : i32
      %parallel_loop3A_169 = vector.broadcast %parallel_loop3A_168 : i32 to vector<16xi32>
      %parallel_loop3A_170 = arith.subi %parallel_loop3A_169, %parallel_loop3A_167 : vector<16xi32>
      %parallel_loop3A_171 = vector.bitcast %parallel_loop3A_170 : vector<16xi32> to vector<16xf32>
      %parallel_loop3A_172 = arith.constant 5.000000e-01 : f32
      %parallel_loop3A_173 = vector.broadcast %parallel_loop3A_172 : f32 to vector<16xf32>
      %parallel_loop3A_174 = arith.mulf %parallel_loop3A_173, %parallel_loop3A_163 : vector<16xf32>
      %parallel_loop3A_175 = arith.mulf %parallel_loop3A_174, %parallel_loop3A_171 : vector<16xf32>
      %parallel_loop3A_176 = arith.mulf %parallel_loop3A_175, %parallel_loop3A_171 : vector<16xf32>
      %parallel_loop3A_177 = arith.constant 1.500000e+00 : f32
      %parallel_loop3A_178 = vector.broadcast %parallel_loop3A_177 : f32 to vector<16xf32>
      %parallel_loop3A_179 = arith.subf %parallel_loop3A_178, %parallel_loop3A_176 : vector<16xf32>
      %parallel_loop3A_180 = arith.mulf %parallel_loop3A_171, %parallel_loop3A_179 : vector<16xf32>
      %parallel_loop3A_181 = arith.mulf %parallel_loop3A_174, %parallel_loop3A_180 : vector<16xf32>
      %parallel_loop3A_182 = arith.mulf %parallel_loop3A_181, %parallel_loop3A_180 : vector<16xf32>
      %parallel_loop3A_183 = arith.constant 1.500000e+00 : f32
      %parallel_loop3A_184 = vector.broadcast %parallel_loop3A_183 : f32 to vector<16xf32>
      %parallel_loop3A_185 = arith.subf %parallel_loop3A_184, %parallel_loop3A_182 : vector<16xf32>
      %parallel_loop3A_186 = arith.mulf %parallel_loop3A_180, %parallel_loop3A_185 : vector<16xf32>
      %parallel_loop3A_187 = arith.mulf %parallel_loop3A_163, %parallel_loop3A_186 : vector<16xf32>
      %parallel_loop3A_188 = arith.index_cast %parallel_loop3A_147 : i32 to index
      %parallel_loop3A_189 = tpu.vector_load %arg14[%parallel_loop3A_188] {strides = array<i32>} : memref<2000xf32, #tpu.memory_space<vmem>>, vector<16xf32>,
      %parallel_loop3A_190 = arith.subf %parallel_loop3A_187, %parallel_loop3A_189 : vector<16xf32>
      %parallel_loop3A_191 = arith.mulf %parallel_loop3A_190, %parallel_loop3A_190 : vector<16xf32>
      %parallel_loop3A_192 = arith.index_cast %parallel_loop3A_147 : i32 to index
      %parallel_loop3A_193 = tpu.vector_load %arg15[%parallel_loop3A_192] {strides = array<i32>} : memref<2000xf32, #tpu.memory_space<vmem>>, vector<16xf32>,
      %parallel_loop3A_194 = arith.mulf %parallel_loop3A_191, %parallel_loop3A_193 : vector<16xf32>
      %parallel_loop3A_195 = arith.addf %parallel_loop3A_144, %parallel_loop3A_194 : vector<16xf32>
      scf.yield %parallel_loop3A_195 : vector<16xf32>
    } {sc.loop_unroll_factor = 5 : i64, sc.parallel_access}
    %dma_wait3A_115 = arith.constant 0 : i32
    %dma_wait3A_116 = tpu.memref_slice %arg4[%dma_wait3A_115] : memref<3200000xi32, #tpu.memory_space<hbm>> -> memref<2000xi32, #tpu.memory_space<hbm>>
    %dma_wait3A_117 = arith.constant 0 : i32
    %dma_wait3A_118 = tpu.memref_slice %arg4[%dma_wait3A_117] : memref<3200000xi32, #tpu.memory_space<hbm>> -> memref<2000xi32, #tpu.memory_space<hbm>>
    tpu.wait_dma2 semaphore(%arg23 : memref<!tpu.dma_semaphore, #tpu.memory_space<semaphore_mem>>) src(%dma_wait3A_118 : memref<2000xi32, #tpu.memory_space<hbm>>) dst(%arg16 : memref<2000xi32, #tpu.memory_space<vmem>>)
    %dma_wait3A_119 = arith.constant 0 : i32
    %dma_wait3A_120 = tpu.memref_slice %arg5[%dma_wait3A_119] : memref<3200000xi32, #tpu.memory_space<hbm>> -> memref<2000xi32, #tpu.memory_space<hbm>>
    %dma_wait3A_121 = arith.constant 0 : i32
    %dma_wait3A_122 = tpu.memref_slice %arg5[%dma_wait3A_121] : memref<3200000xi32, #tpu.memory_space<hbm>> -> memref<2000xi32, #tpu.memory_space<hbm>>
    tpu.wait_dma2 semaphore(%arg23 : memref<!tpu.dma_semaphore, #tpu.memory_space<semaphore_mem>>) src(%dma_wait3A_122 : memref<2000xi32, #tpu.memory_space<hbm>>) dst(%arg17 : memref<2000xi32, #tpu.memory_space<vmem>>)
    %dma_wait3A_123 = arith.constant 0 : i32
    %dma_wait3A_124 = tpu.memref_slice %arg9[%dma_wait3A_123] : memref<3200000xf32, #tpu.memory_space<hbm>> -> memref<2000xf32, #tpu.memory_space<hbm>>
    %dma_wait3A_125 = arith.constant 0 : i32
    %dma_wait3A_126 = tpu.memref_slice %arg9[%dma_wait3A_125] : memref<3200000xf32, #tpu.memory_space<hbm>> -> memref<2000xf32, #tpu.memory_space<hbm>>
    tpu.wait_dma2 semaphore(%arg23 : memref<!tpu.dma_semaphore, #tpu.memory_space<semaphore_mem>>) src(%dma_wait3A_126 : memref<2000xf32, #tpu.memory_space<hbm>>) dst(%arg18 : memref<2000xf32, #tpu.memory_space<vmem>>)
    %dma_wait3A_127 = arith.constant 0 : i32
    %dma_wait3A_128 = tpu.memref_slice %arg6[%dma_wait3A_127] : memref<3200000xf32, #tpu.memory_space<hbm>> -> memref<2000xf32, #tpu.memory_space<hbm>>
    %dma_wait3A_129 = arith.constant 0 : i32
    %dma_wait3A_130 = tpu.memref_slice %arg6[%dma_wait3A_129] : memref<3200000xf32, #tpu.memory_space<hbm>> -> memref<2000xf32, #tpu.memory_space<hbm>>
    tpu.wait_dma2 semaphore(%arg23 : memref<!tpu.dma_semaphore, #tpu.memory_space<semaphore_mem>>) src(%dma_wait3A_130 : memref<2000xf32, #tpu.memory_space<hbm>>) dst(%arg19 : memref<2000xf32, #tpu.memory_space<vmem>>)
    %dma_wait3A_131 = arith.constant 0 : i32
    %dma_wait3A_132 = tpu.memref_slice %arg7[%dma_wait3A_131] : memref<3200000xf32, #tpu.memory_space<hbm>> -> memref<2000xf32, #tpu.memory_space<hbm>>
    %dma_wait3A_133 = arith.constant 0 : i32
    %dma_wait3A_134 = tpu.memref_slice %arg7[%dma_wait3A_133] : memref<3200000xf32, #tpu.memory_space<hbm>> -> memref<2000xf32, #tpu.memory_space<hbm>>
    tpu.wait_dma2 semaphore(%arg23 : memref<!tpu.dma_semaphore, #tpu.memory_space<semaphore_mem>>) src(%dma_wait3A_134 : memref<2000xf32, #tpu.memory_space<hbm>>) dst(%arg20 : memref<2000xf32, #tpu.memory_space<vmem>>)
    %parallel_loop3A_135 = arith.constant 0 : i32
    %parallel_loop3A_136 = arith.constant 125 : i32
    %parallel_loop3A_137 = arith.constant 1 : i32
    %parallel_loop3A_138 = scf.for %parallel_loop3A_143 = %parallel_loop3A_135 to %parallel_loop3A_136 step %parallel_loop3A_137 iter_args(%parallel_loop3A_144 = %parallel_loop3A_114) -> (vector<16xf32>)  : i32 {
      %parallel_loop3A_145 = arith.constant 16 : i32
      %parallel_loop3A_146 = arith.muli %parallel_loop3A_143, %parallel_loop3A_145 : i32
      %parallel_loop3A_147 = tpu.assume_multiple %parallel_loop3A_146, 16 : i32
      %parallel_loop3A_148 = arith.index_cast %parallel_loop3A_147 : i32 to index
      %parallel_loop3A_149 = tpu.vector_load %arg16[%parallel_loop3A_148] {strides = array<i32>} : memref<2000xi32, #tpu.memory_space<vmem>>, vector<16xi32>,
      %parallel_loop3A_150 = arith.index_cast %parallel_loop3A_147 : i32 to index
      %parallel_loop3A_151 = tpu.vector_load %arg17[%parallel_loop3A_150] {strides = array<i32>} : memref<2000xi32, #tpu.memory_space<vmem>>, vector<16xi32>,
      %parallel_loop3A_152 = tpu.vector_load_idx %arg10[%parallel_loop3A_149] : memref<100000xi32, #tpu.memory_space<vmem>>[vector<16xi32>], vector<16xi32>,
      %parallel_loop3A_153 = vector.bitcast %parallel_loop3A_152 : vector<16xi32> to vector<16xf32>
      %parallel_loop3A_154 = tpu.vector_load_idx %arg10[%parallel_loop3A_151] : memref<100000xi32, #tpu.memory_space<vmem>>[vector<16xi32>], vector<16xi32>,
      %parallel_loop3A_155 = vector.bitcast %parallel_loop3A_154 : vector<16xi32> to vector<16xf32>
      %parallel_loop3A_156 = arith.subf %parallel_loop3A_153, %parallel_loop3A_155 : vector<16xf32>
      %parallel_loop3A_157 = arith.index_cast %parallel_loop3A_147 : i32 to index
      %parallel_loop3A_158 = tpu.vector_load %arg18[%parallel_loop3A_157] {strides = array<i32>} : memref<2000xf32, #tpu.memory_space<vmem>>, vector<16xf32>,
      %parallel_loop3A_159 = arith.mulf %parallel_loop3A_156, %parallel_loop3A_156 : vector<16xf32>
      %parallel_loop3A_160 = arith.addf %parallel_loop3A_158, %parallel_loop3A_159 : vector<16xf32>
      %parallel_loop3A_161 = arith.constant 9.99999996E-13 : f32
      %parallel_loop3A_162 = vector.broadcast %parallel_loop3A_161 : f32 to vector<16xf32>
      %parallel_loop3A_163 = arith.maximumf %parallel_loop3A_160, %parallel_loop3A_162 : vector<16xf32>
      %parallel_loop3A_164 = vector.bitcast %parallel_loop3A_163 : vector<16xf32> to vector<16xi32>
      %parallel_loop3A_165 = arith.constant 1 : i32
      %parallel_loop3A_166 = vector.broadcast %parallel_loop3A_165 : i32 to vector<16xi32>
      %parallel_loop3A_167 = arith.shrsi %parallel_loop3A_164, %parallel_loop3A_166 : vector<16xi32>
      %parallel_loop3A_168 = arith.constant 1597463007 : i32
      %parallel_loop3A_169 = vector.broadcast %parallel_loop3A_168 : i32 to vector<16xi32>
      %parallel_loop3A_170 = arith.subi %parallel_loop3A_169, %parallel_loop3A_167 : vector<16xi32>
      %parallel_loop3A_171 = vector.bitcast %parallel_loop3A_170 : vector<16xi32> to vector<16xf32>
      %parallel_loop3A_172 = arith.constant 5.000000e-01 : f32
      %parallel_loop3A_173 = vector.broadcast %parallel_loop3A_172 : f32 to vector<16xf32>
      %parallel_loop3A_174 = arith.mulf %parallel_loop3A_173, %parallel_loop3A_163 : vector<16xf32>
      %parallel_loop3A_175 = arith.mulf %parallel_loop3A_174, %parallel_loop3A_171 : vector<16xf32>
      %parallel_loop3A_176 = arith.mulf %parallel_loop3A_175, %parallel_loop3A_171 : vector<16xf32>
      %parallel_loop3A_177 = arith.constant 1.500000e+00 : f32
      %parallel_loop3A_178 = vector.broadcast %parallel_loop3A_177 : f32 to vector<16xf32>
      %parallel_loop3A_179 = arith.subf %parallel_loop3A_178, %parallel_loop3A_176 : vector<16xf32>
      %parallel_loop3A_180 = arith.mulf %parallel_loop3A_171, %parallel_loop3A_179 : vector<16xf32>
      %parallel_loop3A_181 = arith.mulf %parallel_loop3A_174, %parallel_loop3A_180 : vector<16xf32>
      %parallel_loop3A_182 = arith.mulf %parallel_loop3A_181, %parallel_loop3A_180 : vector<16xf32>
      %parallel_loop3A_183 = arith.constant 1.500000e+00 : f32
      %parallel_loop3A_184 = vector.broadcast %parallel_loop3A_183 : f32 to vector<16xf32>
      %parallel_loop3A_185 = arith.subf %parallel_loop3A_184, %parallel_loop3A_182 : vector<16xf32>
      %parallel_loop3A_186 = arith.mulf %parallel_loop3A_180, %parallel_loop3A_185 : vector<16xf32>
      %parallel_loop3A_187 = arith.mulf %parallel_loop3A_163, %parallel_loop3A_186 : vector<16xf32>
      %parallel_loop3A_188 = arith.index_cast %parallel_loop3A_147 : i32 to index
      %parallel_loop3A_189 = tpu.vector_load %arg19[%parallel_loop3A_188] {strides = array<i32>} : memref<2000xf32, #tpu.memory_space<vmem>>, vector<16xf32>,
      %parallel_loop3A_190 = arith.subf %parallel_loop3A_187, %parallel_loop3A_189 : vector<16xf32>
      %parallel_loop3A_191 = arith.mulf %parallel_loop3A_190, %parallel_loop3A_190 : vector<16xf32>
      %parallel_loop3A_192 = arith.index_cast %parallel_loop3A_147 : i32 to index
      %parallel_loop3A_193 = tpu.vector_load %arg20[%parallel_loop3A_192] {strides = array<i32>} : memref<2000xf32, #tpu.memory_space<vmem>>, vector<16xf32>,
      %parallel_loop3A_194 = arith.mulf %parallel_loop3A_191, %parallel_loop3A_193 : vector<16xf32>
      %parallel_loop3A_195 = arith.addf %parallel_loop3A_144, %parallel_loop3A_194 : vector<16xf32>
      scf.yield %parallel_loop3A_195 : vector<16xf32>
    } {sc.loop_unroll_factor = 5 : i64, sc.parallel_access}
    %mul3A_139 = arith.constant 5.000000e-01 : f32
    %mul3A_140 = vector.broadcast %mul3A_139 : f32 to vector<16xf32>
    %mul3A_141 = arith.mulf %parallel_loop3A_138, %mul3A_140 : vector<16xf32>
    %swap3A = arith.constant 0 : index
    %swap3A_142 = tpu.vector_load %arg21[%swap3A] {strides = array<i32>} : memref<16xf32, #tpu.memory_space<vmem>>, vector<16xf32>,
    tpu.vector_store %arg21[%swap3A], %mul3A_141 {strides = array<i32>} : memref<16xf32, #tpu.memory_space<vmem>>, vector<16xf32>,
    "tpu.region"() ({
      %run_scoped3A = tpu.sem_alloc : memref<!tpu.dma_semaphore, #tpu.memory_space<semaphore_mem>>
      %dma_start3A_143 = arith.constant 0 : i32
      %dma_start3A_144 = tpu.memref_slice %arg8[%add3A, %dma_start3A_143] : memref<32x16xf32, #tpu.memory_space<hbm>> -> memref<1x16xf32, #tpu.memory_space<hbm>>
      %dma_start3A_145 = tpu.memref_squeeze %dma_start3A_144 : memref<1x16xf32, #tpu.memory_space<hbm>> -> memref<16xf32, #tpu.memory_space<hbm>>
      %dma_start3A_146 = arith.constant 0 : i32
      %dma_start3A_147 = tpu.memref_slice %arg8[%add3A, %dma_start3A_146] : memref<32x16xf32, #tpu.memory_space<hbm>> -> memref<1x16xf32, #tpu.memory_space<hbm>>
      %dma_start3A_148 = tpu.memref_squeeze %dma_start3A_147 : memref<1x16xf32, #tpu.memory_space<hbm>> -> memref<16xf32, #tpu.memory_space<hbm>>
      tpu.enqueue_dma source(%arg21 : memref<16xf32, #tpu.memory_space<vmem>>) target(%dma_start3A_148 : memref<16xf32, #tpu.memory_space<hbm>>) target_semaphore(%run_scoped3A : memref<!tpu.dma_semaphore, #tpu.memory_space<semaphore_mem>>)
      %dma_wait3A_149 = arith.constant 0 : i32
      %dma_wait3A_150 = tpu.memref_slice %arg8[%add3A, %dma_wait3A_149] : memref<32x16xf32, #tpu.memory_space<hbm>> -> memref<1x16xf32, #tpu.memory_space<hbm>>
      %dma_wait3A_151 = tpu.memref_squeeze %dma_wait3A_150 : memref<1x16xf32, #tpu.memory_space<hbm>> -> memref<16xf32, #tpu.memory_space<hbm>>
      %dma_wait3A_152 = arith.constant 0 : i32
      %dma_wait3A_153 = tpu.memref_slice %arg8[%add3A, %dma_wait3A_152] : memref<32x16xf32, #tpu.memory_space<hbm>> -> memref<1x16xf32, #tpu.memory_space<hbm>>
      %dma_wait3A_154 = tpu.memref_squeeze %dma_wait3A_153 : memref<1x16xf32, #tpu.memory_space<hbm>> -> memref<16xf32, #tpu.memory_space<hbm>>
      tpu.wait_dma2 semaphore(%run_scoped3A : memref<!tpu.dma_semaphore, #tpu.memory_space<semaphore_mem>>) src(%arg21 : memref<16xf32, #tpu.memory_space<vmem>>) dst(%dma_wait3A_154 : memref<16xf32, #tpu.memory_space<hbm>>)
      tpu.yield
    }) : () -> ()
    return
  }
}

</mosaic_0001>

<sc_bundles>
// kernel: kernel.3.cloned.1.call-start
scs
__scs_entry_jumppad:
0x0: {  	(pc) =	sbr.rel $0x88, $3  }
0x1: {  	(tag) =	ssettag $0x0;
	lr =	simm.s32 $0x1  }
0x2: {  	[smem:$0x3F9D] =	sst lr;
	_ =	strace $0xD0000000  }
0x3: {  	_ = 	snop  }
0x4: {  	_ = 	snop  }
0x5: {  	_ = 	snop  }
0x6: {  	_ = 	snop  }
0x7: {  	_ = 	snop  }
__scs_overlays_trampoline_lowered:
0x8: {  	[smem:$0x3FAC] =	sst s0  }
0x9: {  	[smem:$0x3FAD] =	sst s1  }
0xa: {  	[smem:$0x3FAE] =	sst s2  }
0xb: {  	[smem:$0x3FAF] =	sst s3  }
0xc: {  	[smem:$0x3FB0] =	sst s4  }
0xd: {  	[smem:$0x3FB1] =	sst s5  }
0xe: {  	[smem:$0x3FB2] =	sst s6  }
0xf: {  	[smem:$0x3FB3] =	sst s7  }
0x10: {  	[smem:$0x3FB4] =	sst s8  }
0x11: {  	[smem:$0x3FB5] =	sst s9;
	s0 =	simm.s32 @!p0 $0x0  }
0x12: {  	s1 =	sld [smem:$0x3F9B];
	s0 =	simm.s32 @p0 $0x1  }
0x13: {  	[smem:$0x3FB6] =	sst s0;
	s0 =	simm.s32 @!p1 $0x0  }
0x14: {  	s2 =	sld [smem:$0x3F9A];
	s0 =	simm.s32 @p1 $0x1  }
0x15: {  	[smem:$0x3FB7] =	sst s0;
	s0 =	simm.s32 @!p2 $0x0  }
0x16: {  	s3 =	sld [smem:$0x3FDB];
	s0 =	simm.s32 @p2 $0x1  }
0x17: {  	s4 =	simm.s32 $0x1BF5;
	[smem:$0x3FB9] =	sst s0  }
0x18: {  	s0 =	sld [smem:$0x3F9C];
	_ =	swait.ge [sflag:s4], $0x0  }
0x19: {  	s7 =	sld [smem:$0x3F9D]  }
0x1a: {  	s8 =	sadd.s32 $0xFFFFE003, lr  }
0x1b: {  	s9 =	sadd.s32 $0xFFFFFEF7, lr;
	s5 =	simm.s32 $0xFFFFFFFF;
	p2 =	slt.u32 s8, $0xFFFFF086  }
0x1c: {  	p1 =	slt.u32 s9, $0xF7A;
	s5 =	simm.s32 @!p2 $0x0  }
0x1d: {  	s5 =	simm.s32 @p1 $0x1;
	p0 =	seq.s32 s7, s2  }
0x1e: {  	s7 =	smul.u32 @!p0 $0xF7A, s2;
	p2 =	seq.s32 @!p0 s5, $0x0  }
0x1f: {  	s9 =	smul.u32 $0xF7A, s1;
	s8 =	simm.s32 @!p0 $0x1BF5;
	p2 =	por !p2, p0  }
0x20: {  	[sflag:s8] =	ssyncset.s32 @!p0 $0xFFFFF086;
	s6 =	sadd.s32 @!p0 s3, s7;
	s7 =	simm.s32 @!p0 $0x108  }
0x21: {  	s3 =	sadd.s32 s3, s9;
	s6 =	sadd.s32 @!p0 $0x88, s6;
	s7 =	simm.s32 @p2 $0x1082  }
0x22: {  	[simem:s7], [sflag:s8] =	dma.local @!p0 [hbm:s6], $0xF7A  }
0x23: {  	s9 =	sor.u32 $0xD0000000, s2;
	s6 =	simm.s32 $0x108;
	_ =	swait.ge @!p0 [sflag:s8], $0x0  }
0x24: {  	s3 =	sadd.s32 $0x88, s3;
	s6 =	simm.s32 @!p1 $0x1082;
	[sflag:s4] =	ssyncset.s32 $0xFFFFF086  }
0x25: {  	[simem:s6], [sflag:s4] =	dma.local [hbm:s3], $0xF7A  }
0x26: {  	[smem:$0x3F9D] =	sst s1;
	(tag) =	ssettag s2;
	_ =	strace s9  }
0x27: {  	s1 =	sld [smem:$0x3FAD]  }
0x28: {  	s2 =	sld [smem:$0x3FAE]  }
0x29: {  	s4 =	sld [smem:$0x3FB0]  }
0x2a: {  	p0 =	seq.s32 s5, $0x0;
	s5 =	sld [smem:$0x3FB1]  }
0x2b: {  	s6 =	sld [smem:$0x3FB2]  }
0x2c: {  	s7 =	sld [smem:$0x3FB3]  }
0x2d: {  	s3 =	simm.s32 $0x108;
	s8 =	sld [smem:$0x3FB4]  }
0x2e: {  	s3 =	simm.s32 @!p0 $0x1082;
	s9 =	sld [smem:$0x3FB5]  }
0x2f: {  	lr =	sadd.s32 s0, s3;
	s0 =	sld [smem:$0x3FAC]  }
0x30: {  	s3 =	sld [smem:$0x3FAF]  }
0x31: {  	[smem:$0x3FB8] =	sst s10  }
0x32: {  	s10 =	sld [smem:$0x3FB6];
	_ =	sdelay $0x3  }
0x33: {  	p0 =	seq.s32 s10, $0x1;
	s10 =	sld [smem:$0x3FB8];
	_ =	sdelay $0x3  }
0x34: {  	[smem:$0x3FB8] =	sst s10  }
0x35: {  	s10 =	sld [smem:$0x3FB7];
	_ =	sdelay $0x3  }
0x36: {  	p1 =	seq.s32 s10, $0x1;
	s10 =	sld [smem:$0x3FB8];
	_ =	sdelay $0x3  }
0x37: {  	[smem:$0x3FB8] =	sst s10  }
0x38: {  	s10 =	sld [smem:$0x3FB9]  }
0x39: {  	_ = 	snop;
	(pc) =	sbr.ind lr, $3  }
0x3a: {  	_ = 	snop  }
0x3b: {  	_ = 	snop  }
0x3c: {  	p2 =	seq.s32 s10, $0x1;
	s10 =	sld [smem:$0x3FB8]  }
0x3d: {  	_ =	shalt  }
0x3e: {  	_ =	shalt  }
0x3f: {  	_ =	shalt  }
0x40: {  	_ =	shalt  }
0x41: {  	_ =	shalt  }
0x42: {  	_ =	shalt  }
0x43: {  	_ =	shalt  }
0x44: {  	_ =	shalt  }
0x45: {  	_ =	shalt  }
0x46: {  	_ =	shalt  }
0x47: {  	_ =	shalt  }
0x48: {  	_ =	shalt  }
0x49: {  	_ =	shalt  }
0x4a: {  	_ =	shalt  }
0x4b: {  	_ =	shalt  }
0x4c: {  	_ =	shalt  }
0x4d: {  	_ =	shalt  }
0x4e: {  	_ =	shalt  }
0x4f: {  	_ =	shalt  }
0x50: {  	_ =	shalt  }
0x51: {  	_ =	shalt  }
0x52: {  	_ =	shalt  }
0x53: {  	_ =	shalt  }
0x54: {  	_ =	shalt  }
0x55: {  	_ =	shalt  }
0x56: {  	_ =	shalt  }
0x57: {  	_ =	shalt  }
0x58: {  	_ =	shalt  }
0x59: {  	_ =	shalt  }
0x5a: {  	_ =	shalt  }
0x5b: {  	_ =	shalt  }
0x5c: {  	_ =	shalt  }
0x5d: {  	_ =	shalt  }
0x5e: {  	_ =	shalt  }
0x5f: {  	_ =	shalt  }
0x60: {  	_ =	shalt  }
0x61: {  	_ =	shalt  }
0x62: {  	_ =	shalt  }
0x63: {  	_ =	shalt  }
0x64: {  	_ =	shalt  }
0x65: {  	_ =	shalt  }
0x66: {  	_ =	shalt  }
0x67: {  	_ =	shalt  }
0x68: {  	_ =	shalt  }
0x69: {  	_ =	shalt  }
0x6a: {  	_ =	shalt  }
0x6b: {  	_ =	shalt  }
0x6c: {  	_ =	shalt  }
0x6d: {  	_ =	shalt  }
0x6e: {  	_ =	shalt  }
0x6f: {  	_ =	shalt  }
0x70: {  	_ =	shalt  }
0x71: {  	_ =	shalt  }
0x72: {  	_ =	shalt  }
0x73: {  	_ =	shalt  }
0x74: {  	_ =	shalt  }
0x75: {  	_ =	shalt  }
0x76: {  	_ =	shalt  }
0x77: {  	_ =	shalt  }
0x78: {  	_ =	shalt  }
0x79: {  	_ =	shalt  }
0x7a: {  	_ =	shalt  }
0x7b: {  	_ =	shalt  }
0x7c: {  	_ =	shalt  }
0x7d: {  	_ =	shalt  }
0x7e: {  	_ =	shalt  }
0x7f: {  	_ =	shalt  }
0x80: {  	_ =	shalt  }
0x81: {  	_ =	shalt  }
0x82: {  	_ =	shalt  }
0x83: {  	_ =	shalt  }
0x84: {  	_ =	shalt  }
0x85: {  	_ =	shalt  }
0x86: {  	_ =	shalt  }
0x87: {  	_ =	shalt  }
.Lfunc_end0:
.L_simem_size_0:
called_computation_lowered:
.L_overlay_start_0:
0x88: {  	s2 =	sld [smem:$0x3FD9]  }
0x89: {  	s3 =	sld [smem:$0x3FFE];
	_ =	sdelay $0x1  }
0x8a: {  	s1 =	srdreg.scid  }
0x8b: {  	s0 =	sand.u32 $0x1, s1  }
0x8c: {  	s17 =	sshll.u32 s0, $0xA;
	s2 =	sadd.s32 s3, s2  }
0x8d: {  	s2 =	sadd.s32 s2, s17  }
0x8e: {  	[smem:$0x3FC4] =	sst s2  }
0x8f: {  	_ = 	snop  }
0x90: {  	s2 =	sld [smem:$0x3FC7]  }
0x91: {  	s18 =	sld [smem:$0x3FC6];
	(tm) =	ssettm $0x1  }
0x92: {  	s4 =	sld [smem:$0x3FFB];
	_ =	sdelay $0x3  }
0x93: {  	_ =	strace s4  }
0x94: {  	s4 =	sld [smem:$0x3FFC];
	_ =	sdelay $0x3  }
0x95: {  	_ =	strace s4  }
0x96: {  	s4 =	sld [smem:$0x3FFD];
	_ =	sdelay $0x3  }
0x97: {  	_ =	strace s4  }
0x98: {  	_ =	strace $0x8FFFFFFF  }
0x99: {  	s19 =	sld [smem:$0x3FDB];
	_ =	sdelay $0x1  }
0x9a: {  	s5 =	simm.s32 $_scs_section_size  }
0x9b: {  	s6 =	simm.s32 $_size__tile_overlayer_lowered;
	s7 =	simm.s32 $_tile_overlayer_lowered  }
0x9c: {  	s22 =	simm.s32 $0x1BFF;
	s21 =	sshll.u32 s7, $0x1;
	s4 =	sadd.s32 s5, s19  }
0x9d: {  	s8 =	simm.s32 $0x0;
	s20 =	sshll.u32 s6, $0x1;
	s6 =	sadd.s32 s21, s4  }
0x9e: {  	[timem:s8], [sflag:s22] =	dma.local [hbm:s6], s20  }
0x9f: {  	_ =	swait.ge [sflag:s22], s20  }
0xa0: {  	s5 =	ssub.s32 $0x0, s20;
	[sflag:s22] =	ssyncset.done $0x0  }
0xa1: {  	[sflag:s22] =	ssyncadd.s32 s5;
	_ =	sdelay $0x1  }
0xa2: {  	s23 =	simm.s32 $0x1B8B  }
0xa3: {  	_ =	swait.ge [sflag:s23], $0x1  }
0xa4: {  	[sflag:s23] =	ssyncset.done $0x0  }
0xa5: {  	s25 =	simm.s32 $0x1B8E;
	s24 =	sld [smem:$0x3FFE];
	[sflag:s23] =	ssyncadd.s32 $0xFFFFFFFF  }
0xa6: {  	s26 =	simm.s32 $execute0_lowered;
	[smem:$0x3FD2] =	sst s25  }
0xa7: {  	s6 =	sshll.u32 s26, $0x1;
	_ =	strace $0x80000046;
	[dreg:$0x1] =	wrdreg $0xFFFFFFFF  }
0xa8: {  	s28 =	simm.s32 $_size_execute0_lowered;
	s4 =	sadd.s32 s4, s6;
	[dreg:$0x0] =	wrdreg $0x0  }
0xa9: {  	s6 =	sshll.u32 s28, $0x1;
	[dreg:$0x2] =	wrdreg s4  }
0xaa: {  	[dreg:$0x3] =	wrdreg s6  }
0xab: {  	[dreg:$0x4] =	wrdreg $0xC0  }
0xac: {  	_ =	task [dreg:s8], $0x5FFFF  }
0xad: {  	[dreg:$0x1] =	wrdreg $0xFFFFFFFF  }
0xae: {  	[dreg:$0x0] =	wrdreg $0x60  }
0xaf: {  	[dreg:$0x2] =	wrdreg s24  }
0xb0: {  	[dreg:$0x3] =	wrdreg s2  }
0xb1: {  	[dreg:$0x4] =	wrdreg s18  }
0xb2: {  	[dreg:$0x5] =	wrdreg $0x9  }
0xb3: {  	_ =	task.clear_ibuf [dreg:s8], $0x6FFFF;
	_ =	strace $0x90000046  }
0xb4: {  	s29 =	simm.s32 $0x9;
	_ =	strace $0x80000048  }
0xb5: {  	_ =	swait.ge [sflag:s29], $0x1  }
0xb6: {  	[sflag:s29] =	ssyncadd.s32 $0xFFFFFFFF  }
0xb7: {  	_ =	strace $0x90000048  }
0xb8: {  	_ =	sfence  }
0xb9: {  	s30 =	sld [smem:$0x0];
	_ =	sdelay $0x2  }
0xba: {  	s31 =	sshll.u32 s1, $0xD;
	s1 =	sshrl.u32 s1, $0x2  }
0xbb: {  	s3 =	sand.u32 $0x4000, s31;
	s1 =	sadd.s32 s1, s30  }
0xbc: {  	s0 =	sor.u32 s3, s0;
	s1 =	sshll.u32 s1, $0x11  }
0xbd: {  	s0 =	sor.u32 s1, s0  }
0xbe: {  	s0 =	sadd.s32 $0x8F2B, s0  }
0xbf: {  	[sflag:s0] =	ssyncadd.remote.s32 $0x1  }
0xc0: {  	_ =	sfence.sel $0xFFFF  }
0xc1: {  	[dreg:$0x0] =	wrdreg $0xFFFFFFFF;
	(pc) =	sbr.abs _section_cstart, $3  }
0xc2: {  	[dreg:$0x1] =	wrdreg $0xFFFFFFFF  }
0xc3: {  	_ =	task.clear_ibuf [dreg:s8], $0x2FFFF;
	_ =	strace $0x9FFFFFFF  }
0xc4: {  	(tm) =	ssettm $0x7FFFFFFF  }
0xc5: {  	_ =	shalt  }
tec
execute0_lowered:
.L_overlay_start_1:
0x0: {  	(tag) =	ssettag $0x1  }
0x1: {  	s6 =	rddreg [dreg:$0x0]  }
0x2: {  	s2 =	rddreg [dreg:$0x1]  }
0x3: {  	s4 =	rddreg [dreg:$0x2];
	s5 =	simm.s32 $0x0  }
0x4: {  	s0 =	srdreg.scid;
	s1 =	stileid.u32;
	s30 =	simm.s32 $0x186A0  }
0x5: {  	s31 =	simm.s32 $0x18E70;
	[smem:$0x7FF] =	sst s5;
	s0 =	sand.u32 $0x1, s0  }
0x6: {  	s1 =	sshll.u32 s1, $0x1;
	s3 =	sadd.s32 $0x3200, s6;
	s7 =	sadd.s32 $0x68000, s6  }
0x7: {  	s9 =	sadd.s32 $0x6400, s6;
	s10 =	sadd.s32 $0xC9C00, s6;
	s1 =	sor.u32 s0, s1  }
0x8: {  	_ =	strace $0x80000047;
	s0 =	ssub.s32 $0x2, s0;
	s14 =	sshll.u32 s1, $0x1  }
0x9: {  	s8 =	smul.u32 $0x186A0, s1;
	s17 =	sshrl.u32 s0, $0x1;
	s15 =	sadd.s32 s14, s6  }
0xa: {  	[dreg:$0x4] =	wrdreg s3;
	s0 =	ssub.s32 s0, s17;
	s1 =	sadd.s32 $0x12B800, s15  }
0xb: {  	s18 =	sshrl.u32 s8, $0x3;
	s0 =	smax.u32 s0, $0x1;
	[dreg:$0xf] =	wrdreg s1  }
0xc: {  	s6 =	simm.s32 $0x19640;
	s13 =	sadd.s32 s2, s18;
	[dreg:$0x10] =	wrdreg s0  }
0xd: {  	s14 =	simm.s32 $0x0;
	s3 =	sadd.s32 s4, s18;
	[dreg:$0xa] =	wrdreg s13  }
0xe: {  	s11 =	sadd.s32 $0x7D0, s8;
	s21 =	sadd.s32 s10, s18;
	[dreg:$0xb] =	wrdreg s3  }
0xf: {  	s16 =	sadd.s32 $0xFA0, s8;
	s28 =	sadd.s32 s7, s18;
	[dreg:$0x9] =	wrdreg s21  }
0x10: {  	s19 =	sshrl.u32 s11, $0x3;
	s29 =	sadd.s32 s9, s18;
	[dreg:$0x5] =	wrdreg s28  }
0x11: {  	s17 =	sadd.s32 $0x1770, s8;
	s12 =	sadd.s32 s7, s19;
	[dreg:$0x6] =	wrdreg s29  }
0x12: {  	s0 =	simm.s32 $0x1ADB0;
	s20 =	sadd.s32 s9, s19;
	[dreg:$0x7] =	wrdreg s12  }
0x13: {  	s1 =	simm.s32 $0x1;
	s22 =	sadd.s32 s10, s19;
	[dreg:$0x8] =	wrdreg s20  }
0x14: {  	s23 =	sadd.s32 s2, s19;
	s24 =	sadd.s32 s4, s19;
	[dreg:$0xc] =	wrdreg s22  }
0x15: {  	s25 =	sadd.s32 $0x2EE0, s21;
	s26 =	sadd.s32 $0x2FDA, s21;
	[dreg:$0xd] =	wrdreg s23  }
0x16: {  	s13 =	simm.s32 $0x5;
	s3 =	simm.s32 $0x1B580;
	[dreg:$0xe] =	wrdreg s24  }
0x17: {  	s19 =	simm.s32 $0x2;
	s21 =	simm.s32 $0x3;
	[dreg:$0x11] =	wrdreg s25  }
0x18: {  	[dreg:$0x12] =	wrdreg s26;
	s20 =	simm.s32 $0x1BD50;
	s22 =	simm.s32 $0x4  }
0x19: {  	s24 =	simm.s32 $0x1A5E0;
	s25 =	simm.s32 $0x1C520;
	s26 =	simm.s32 $0x1CCF0  }
.LBB2_1:
0x1a: {  	[dreg:$0x13] =	wrdreg s14  }
0x1b: {  	s12 =	rddreg [dreg:$0x4]  }
0x1c: {  	[tilespmem:s5], [sflag:$0x5] =	stream.linear.gather [hbm4b:s12+s5], $0x186A0, $0x38;
	[tilespmem:$0x1D4D0] =	vst v63  }
0x1d: {  	_ =	swait.ge [sflag:s13], $0x186A0  }
0x1e: {  	[sflag:s13] =	ssyncset.done $0x0  }
0x1f: {  	[sflag:s13] =	ssyncadd.s32 $0xFFFE7960  }
0x20: {  	[tilespmem:s30], [sflag:$0x1] =	stream.linear.gather [hbm4b:s28+s5], $0x7D0, $0x38;
	[tilespmem:$0x1D4D0] =	vst v63  }
0x21: {  	_ = 	snop  }
0x22: {  	[tilespmem:s31], [sflag:$0x1] =	stream.linear.gather [hbm4b:s29+s5], $0x7D0, $0x38;
	[tilespmem:$0x1D4D0] =	vst v63  }
0x23: {  	s18 =	rddreg [dreg:$0x7]  }
0x24: {  	[tilespmem:s0], [sflag:$0x2] =	stream.linear.gather [hbm4b:s18+s5], $0x7D0, $0x38;
	[tilespmem:$0x1D4D0] =	vst v63  }
0x25: {  	s23 =	rddreg [dreg:$0x8];
	s18 =	simm.s32 $0x0  }
0x26: {  	[tilespmem:s3], [sflag:$0x2] =	stream.linear.gather [hbm4b:s23+s5], $0x7D0, $0x38;
	[tilespmem:$0x1D4D0] =	vst v63  }
.LBB2_2:
0x27: {  	_ =	swait.ge [sflag:s1], $0x7D0  }
0x28: {  	[sflag:s1] =	ssyncset.done $0x0  }
0x29: {  	[sflag:s1] =	ssyncadd.s32 $0xFFFFF830  }
0x2a: {  	_ =	swait.ge [sflag:s1], $0x7D0  }
0x2b: {  	[sflag:s1] =	ssyncset.done $0x0  }
0x2c: {  	s12 =	simm.s32 $0x186C0;
	[sflag:s1] =	ssyncadd.s32 $0xFFFFF830  }
0x2d: {  	s13 =	simm.s32 $0x18E90;
	v0 =	vld [tilespmem:s12+$0x20]  }
0x2e: {  	v1 =	vld [tilespmem:s13+$0x20]  }
0x2f: {  	v2 =	vld [tilespmem:s13+$0xFFFFFFE0]  }
0x30: {  	v3 =	vld [tilespmem:s12+$0xFFFFFFF0]  }
0x31: {  	v4 =	vld [tilespmem:s13+$0xFFFFFFF0]  }
0x32: {  	v5 =	vld [tilespmem:s12+$0x0]  }
0x33: {  	v6 =	vld [tilespmem:s13+$0x0]  }
0x34: {  	v7 =	vld [tilespmem:s12+$0x10]  }
0x35: {  	v8 =	vld [tilespmem:s13+$0x10]  }
0x36: {  	s23 =	simm.s32 $0x18710;
	v9 =	vld [tilespmem:s12+$0xFFFFFFE0]  }
0x37: {  	v15 =	vld [tilespmem:s23+$0xFFFFFFF0]  }
0x38: {  	v0 =	vld.idx.msk [tilespmem:v0+s5+$0x0], $0xffff  }
0x39: {  	v1 =	vld.idx.msk [tilespmem:v1+s5+$0x0], $0xffff  }
0x3a: {  	v2 =	vld.idx.msk [tilespmem:v2+s5+$0x0], $0xffff  }
0x3b: {  	v3 =	vld.idx.msk [tilespmem:v3+s5+$0x0], $0xffff  }
0x3c: {  	v4 =	vld.idx.msk [tilespmem:v4+s5+$0x0], $0xffff  }
0x3d: {  	v5 =	vld.idx.msk [tilespmem:v5+s5+$0x0], $0xffff  }
0x3e: {  	v6 =	vld.idx.msk [tilespmem:v6+s5+$0x0], $0xffff  }
0x3f: {  	v7 =	vld.idx.msk [tilespmem:v7+s5+$0x0], $0xffff;
	v10 =	vshll.u32 v0, $0x10  }
0x40: {  	v8 =	vld.idx.msk [tilespmem:v8+s5+$0x0], $0xffff;
	v11 =	vshll.u32 v1, $0x10;
	v0 =	vand.u32 $0xFFFF0000, v0;
	v1 =	vand.u32 $0xFFFF0000, v1  }
0x41: {  	v9 =	vld.idx.msk [tilespmem:v9+s5+$0x0], $0xffff;
	v12 =	vshll.u32 v2, $0x10;
	v2 =	vand.u32 $0xFFFF0000, v2;
	v14 =	vshll.u32 v3, $0x10  }
0x42: {  	s12 =	simm.s32 $0x18EE0;
	v3 =	vand.u32 $0xFFFF0000, v3;
	v16 =	vshll.u32 v4, $0x10;
	v0 =	vsub.f32 v0, v1;
	v1 =	vld [tilespmem:s23+$0x20]  }
0x43: {  	v4 =	vand.u32 $0xFFFF0000, v4;
	v57 =	vshll.u32 v5, $0x10;
	v10 =	vsub.f32 v10, v11;
	v11 =	vld [tilespmem:s12+$0x20]  }
0x44: {  	v17 =	vld [tilespmem:s23+$0x0];
	v5 =	vand.u32 $0xFFFF0000, v5;
	v58 =	vshll.u32 v7, $0x10;
	v7 =	vand.u32 $0xFFFF0000, v7  }
0x45: {  	v19 =	vld [tilespmem:s23+$0x10];
	v14 =	vsub.f32 v14, v16;
	v3 =	vsub.f32 v3, v4;
	v4 =	vshll.u32 v6, $0x10  }
0x46: {  	v13 =	vld [tilespmem:s12+$0xFFFFFFE0];
	v6 =	vand.u32 $0xFFFF0000, v6;
	v10 =	vmul.f32 v10, v10;
	v0 =	vmul.f32 v0, v0  }
0x47: {  	v18 =	vld [tilespmem:s12+$0x0];
	v59 =	vshll.u32 v8, $0x10;
	v4 =	vsub.f32 v57, v4;
	v5 =	vsub.f32 v5, v6  }
0x48: {  	v6 =	vshll.u32 v9, $0x10;
	v9 =	vand.u32 $0xFFFF0000, v9;
	v0 =	vadd.f32 v0, v10;
	v10 =	vld [tilespmem:s12+$0xFFFFFFF0]  }
0x49: {  	v61 =	vld [tilespmem:s23+$0xFFFFFFE0];
	v8 =	vand.u32 $0xFFFF0000, v8;
	v6 =	vsub.f32 v6, v12;
	v2 =	vsub.f32 v9, v2  }
0x4a: {  	v3 =	vmul.f32 v3, v3;
	v12 =	vsub.f32 v58, v59;
	v4 =	vmul.f32 v4, v4;
	v1 =	vld.idx.msk [tilespmem:v1+s5+$0x0], $0xffff  }
0x4b: {  	v7 =	vsub.f32 v7, v8;
	v6 =	vmul.f32 v6, v6;
	v2 =	vmul.f32 v2, v2;
	v9 =	vld.idx.msk [tilespmem:v11+s5+$0x0], $0xffff  }
0x4c: {  	v60 =	vld [tilespmem:s12+$0x10];
	v5 =	vmul.f32 v5, v5;
	v12 =	vmul.f32 v12, v12  }
0x4d: {  	v62 =	vld.idx.msk [tilespmem:v15+s5+$0x0], $0xffff;
	v2 =	vadd.f32 v2, v6;
	v6 =	vmul.f32 v7, v7;
	v11 =	vmul.f32 v14, v14  }
0x4e: {  	s13 =	simm.s32 $0x19660;
	v8 =	vld.idx.msk [tilespmem:v13+s5+$0x0], $0xffff;
	v63 =	vadd.f32 v5, v4  }
0x4f: {  	v4 =	vld.idx.msk [tilespmem:v18+s5+$0x0], $0xffff;
	[tilespmem:s13+$0xFFFFFFE0] =	vst v2;
	v2 =	vadd.f32 v6, v12;
	v11 =	vadd.f32 v3, v11;
	v5 =	vshll.u32 v1, $0x10  }
0x50: {  	[tilespmem:s13+$0x20] =	vst v0;
	v7 =	vld.idx.msk [tilespmem:v10+s5+$0x0], $0xffff;
	v0 =	vshll.u32 v9, $0x10;
	v1 =	vand.u32 $0xFFFF0000, v1;
	v9 =	vand.u32 $0xFFFF0000, v9  }
0x51: {  	v3 =	vld.idx.msk [tilespmem:v17+s5+$0x0], $0xffff;
	[tilespmem:s13+$0xFFFFFFF0] =	vst v11;
	v10 =	vsub.f32 v5, v0;
	v11 =	vsub.f32 v1, v9  }
0x52: {  	v6 =	vld.idx.msk [tilespmem:v61+s5+$0x0], $0xffff  }
0x53: {  	[tilespmem:s13+$0x10] =	vst v2;
	v2 =	vand.u32 $0xFFFF0000, v8;
	v5 =	vld.idx.msk [tilespmem:v19+s5+$0x0], $0xffff;
	v9 =	vmul.f32 v10, v10;
	v10 =	vmul.f32 v11, v11  }
0x54: {  	s14 =	simm.s32 $0x5;
	s15 =	simm.s32 $0x18760;
	[tilespmem:s13+$0x0] =	vst v63;
	v0 =	vshll.u32 v8, $0x10;
	v1 =	vld.idx.msk [tilespmem:v60+s5+$0x0], $0xffff;
	v8 =	vand.u32 $0xFFFF0000, v62;
	v11 =	vshll.u32 v62, $0x10  }
.LBB2_3:
0x55: {  	v12 =	vld [tilespmem:s15+$0x20];
	v13 =	vshll.u32 v7, $0x10;
	v7 =	vand.u32 $0xFFFF0000, v7;
	v9 =	vadd.f32 v10, v9;
	s12 =	sadd.s32 $0x50, s12  }
0x56: {  	s14 =	sadd.s32 $0x5, s14;
	s13 =	sadd.s32 $0x50, s13;
	v10 =	vld [tilespmem:s12+$0x20];
	v11 =	vsub.f32 v11, v13;
	v13 =	vshll.u32 v3, $0x10;
	v3 =	vand.u32 $0xFFFF0000, v3  }
0x57: {  	p0 =	slt.u32 s14, $0x78;
	v7 =	vsub.f32 v8, v7;
	v8 =	vshll.u32 v4, $0x10;
	v4 =	vand.u32 $0xFFFF0000, v4;
	v14 =	vld [tilespmem:s12+$0xFFFFFFE0];
	[tilespmem:s13+$0x20] =	vst v9  }
0x58: {  	v8 =	vsub.f32 v13, v8;
	v13 =	vshll.u32 v5, $0x10;
	v5 =	vand.u32 $0xFFFF0000, v5;
	v9 =	vld [tilespmem:s15+$0xFFFFFFF0]  }
0x59: {  	v3 =	vsub.f32 v3, v4;
	v4 =	vshll.u32 v1, $0x10;
	v1 =	vand.u32 $0xFFFF0000, v1;
	v15 =	vld [tilespmem:s12+$0xFFFFFFF0]  }
0x5a: {  	v17 =	vshll.u32 v6, $0x10;
	v6 =	vand.u32 $0xFFFF0000, v6;
	v4 =	vsub.f32 v13, v4;
	v16 =	vld [tilespmem:s15+$0x0]  }
0x5b: {  	v0 =	vsub.f32 v17, v0;
	v2 =	vsub.f32 v6, v2;
	v6 =	vmul.f32 v11, v11;
	v13 =	vld [tilespmem:s12+$0x0]  }
0x5c: {  	v7 =	vmul.f32 v7, v7;
	v8 =	vmul.f32 v8, v8;
	v1 =	vsub.f32 v5, v1;
	v11 =	vld [tilespmem:s15+$0x10]  }
0x5d: {  	v0 =	vmul.f32 v0, v0;
	v2 =	vmul.f32 v2, v2;
	v5 =	vld.idx.msk [tilespmem:v12+s5+$0x0], $0xffff  }
0x5e: {  	v3 =	vmul.f32 v3, v3;
	v4 =	vmul.f32 v4, v4;
	v6 =	vadd.f32 v7, v6;
	v10 =	vld.idx.msk [tilespmem:v10+s5+$0x0], $0xffff  }
0x5f: {  	v1 =	vmul.f32 v1, v1;
	v0 =	vadd.f32 v2, v0;
	v12 =	vld [tilespmem:s12+$0x10]  }
0x60: {  	v3 =	vadd.f32 v3, v8;
	v2 =	vld [tilespmem:s15+$0xFFFFFFE0];
	[tilespmem:s13+$0xFFFFFFF0] =	vst v6  }
0x61: {  	v8 =	vld.idx.msk [tilespmem:v14+s5+$0x0], $0xffff;
	[tilespmem:s13+$0xFFFFFFE0] =	vst v0;
	v0 =	vadd.f32 v1, v4  }
0x62: {  	v14 =	vld.idx.msk [tilespmem:v9+s5+$0x0], $0xffff;
	[tilespmem:s13+$0x0] =	vst v3  }
0x63: {  	v1 =	vshll.u32 v5, $0x10;
	v7 =	vld.idx.msk [tilespmem:v15+s5+$0x0], $0xffff;
	[tilespmem:s13+$0x10] =	vst v0  }
.Ltmp0:
0x64: {  	v5 =	vand.u32 $0xFFFF0000, v5;
	v0 =	vshll.u32 v10, $0x10;
	v6 =	vand.u32 $0xFFFF0000, v10;
	v3 =	vld.idx.msk [tilespmem:v16+s5+$0x0], $0xffff;
	(pc) =	sbr.rel @p0 .LBB2_3-.Ltmp0, $4  }
0x65: {  	v9 =	vsub.f32 v1, v0;
	v6 =	vsub.f32 v5, v6;
	v4 =	vld.idx.msk [tilespmem:v13+s5+$0x0], $0xffff  }
0x66: {  	v5 =	vld.idx.msk [tilespmem:v11+s5+$0x0], $0xffff  }
0x67: {  	v0 =	vshll.u32 v8, $0x10;
	v9 =	vmul.f32 v9, v9;
	v10 =	vmul.f32 v6, v6;
	v1 =	vld.idx.msk [tilespmem:v12+s5+$0x0], $0xffff  }
0x68: {  	s15 =	sadd.s32 $0x50, s15;
	v11 =	vshll.u32 v14, $0x10;
	v6 =	vld.idx.msk [tilespmem:v2+s5+$0x0], $0xffff;
	v2 =	vand.u32 $0xFFFF0000, v8;
	v8 =	vand.u32 $0xFFFF0000, v14  }
0x69: {  	v12 =	vshll.u32 v7, $0x10  }
0x6a: {  	v7 =	vand.u32 $0xFFFF0000, v7;
	v9 =	vadd.f32 v10, v9;
	v10 =	vsub.f32 v11, v12  }
0x6b: {  	v11 =	vshll.u32 v3, $0x10;
	v3 =	vand.u32 $0xFFFF0000, v3;
	v54 =	vshll.u32 v4, $0x10  }
0x6c: {  	v7 =	vsub.f32 v8, v7;
	v4 =	vand.u32 $0xFFFF0000, v4;
	v8 =	vsub.f32 v11, v54  }
0x6d: {  	v11 =	vshll.u32 v5, $0x10;
	v5 =	vand.u32 $0xFFFF0000, v5;
	v3 =	vsub.f32 v3, v4  }
0x6e: {  	v4 =	vshll.u32 v1, $0x10;
	v55 =	vshll.u32 v6, $0x10;
	v6 =	vand.u32 $0xFFFF0000, v6  }
0x6f: {  	v1 =	vand.u32 $0xFFFF0000, v1;
	v0 =	vsub.f32 v55, v0;
	v2 =	vsub.f32 v6, v2  }
0x70: {  	v7 =	vmul.f32 v7, v7;
	v4 =	vsub.f32 v11, v4;
	v6 =	vmul.f32 v10, v10  }
0x71: {  	v1 =	vsub.f32 v5, v1;
	v0 =	vmul.f32 v0, v0;
	v2 =	vmul.f32 v2, v2  }
0x72: {  	s13 =	sadd.s32 $0x50, s13;
	s12 =	smul.u32 $0xFA0, s18;
	v5 =	vmul.f32 v8, v8;
	v3 =	vmul.f32 v3, v3;
	v6 =	vadd.f32 v7, v6  }
0x73: {  	[tilespmem:s13+$0x20] =	vst v9;
	v4 =	vmul.f32 v4, v4;
	v1 =	vmul.f32 v1, v1;
	v0 =	vadd.f32 v2, v0  }
0x74: {  	s14 =	sadd.s32 s8, s12;
	[tilespmem:s13+$0xFFFFFFF0] =	vst v6;
	v2 =	vadd.f32 v3, v5  }
0x75: {  	s14 =	sshrl.u32 s14, $0x3;
	[tilespmem:s13+$0xFFFFFFE0] =	vst v0;
	v0 =	vadd.f32 v1, v4  }
0x76: {  	s23 =	sadd.s32 s10, s14;
	s14 =	sadd.s32 s12, s16;
	[tilespmem:s13+$0x0] =	vst v2  }
0x77: {  	[tilespmem:s13+$0x10] =	vst v0;
	s13 =	sshrl.u32 s14, $0x3  }
0x78: {  	[hbm4b:s23+s5] =	stream.linear.scatter [tilespmem:s6], [sflag:$0x3], $0x7D0, $0x38;
	[tilespmem:$0x1D4D0] =	vst v63  }
0x79: {  	s15 =	sadd.s32 s7, s13  }
0x7a: {  	[tilespmem:s30], [sflag:$0x1] =	stream.linear.gather [hbm4b:s15+s5], $0x7D0, $0x38;
	[tilespmem:$0x1D4D0] =	vst v63  }
0x7b: {  	s13 =	sadd.s32 s9, s13  }
0x7c: {  	[tilespmem:s31], [sflag:$0x1] =	stream.linear.gather [hbm4b:s13+s5], $0x7D0, $0x38;
	[tilespmem:$0x1D4D0] =	vst v63  }
0x7d: {  	_ =	swait.ge [sflag:s19], $0x7D0  }
0x7e: {  	[sflag:s19] =	ssyncset.done $0x0  }
0x7f: {  	[sflag:s19] =	ssyncadd.s32 $0xFFFFF830  }
0x80: {  	_ =	swait.ge [sflag:s19], $0x7D0  }
0x81: {  	[sflag:s19] =	ssyncset.done $0x0  }
0x82: {  	s23 =	simm.s32 $0x1ADD0;
	[sflag:s19] =	ssyncadd.s32 $0xFFFFF830  }
0x83: {  	s15 =	simm.s32 $0x1B5A0;
	v0 =	vld [tilespmem:s23+$0x20]  }
0x84: {  	v1 =	vld [tilespmem:s15+$0x20]  }
0x85: {  	v2 =	vld [tilespmem:s15+$0xFFFFFFE0]  }
0x86: {  	v3 =	vld [tilespmem:s23+$0xFFFFFFF0]  }
0x87: {  	v4 =	vld [tilespmem:s15+$0xFFFFFFF0]  }
0x88: {  	v5 =	vld [tilespmem:s23+$0x0]  }
0x89: {  	v6 =	vld [tilespmem:s15+$0x0]  }
0x8a: {  	v7 =	vld [tilespmem:s23+$0x10]  }
0x8b: {  	v8 =	vld [tilespmem:s15+$0x10]  }
0x8c: {  	s13 =	simm.s32 $0x1B5F0;
	v9 =	vld [tilespmem:s23+$0xFFFFFFE0]  }
0x8d: {  	v13 =	vld [tilespmem:s13+$0xFFFFFFE0]  }
0x8e: {  	v0 =	vld.idx.msk [tilespmem:v0+s5+$0x0], $0xffff  }
0x8f: {  	v1 =	vld.idx.msk [tilespmem:v1+s5+$0x0], $0xffff  }
0x90: {  	v2 =	vld.idx.msk [tilespmem:v2+s5+$0x0], $0xffff  }
0x91: {  	v3 =	vld.idx.msk [tilespmem:v3+s5+$0x0], $0xffff  }
0x92: {  	v4 =	vld.idx.msk [tilespmem:v4+s5+$0x0], $0xffff  }
0x93: {  	v5 =	vld.idx.msk [tilespmem:v5+s5+$0x0], $0xffff  }
0x94: {  	v7 =	vld.idx.msk [tilespmem:v7+s5+$0x0], $0xffff  }
0x95: {  	v8 =	vld.idx.msk [tilespmem:v8+s5+$0x0], $0xffff;
	v10 =	vshll.u32 v0, $0x10  }
0x96: {  	v6 =	vld.idx.msk [tilespmem:v6+s5+$0x0], $0xffff;
	v11 =	vshll.u32 v1, $0x10;
	v0 =	vand.u32 $0xFFFF0000, v0;
	v1 =	vand.u32 $0xFFFF0000, v1  }
0x97: {  	s23 =	simm.s32 $0x1AE20;
	v9 =	vld.idx.msk [tilespmem:v9+s5+$0x0], $0xffff;
	v56 =	vshll.u32 v2, $0x10;
	v2 =	vand.u32 $0xFFFF0000, v2;
	v14 =	vshll.u32 v3, $0x10  }
0x98: {  	v3 =	vand.u32 $0xFFFF0000, v3;
	v16 =	vshll.u32 v4, $0x10;
	v0 =	vsub.f32 v0, v1;
	v1 =	vld [tilespmem:s23+$0x20]  }
0x99: {  	v4 =	vand.u32 $0xFFFF0000, v4;
	v57 =	vshll.u32 v5, $0x10;
	v10 =	vsub.f32 v10, v11;
	v11 =	vld [tilespmem:s13+$0x20]  }
0x9a: {  	v18 =	vld [tilespmem:s13+$0x0];
	v5 =	vand.u32 $0xFFFF0000, v5;
	v58 =	vshll.u32 v7, $0x10;
	v59 =	vshll.u32 v8, $0x10  }
0x9b: {  	v15 =	vld [tilespmem:s23+$0xFFFFFFF0];
	v14 =	vsub.f32 v14, v16;
	v3 =	vsub.f32 v3, v4;
	v4 =	vshll.u32 v6, $0x10  }
0x9c: {  	v17 =	vld [tilespmem:s23+$0x0];
	v6 =	vand.u32 $0xFFFF0000, v6;
	v10 =	vmul.f32 v10, v10;
	v0 =	vmul.f32 v0, v0  }
0x9d: {  	v19 =	vld [tilespmem:s23+$0x10];
	v7 =	vand.u32 $0xFFFF0000, v7;
	v12 =	vsub.f32 v58, v59;
	v5 =	vsub.f32 v5, v6  }
0x9e: {  	v6 =	vshll.u32 v9, $0x10;
	v9 =	vand.u32 $0xFFFF0000, v9;
	v0 =	vadd.f32 v0, v10;
	v10 =	vld [tilespmem:s13+$0xFFFFFFF0]  }
0x9f: {  	v61 =	vld [tilespmem:s23+$0xFFFFFFE0];
	v8 =	vand.u32 $0xFFFF0000, v8;
	v6 =	vsub.f32 v6, v56;
	v2 =	vsub.f32 v9, v2  }
0xa0: {  	v4 =	vsub.f32 v57, v4;
	v3 =	vmul.f32 v3, v3;
	v12 =	vmul.f32 v12, v12;
	v1 =	vld.idx.msk [tilespmem:v1+s5+$0x0], $0xffff  }
0xa1: {  	v7 =	vsub.f32 v7, v8;
	v6 =	vmul.f32 v6, v6;
	v2 =	vmul.f32 v2, v2;
	v9 =	vld.idx.msk [tilespmem:v11+s5+$0x0], $0xffff  }
0xa2: {  	v60 =	vld [tilespmem:s13+$0x10];
	v4 =	vmul.f32 v4, v4;
	v5 =	vmul.f32 v5, v5  }
0xa3: {  	v62 =	vld.idx.msk [tilespmem:v15+s5+$0x0], $0xffff;
	v2 =	vadd.f32 v2, v6;
	v6 =	vmul.f32 v7, v7;
	v11 =	vmul.f32 v14, v14  }
0xa4: {  	s14 =	simm.s32 $0x1BD70;
	v8 =	vld.idx.msk [tilespmem:v13+s5+$0x0], $0xffff;
	v63 =	vadd.f32 v5, v4  }
0xa5: {  	v4 =	vld.idx.msk [tilespmem:v18+s5+$0x0], $0xffff;
	[tilespmem:s14+$0xFFFFFFE0] =	vst v2;
	v2 =	vadd.f32 v6, v12;
	v11 =	vadd.f32 v3, v11;
	v5 =	vshll.u32 v1, $0x10  }
0xa6: {  	[tilespmem:s14+$0x20] =	vst v0;
	v7 =	vld.idx.msk [tilespmem:v10+s5+$0x0], $0xffff;
	v0 =	vshll.u32 v9, $0x10;
	v1 =	vand.u32 $0xFFFF0000, v1;
	v9 =	vand.u32 $0xFFFF0000, v9  }
0xa7: {  	v3 =	vld.idx.msk [tilespmem:v17+s5+$0x0], $0xffff;
	[tilespmem:s14+$0xFFFFFFF0] =	vst v11;
	v10 =	vsub.f32 v5, v0;
	v11 =	vsub.f32 v1, v9  }
0xa8: {  	v6 =	vld.idx.msk [tilespmem:v61+s5+$0x0], $0xffff  }
0xa9: {  	[tilespmem:s14+$0x10] =	vst v2;
	v2 =	vand.u32 $0xFFFF0000, v8;
	v5 =	vld.idx.msk [tilespmem:v19+s5+$0x0], $0xffff;
	v9 =	vmul.f32 v10, v10;
	v10 =	vmul.f32 v11, v11  }
0xaa: {  	s15 =	simm.s32 $0x5;
	s23 =	simm.s32 $0x1AE70;
	[tilespmem:s14+$0x0] =	vst v63;
	v0 =	vshll.u32 v8, $0x10;
	v1 =	vld.idx.msk [tilespmem:v60+s5+$0x0], $0xffff;
	v8 =	vand.u32 $0xFFFF0000, v62;
	v11 =	vshll.u32 v62, $0x10  }
.LBB2_5:
0xab: {  	v12 =	vld [tilespmem:s23+$0x20];
	v13 =	vshll.u32 v7, $0x10;
	v7 =	vand.u32 $0xFFFF0000, v7;
	v9 =	vadd.f32 v10, v9;
	s13 =	sadd.s32 $0x50, s13  }
0xac: {  	s15 =	sadd.s32 $0x5, s15;
	s14 =	sadd.s32 $0x50, s14;
	v10 =	vld [tilespmem:s13+$0x20];
	v11 =	vsub.f32 v11, v13;
	v13 =	vshll.u32 v3, $0x10;
	v3 =	vand.u32 $0xFFFF0000, v3  }
0xad: {  	p0 =	slt.u32 s15, $0x78;
	v7 =	vsub.f32 v8, v7;
	v8 =	vshll.u32 v4, $0x10;
	v4 =	vand.u32 $0xFFFF0000, v4;
	v14 =	vld [tilespmem:s13+$0xFFFFFFE0];
	[tilespmem:s14+$0x20] =	vst v9  }
0xae: {  	v8 =	vsub.f32 v13, v8;
	v13 =	vshll.u32 v5, $0x10;
	v5 =	vand.u32 $0xFFFF0000, v5;
	v9 =	vld [tilespmem:s23+$0xFFFFFFF0]  }
0xaf: {  	v3 =	vsub.f32 v3, v4;
	v4 =	vshll.u32 v1, $0x10;
	v1 =	vand.u32 $0xFFFF0000, v1;
	v15 =	vld [tilespmem:s13+$0xFFFFFFF0]  }
0xb0: {  	v17 =	vshll.u32 v6, $0x10;
	v6 =	vand.u32 $0xFFFF0000, v6;
	v4 =	vsub.f32 v13, v4;
	v16 =	vld [tilespmem:s23+$0x0]  }
0xb1: {  	v0 =	vsub.f32 v17, v0;
	v2 =	vsub.f32 v6, v2;
	v6 =	vmul.f32 v11, v11;
	v13 =	vld [tilespmem:s13+$0x0]  }
0xb2: {  	v7 =	vmul.f32 v7, v7;
	v8 =	vmul.f32 v8, v8;
	v1 =	vsub.f32 v5, v1;
	v11 =	vld [tilespmem:s23+$0x10]  }
0xb3: {  	v0 =	vmul.f32 v0, v0;
	v2 =	vmul.f32 v2, v2;
	v5 =	vld.idx.msk [tilespmem:v12+s5+$0x0], $0xffff  }
0xb4: {  	v3 =	vmul.f32 v3, v3;
	v4 =	vmul.f32 v4, v4;
	v6 =	vadd.f32 v7, v6;
	v10 =	vld.idx.msk [tilespmem:v10+s5+$0x0], $0xffff  }
0xb5: {  	v1 =	vmul.f32 v1, v1;
	v0 =	vadd.f32 v2, v0;
	v12 =	vld [tilespmem:s13+$0x10]  }
0xb6: {  	v3 =	vadd.f32 v3, v8;
	v2 =	vld [tilespmem:s23+$0xFFFFFFE0];
	[tilespmem:s14+$0xFFFFFFF0] =	vst v6  }
0xb7: {  	v8 =	vld.idx.msk [tilespmem:v14+s5+$0x0], $0xffff;
	[tilespmem:s14+$0xFFFFFFE0] =	vst v0;
	v0 =	vadd.f32 v1, v4  }
0xb8: {  	v14 =	vld.idx.msk [tilespmem:v9+s5+$0x0], $0xffff;
	[tilespmem:s14+$0x0] =	vst v3  }
0xb9: {  	v1 =	vshll.u32 v5, $0x10;
	v7 =	vld.idx.msk [tilespmem:v15+s5+$0x0], $0xffff;
	[tilespmem:s14+$0x10] =	vst v0  }
.Ltmp1:
0xba: {  	v5 =	vand.u32 $0xFFFF0000, v5;
	v0 =	vshll.u32 v10, $0x10;
	v6 =	vand.u32 $0xFFFF0000, v10;
	v3 =	vld.idx.msk [tilespmem:v16+s5+$0x0], $0xffff;
	(pc) =	sbr.rel @p0 .LBB2_5-.Ltmp1, $4  }
0xbb: {  	v9 =	vsub.f32 v1, v0;
	v6 =	vsub.f32 v5, v6;
	v4 =	vld.idx.msk [tilespmem:v13+s5+$0x0], $0xffff  }
0xbc: {  	v5 =	vld.idx.msk [tilespmem:v11+s5+$0x0], $0xffff  }
0xbd: {  	v0 =	vshll.u32 v8, $0x10;
	v9 =	vmul.f32 v9, v9;
	v10 =	vmul.f32 v6, v6;
	v1 =	vld.idx.msk [tilespmem:v12+s5+$0x0], $0xffff  }
0xbe: {  	s23 =	sadd.s32 $0x50, s23;
	v11 =	vshll.u32 v14, $0x10;
	v6 =	vld.idx.msk [tilespmem:v2+s5+$0x0], $0xffff;
	v2 =	vand.u32 $0xFFFF0000, v8;
	v8 =	vand.u32 $0xFFFF0000, v14  }
0xbf: {  	v12 =	vshll.u32 v7, $0x10  }
0xc0: {  	v47 =	vand.u32 $0xFFFF0000, v7;
	v9 =	vadd.f32 v10, v9;
	v49 =	vshll.u32 v3, $0x10  }
0xc1: {  	v50 =	vand.u32 $0xFFFF0000, v3;
	v48 =	vsub.f32 v11, v12;
	v51 =	vshll.u32 v4, $0x10  }
0xc2: {  	v7 =	vsub.f32 v8, v47;
	v52 =	vand.u32 $0xFFFF0000, v4;
	v53 =	vsub.f32 v49, v51  }
0xc3: {  	v54 =	vshll.u32 v5, $0x10;
	v55 =	vand.u32 $0xFFFF0000, v5;
	v3 =	vsub.f32 v50, v52  }
0xc4: {  	v56 =	vshll.u32 v1, $0x10;
	v59 =	vand.u32 $0xFFFF0000, v1;
	v60 =	vmul.f32 v48, v48  }
0xc5: {  	v7 =	vmul.f32 v7, v7;
	v57 =	vshll.u32 v6, $0x10;
	v58 =	vand.u32 $0xFFFF0000, v6  }
0xc6: {  	v4 =	vsub.f32 v54, v56;
	v1 =	vsub.f32 v55, v59;
	v61 =	vmul.f32 v53, v53  }
0xc7: {  	v3 =	vmul.f32 v3, v3;
	v0 =	vsub.f32 v57, v0;
	v2 =	vsub.f32 v58, v2  }
0xc8: {  	s13 =	sadd.s32 $0x50, s14;
	v6 =	vadd.f32 v7, v60;
	v4 =	vmul.f32 v4, v4;
	v1 =	vmul.f32 v1, v1  }
0xc9: {  	[tilespmem:s13+$0x20] =	vst v9;
	v62 =	vadd.f32 v3, v61;
	v0 =	vmul.f32 v0, v0;
	v2 =	vmul.f32 v2, v2  }
0xca: {  	[tilespmem:s13+$0xFFFFFFF0] =	vst v6;
	v63 =	vadd.f32 v1, v4  }
0xcb: {  	s23 =	sadd.s32 s12, s11;
	[tilespmem:s13+$0x0] =	vst v62;
	v0 =	vadd.f32 v2, v0  }
0xcc: {  	s15 =	sadd.s32 s12, s17;
	s14 =	sshrl.u32 s23, $0x3;
	[tilespmem:s13+$0x10] =	vst v63  }
0xcd: {  	s12 =	sshrl.u32 s15, $0x3;
	s14 =	sadd.s32 s10, s14;
	[tilespmem:s13+$0xFFFFFFE0] =	vst v0  }
0xce: {  	[hbm4b:s14+s5] =	stream.linear.scatter [tilespmem:s20], [sflag:$0x4], $0x7D0, $0x38;
	[tilespmem:$0x1D4D0] =	vst v63  }
0xcf: {  	s23 =	sadd.s32 s7, s12  }
0xd0: {  	[tilespmem:s0], [sflag:$0x2] =	stream.linear.gather [hbm4b:s23+s5], $0x7D0, $0x38;
	[tilespmem:$0x1D4D0] =	vst v63  }
0xd1: {  	s18 =	sadd.s32 $0x1, s18;
	s12 =	sadd.s32 s9, s12  }
0xd2: {  	[tilespmem:s3], [sflag:$0x2] =	stream.linear.gather [hbm4b:s12+s5], $0x7D0, $0x38;
	[tilespmem:$0x1D4D0] =	vst v63  }
0xd3: {  	p0 =	sne.s32 s18, $0x18;
	_ =	swait.ge [sflag:s21], $0x7D0  }
.Ltmp2:
0xd4: {  	[sflag:s21] =	ssyncset.done $0x0;
	(pc) =	sbr.rel @p0 .LBB2_2-.Ltmp2, $4  }
0xd5: {  	[sflag:s21] =	ssyncadd.s32 $0xFFFFF830  }
0xd6: {  	_ =	swait.ge [sflag:s22], $0x7D0  }
0xd7: {  	[sflag:s22] =	ssyncset.done $0x0  }
0xd8: {  	[sflag:s22] =	ssyncadd.s32 $0xFFFFF830  }
0xd9: {  	_ =	swait.ge [sflag:s1], $0x7D0  }
0xda: {  	[sflag:s1] =	ssyncset.done $0x0  }
0xdb: {  	[sflag:s1] =	ssyncadd.s32 $0xFFFFF830  }
0xdc: {  	_ =	swait.ge [sflag:s1], $0x7D0  }
0xdd: {  	[sflag:s1] =	ssyncset.done $0x0  }
0xde: {  	s12 =	simm.s32 $0x186C0;
	[sflag:s1] =	ssyncadd.s32 $0xFFFFF830  }
0xdf: {  	s13 =	simm.s32 $0x18E90;
	v0 =	vld [tilespmem:s12+$0x20]  }
0xe0: {  	v1 =	vld [tilespmem:s13+$0x20]  }
0xe1: {  	v2 =	vld [tilespmem:s13+$0xFFFFFFE0]  }
0xe2: {  	v3 =	vld [tilespmem:s12+$0xFFFFFFF0]  }
0xe3: {  	v4 =	vld [tilespmem:s13+$0xFFFFFFF0]  }
0xe4: {  	v5 =	vld [tilespmem:s12+$0x0]  }
0xe5: {  	v6 =	vld [tilespmem:s13+$0x0]  }
0xe6: {  	v7 =	vld [tilespmem:s12+$0x10]  }
0xe7: {  	v8 =	vld [tilespmem:s13+$0x10]  }
0xe8: {  	s23 =	simm.s32 $0x18710;
	v9 =	vld [tilespmem:s12+$0xFFFFFFE0]  }
0xe9: {  	v15 =	vld [tilespmem:s23+$0xFFFFFFF0]  }
0xea: {  	v0 =	vld.idx.msk [tilespmem:v0+s5+$0x0], $0xffff  }
0xeb: {  	v1 =	vld.idx.msk [tilespmem:v1+s5+$0x0], $0xffff  }
0xec: {  	v2 =	vld.idx.msk [tilespmem:v2+s5+$0x0], $0xffff  }
0xed: {  	v3 =	vld.idx.msk [tilespmem:v3+s5+$0x0], $0xffff  }
0xee: {  	v4 =	vld.idx.msk [tilespmem:v4+s5+$0x0], $0xffff  }
0xef: {  	v5 =	vld.idx.msk [tilespmem:v5+s5+$0x0], $0xffff  }
0xf0: {  	v6 =	vld.idx.msk [tilespmem:v6+s5+$0x0], $0xffff  }
0xf1: {  	v7 =	vld.idx.msk [tilespmem:v7+s5+$0x0], $0xffff;
	v10 =	vshll.u32 v0, $0x10  }
0xf2: {  	v8 =	vld.idx.msk [tilespmem:v8+s5+$0x0], $0xffff;
	v11 =	vshll.u32 v1, $0x10;
	v0 =	vand.u32 $0xFFFF0000, v0;
	v1 =	vand.u32 $0xFFFF0000, v1  }
0xf3: {  	v9 =	vld.idx.msk [tilespmem:v9+s5+$0x0], $0xffff;
	v12 =	vshll.u32 v2, $0x10;
	v2 =	vand.u32 $0xFFFF0000, v2;
	v14 =	vshll.u32 v3, $0x10  }
0xf4: {  	s12 =	simm.s32 $0x18EE0;
	v3 =	vand.u32 $0xFFFF0000, v3;
	v16 =	vshll.u32 v4, $0x10;
	v0 =	vsub.f32 v0, v1;
	v1 =	vld [tilespmem:s23+$0x20]  }
0xf5: {  	v4 =	vand.u32 $0xFFFF0000, v4;
	v57 =	vshll.u32 v5, $0x10;
	v10 =	vsub.f32 v10, v11;
	v11 =	vld [tilespmem:s12+$0x20]  }
0xf6: {  	v17 =	vld [tilespmem:s23+$0x0];
	v5 =	vand.u32 $0xFFFF0000, v5;
	v58 =	vshll.u32 v7, $0x10;
	v7 =	vand.u32 $0xFFFF0000, v7  }
0xf7: {  	v19 =	vld [tilespmem:s23+$0x10];
	v14 =	vsub.f32 v14, v16;
	v3 =	vsub.f32 v3, v4;
	v4 =	vshll.u32 v6, $0x10  }
0xf8: {  	v13 =	vld [tilespmem:s12+$0xFFFFFFE0];
	v6 =	vand.u32 $0xFFFF0000, v6;
	v10 =	vmul.f32 v10, v10;
	v0 =	vmul.f32 v0, v0  }
0xf9: {  	v18 =	vld [tilespmem:s12+$0x0];
	v59 =	vshll.u32 v8, $0x10;
	v4 =	vsub.f32 v57, v4;
	v5 =	vsub.f32 v5, v6  }
0xfa: {  	v6 =	vshll.u32 v9, $0x10;
	v9 =	vand.u32 $0xFFFF0000, v9;
	v0 =	vadd.f32 v0, v10;
	v10 =	vld [tilespmem:s12+$0xFFFFFFF0]  }
0xfb: {  	v61 =	vld [tilespmem:s23+$0xFFFFFFE0];
	v8 =	vand.u32 $0xFFFF0000, v8;
	v6 =	vsub.f32 v6, v12;
	v2 =	vsub.f32 v9, v2  }
0xfc: {  	v3 =	vmul.f32 v3, v3;
	v12 =	vsub.f32 v58, v59;
	v4 =	vmul.f32 v4, v4;
	v1 =	vld.idx.msk [tilespmem:v1+s5+$0x0], $0xffff  }
0xfd: {  	v7 =	vsub.f32 v7, v8;
	v6 =	vmul.f32 v6, v6;
	v2 =	vmul.f32 v2, v2;
	v9 =	vld.idx.msk [tilespmem:v11+s5+$0x0], $0xffff  }
0xfe: {  	v60 =	vld [tilespmem:s12+$0x10];
	v5 =	vmul.f32 v5, v5;
	v12 =	vmul.f32 v12, v12  }
0xff: {  	v62 =	vld.idx.msk [tilespmem:v15+s5+$0x0], $0xffff;
	v2 =	vadd.f32 v2, v6;
	v6 =	vmul.f32 v7, v7;
	v11 =	vmul.f32 v14, v14  }
0x100: {  	s13 =	simm.s32 $0x19660;
	v8 =	vld.idx.msk [tilespmem:v13+s5+$0x0], $0xffff;
	v63 =	vadd.f32 v5, v4  }
0x101: {  	v4 =	vld.idx.msk [tilespmem:v18+s5+$0x0], $0xffff;
	[tilespmem:s13+$0xFFFFFFE0] =	vst v2;
	v2 =	vadd.f32 v6, v12;
	v11 =	vadd.f32 v3, v11;
	v5 =	vshll.u32 v1, $0x10  }
0x102: {  	[tilespmem:s13+$0x20] =	vst v0;
	v7 =	vld.idx.msk [tilespmem:v10+s5+$0x0], $0xffff;
	v0 =	vshll.u32 v9, $0x10;
	v1 =	vand.u32 $0xFFFF0000, v1;
	v9 =	vand.u32 $0xFFFF0000, v9  }
0x103: {  	v3 =	vld.idx.msk [tilespmem:v17+s5+$0x0], $0xffff;
	[tilespmem:s13+$0xFFFFFFF0] =	vst v11;
	v10 =	vsub.f32 v5, v0;
	v11 =	vsub.f32 v1, v9  }
0x104: {  	v6 =	vld.idx.msk [tilespmem:v61+s5+$0x0], $0xffff  }
0x105: {  	[tilespmem:s13+$0x10] =	vst v2;
	v2 =	vand.u32 $0xFFFF0000, v8;
	v5 =	vld.idx.msk [tilespmem:v19+s5+$0x0], $0xffff;
	v9 =	vmul.f32 v10, v10;
	v10 =	vmul.f32 v11, v11  }
0x106: {  	s14 =	simm.s32 $0x5;
	s15 =	simm.s32 $0x18760;
	[tilespmem:s13+$0x0] =	vst v63;
	v0 =	vshll.u32 v8, $0x10;
	v1 =	vld.idx.msk [tilespmem:v60+s5+$0x0], $0xffff;
	v8 =	vand.u32 $0xFFFF0000, v62;
	v11 =	vshll.u32 v62, $0x10  }
.LBB2_8:
0x107: {  	v12 =	vld [tilespmem:s15+$0x20];
	v13 =	vshll.u32 v7, $0x10;
	v7 =	vand.u32 $0xFFFF0000, v7;
	v9 =	vadd.f32 v10, v9;
	s12 =	sadd.s32 $0x50, s12  }
0x108: {  	s14 =	sadd.s32 $0x5, s14;
	s13 =	sadd.s32 $0x50, s13;
	v10 =	vld [tilespmem:s12+$0x20];
	v11 =	vsub.f32 v11, v13;
	v13 =	vshll.u32 v3, $0x10;
	v3 =	vand.u32 $0xFFFF0000, v3  }
0x109: {  	p0 =	slt.u32 s14, $0x78;
	v7 =	vsub.f32 v8, v7;
	v8 =	vshll.u32 v4, $0x10;
	v4 =	vand.u32 $0xFFFF0000, v4;
	v14 =	vld [tilespmem:s12+$0xFFFFFFE0];
	[tilespmem:s13+$0x20] =	vst v9  }
0x10a: {  	v8 =	vsub.f32 v13, v8;
	v13 =	vshll.u32 v5, $0x10;
	v5 =	vand.u32 $0xFFFF0000, v5;
	v9 =	vld [tilespmem:s15+$0xFFFFFFF0]  }
0x10b: {  	v3 =	vsub.f32 v3, v4;
	v4 =	vshll.u32 v1, $0x10;
	v1 =	vand.u32 $0xFFFF0000, v1;
	v15 =	vld [tilespmem:s12+$0xFFFFFFF0]  }
0x10c: {  	v17 =	vshll.u32 v6, $0x10;
	v6 =	vand.u32 $0xFFFF0000, v6;
	v4 =	vsub.f32 v13, v4;
	v16 =	vld [tilespmem:s15+$0x0]  }
0x10d: {  	v0 =	vsub.f32 v17, v0;
	v2 =	vsub.f32 v6, v2;
	v6 =	vmul.f32 v11, v11;
	v13 =	vld [tilespmem:s12+$0x0]  }
0x10e: {  	v7 =	vmul.f32 v7, v7;
	v8 =	vmul.f32 v8, v8;
	v1 =	vsub.f32 v5, v1;
	v11 =	vld [tilespmem:s15+$0x10]  }
0x10f: {  	v0 =	vmul.f32 v0, v0;
	v2 =	vmul.f32 v2, v2;
	v5 =	vld.idx.msk [tilespmem:v12+s5+$0x0], $0xffff  }
0x110: {  	v3 =	vmul.f32 v3, v3;
	v4 =	vmul.f32 v4, v4;
	v6 =	vadd.f32 v7, v6;
	v10 =	vld.idx.msk [tilespmem:v10+s5+$0x0], $0xffff  }
0x111: {  	v1 =	vmul.f32 v1, v1;
	v0 =	vadd.f32 v2, v0;
	v12 =	vld [tilespmem:s12+$0x10]  }
0x112: {  	v3 =	vadd.f32 v3, v8;
	v2 =	vld [tilespmem:s15+$0xFFFFFFE0];
	[tilespmem:s13+$0xFFFFFFF0] =	vst v6  }
0x113: {  	v8 =	vld.idx.msk [tilespmem:v14+s5+$0x0], $0xffff;
	[tilespmem:s13+$0xFFFFFFE0] =	vst v0;
	v0 =	vadd.f32 v1, v4  }
0x114: {  	v14 =	vld.idx.msk [tilespmem:v9+s5+$0x0], $0xffff;
	[tilespmem:s13+$0x0] =	vst v3  }
0x115: {  	v1 =	vshll.u32 v5, $0x10;
	v7 =	vld.idx.msk [tilespmem:v15+s5+$0x0], $0xffff;
	[tilespmem:s13+$0x10] =	vst v0  }
.Ltmp3:
0x116: {  	v5 =	vand.u32 $0xFFFF0000, v5;
	v0 =	vshll.u32 v10, $0x10;
	v6 =	vand.u32 $0xFFFF0000, v10;
	v3 =	vld.idx.msk [tilespmem:v16+s5+$0x0], $0xffff;
	(pc) =	sbr.rel @p0 .LBB2_8-.Ltmp3, $4  }
0x117: {  	v9 =	vsub.f32 v1, v0;
	v6 =	vsub.f32 v5, v6;
	v4 =	vld.idx.msk [tilespmem:v13+s5+$0x0], $0xffff  }
0x118: {  	v5 =	vld.idx.msk [tilespmem:v11+s5+$0x0], $0xffff  }
0x119: {  	v0 =	vshll.u32 v8, $0x10;
	v9 =	vmul.f32 v9, v9;
	v10 =	vmul.f32 v6, v6;
	v1 =	vld.idx.msk [tilespmem:v12+s5+$0x0], $0xffff  }
0x11a: {  	s15 =	sadd.s32 $0x50, s15;
	v11 =	vshll.u32 v14, $0x10;
	v6 =	vld.idx.msk [tilespmem:v2+s5+$0x0], $0xffff;
	v2 =	vand.u32 $0xFFFF0000, v8;
	v8 =	vand.u32 $0xFFFF0000, v14  }
0x11b: {  	v12 =	vshll.u32 v7, $0x10  }
0x11c: {  	v7 =	vand.u32 $0xFFFF0000, v7;
	v9 =	vadd.f32 v10, v9;
	v10 =	vsub.f32 v11, v12  }
0x11d: {  	v11 =	vshll.u32 v3, $0x10;
	v3 =	vand.u32 $0xFFFF0000, v3;
	v54 =	vshll.u32 v4, $0x10  }
0x11e: {  	v7 =	vsub.f32 v8, v7;
	v4 =	vand.u32 $0xFFFF0000, v4;
	v8 =	vsub.f32 v11, v54  }
0x11f: {  	v11 =	vshll.u32 v5, $0x10;
	v5 =	vand.u32 $0xFFFF0000, v5;
	v3 =	vsub.f32 v3, v4  }
0x120: {  	v4 =	vshll.u32 v1, $0x10;
	v55 =	vshll.u32 v6, $0x10;
	v6 =	vand.u32 $0xFFFF0000, v6  }
0x121: {  	v1 =	vand.u32 $0xFFFF0000, v1;
	v0 =	vsub.f32 v55, v0;
	v2 =	vsub.f32 v6, v2  }
0x122: {  	v7 =	vmul.f32 v7, v7;
	v4 =	vsub.f32 v11, v4;
	v6 =	vmul.f32 v10, v10  }
0x123: {  	v1 =	vsub.f32 v5, v1;
	v0 =	vmul.f32 v0, v0;
	v2 =	vmul.f32 v2, v2  }
0x124: {  	s12 =	sadd.s32 $0x50, s13;
	v5 =	vmul.f32 v8, v8;
	v3 =	vmul.f32 v3, v3;
	v6 =	vadd.f32 v7, v6  }
0x125: {  	[tilespmem:s12+$0x20] =	vst v9;
	v4 =	vmul.f32 v4, v4;
	v1 =	vmul.f32 v1, v1;
	v0 =	vadd.f32 v2, v0  }
0x126: {  	[tilespmem:s12+$0xFFFFFFF0] =	vst v6;
	v2 =	vadd.f32 v3, v5  }
0x127: {  	[tilespmem:s12+$0xFFFFFFE0] =	vst v0;
	v0 =	vadd.f32 v1, v4  }
0x128: {  	[tilespmem:s12+$0x0] =	vst v2  }
0x129: {  	[tilespmem:s12+$0x10] =	vst v0  }
0x12a: {  	s12 =	rddreg [dreg:$0x11]  }
0x12b: {  	[hbm4b:s12+s5] =	stream.linear.scatter [tilespmem:s6], [sflag:$0x3], $0x7D0, $0x38;
	[tilespmem:$0x1D4D0] =	vst v63  }
0x12c: {  	_ =	swait.ge [sflag:s19], $0x7D0  }
0x12d: {  	[sflag:s19] =	ssyncset.done $0x0  }
0x12e: {  	[sflag:s19] =	ssyncadd.s32 $0xFFFFF830  }
0x12f: {  	_ =	swait.ge [sflag:s19], $0x7D0  }
0x130: {  	[sflag:s19] =	ssyncset.done $0x0  }
0x131: {  	s15 =	simm.s32 $0x1ADD0;
	[sflag:s19] =	ssyncadd.s32 $0xFFFFF830  }
0x132: {  	s18 =	simm.s32 $0x1B5A0;
	v0 =	vld [tilespmem:s15+$0x20]  }
0x133: {  	v1 =	vld [tilespmem:s18+$0x20]  }
0x134: {  	v2 =	vld [tilespmem:s18+$0xFFFFFFE0]  }
0x135: {  	v3 =	vld [tilespmem:s15+$0xFFFFFFF0]  }
0x136: {  	v4 =	vld [tilespmem:s18+$0xFFFFFFF0]  }
0x137: {  	v5 =	vld [tilespmem:s15+$0x0]  }
0x138: {  	v6 =	vld [tilespmem:s18+$0x0]  }
0x139: {  	v7 =	vld [tilespmem:s15+$0x10]  }
0x13a: {  	v8 =	vld [tilespmem:s18+$0x10]  }
0x13b: {  	s12 =	simm.s32 $0x1B5F0;
	v9 =	vld [tilespmem:s15+$0xFFFFFFE0]  }
0x13c: {  	v13 =	vld [tilespmem:s12+$0xFFFFFFE0]  }
0x13d: {  	v0 =	vld.idx.msk [tilespmem:v0+s5+$0x0], $0xffff  }
0x13e: {  	v1 =	vld.idx.msk [tilespmem:v1+s5+$0x0], $0xffff  }
0x13f: {  	v2 =	vld.idx.msk [tilespmem:v2+s5+$0x0], $0xffff  }
0x140: {  	v3 =	vld.idx.msk [tilespmem:v3+s5+$0x0], $0xffff  }
0x141: {  	v4 =	vld.idx.msk [tilespmem:v4+s5+$0x0], $0xffff  }
0x142: {  	v5 =	vld.idx.msk [tilespmem:v5+s5+$0x0], $0xffff  }
0x143: {  	v7 =	vld.idx.msk [tilespmem:v7+s5+$0x0], $0xffff  }
0x144: {  	v8 =	vld.idx.msk [tilespmem:v8+s5+$0x0], $0xffff;
	v10 =	vshll.u32 v0, $0x10  }
0x145: {  	v6 =	vld.idx.msk [tilespmem:v6+s5+$0x0], $0xffff;
	v11 =	vshll.u32 v1, $0x10;
	v0 =	vand.u32 $0xFFFF0000, v0;
	v1 =	vand.u32 $0xFFFF0000, v1  }
0x146: {  	s23 =	simm.s32 $0x1AE20;
	v9 =	vld.idx.msk [tilespmem:v9+s5+$0x0], $0xffff;
	v56 =	vshll.u32 v2, $0x10;
	v2 =	vand.u32 $0xFFFF0000, v2;
	v14 =	vshll.u32 v3, $0x10  }
0x147: {  	v3 =	vand.u32 $0xFFFF0000, v3;
	v16 =	vshll.u32 v4, $0x10;
	v0 =	vsub.f32 v0, v1;
	v1 =	vld [tilespmem:s23+$0x20]  }
0x148: {  	v4 =	vand.u32 $0xFFFF0000, v4;
	v57 =	vshll.u32 v5, $0x10;
	v10 =	vsub.f32 v10, v11;
	v11 =	vld [tilespmem:s12+$0x20]  }
0x149: {  	v15 =	vld [tilespmem:s23+$0xFFFFFFF0];
	v5 =	vand.u32 $0xFFFF0000, v5;
	v58 =	vshll.u32 v7, $0x10;
	v59 =	vshll.u32 v8, $0x10  }
0x14a: {  	v17 =	vld [tilespmem:s23+$0x0];
	v14 =	vsub.f32 v14, v16;
	v3 =	vsub.f32 v3, v4;
	v4 =	vshll.u32 v6, $0x10  }
0x14b: {  	v18 =	vld [tilespmem:s12+$0x0];
	v6 =	vand.u32 $0xFFFF0000, v6;
	v10 =	vmul.f32 v10, v10;
	v0 =	vmul.f32 v0, v0  }
0x14c: {  	v19 =	vld [tilespmem:s23+$0x10];
	v7 =	vand.u32 $0xFFFF0000, v7;
	v12 =	vsub.f32 v58, v59;
	v5 =	vsub.f32 v5, v6  }
0x14d: {  	v6 =	vshll.u32 v9, $0x10;
	v9 =	vand.u32 $0xFFFF0000, v9;
	v0 =	vadd.f32 v0, v10;
	v10 =	vld [tilespmem:s12+$0xFFFFFFF0]  }
0x14e: {  	v61 =	vld [tilespmem:s23+$0xFFFFFFE0];
	v8 =	vand.u32 $0xFFFF0000, v8;
	v6 =	vsub.f32 v6, v56;
	v2 =	vsub.f32 v9, v2  }
0x14f: {  	v4 =	vsub.f32 v57, v4;
	v3 =	vmul.f32 v3, v3;
	v12 =	vmul.f32 v12, v12;
	v1 =	vld.idx.msk [tilespmem:v1+s5+$0x0], $0xffff  }
0x150: {  	v7 =	vsub.f32 v7, v8;
	v6 =	vmul.f32 v6, v6;
	v2 =	vmul.f32 v2, v2;
	v9 =	vld.idx.msk [tilespmem:v11+s5+$0x0], $0xffff  }
0x151: {  	v60 =	vld [tilespmem:s12+$0x10];
	v4 =	vmul.f32 v4, v4;
	v5 =	vmul.f32 v5, v5  }
0x152: {  	v62 =	vld.idx.msk [tilespmem:v15+s5+$0x0], $0xffff;
	v2 =	vadd.f32 v2, v6;
	v6 =	vmul.f32 v7, v7;
	v11 =	vmul.f32 v14, v14  }
0x153: {  	s13 =	simm.s32 $0x1BD70;
	v8 =	vld.idx.msk [tilespmem:v13+s5+$0x0], $0xffff;
	v63 =	vadd.f32 v5, v4  }
0x154: {  	v4 =	vld.idx.msk [tilespmem:v18+s5+$0x0], $0xffff;
	[tilespmem:s13+$0xFFFFFFE0] =	vst v2;
	v2 =	vadd.f32 v6, v12;
	v11 =	vadd.f32 v3, v11;
	v5 =	vshll.u32 v1, $0x10  }
0x155: {  	[tilespmem:s13+$0x20] =	vst v0;
	v7 =	vld.idx.msk [tilespmem:v10+s5+$0x0], $0xffff;
	v0 =	vshll.u32 v9, $0x10;
	v1 =	vand.u32 $0xFFFF0000, v1;
	v9 =	vand.u32 $0xFFFF0000, v9  }
0x156: {  	v3 =	vld.idx.msk [tilespmem:v17+s5+$0x0], $0xffff;
	[tilespmem:s13+$0xFFFFFFF0] =	vst v11;
	v10 =	vsub.f32 v5, v0;
	v11 =	vsub.f32 v1, v9  }
0x157: {  	v6 =	vld.idx.msk [tilespmem:v61+s5+$0x0], $0xffff  }
0x158: {  	[tilespmem:s13+$0x10] =	vst v2;
	v2 =	vand.u32 $0xFFFF0000, v8;
	v5 =	vld.idx.msk [tilespmem:v19+s5+$0x0], $0xffff;
	v9 =	vmul.f32 v10, v10;
	v10 =	vmul.f32 v11, v11  }
0x159: {  	s14 =	simm.s32 $0x5;
	s15 =	simm.s32 $0x1AE70;
	[tilespmem:s13+$0x0] =	vst v63;
	v0 =	vshll.u32 v8, $0x10;
	v1 =	vld.idx.msk [tilespmem:v60+s5+$0x0], $0xffff;
	v8 =	vand.u32 $0xFFFF0000, v62;
	v11 =	vshll.u32 v62, $0x10  }
.LBB2_10:
0x15a: {  	v12 =	vld [tilespmem:s15+$0x20];
	v13 =	vshll.u32 v7, $0x10;
	v7 =	vand.u32 $0xFFFF0000, v7;
	v9 =	vadd.f32 v10, v9;
	s12 =	sadd.s32 $0x50, s12  }
0x15b: {  	s14 =	sadd.s32 $0x5, s14;
	s13 =	sadd.s32 $0x50, s13;
	v10 =	vld [tilespmem:s12+$0x20];
	v11 =	vsub.f32 v11, v13;
	v13 =	vshll.u32 v3, $0x10;
	v3 =	vand.u32 $0xFFFF0000, v3  }
0x15c: {  	p0 =	slt.u32 s14, $0x78;
	v7 =	vsub.f32 v8, v7;
	v8 =	vshll.u32 v4, $0x10;
	v4 =	vand.u32 $0xFFFF0000, v4;
	v14 =	vld [tilespmem:s12+$0xFFFFFFE0];
	[tilespmem:s13+$0x20] =	vst v9  }
0x15d: {  	v8 =	vsub.f32 v13, v8;
	v13 =	vshll.u32 v5, $0x10;
	v5 =	vand.u32 $0xFFFF0000, v5;
	v9 =	vld [tilespmem:s15+$0xFFFFFFF0]  }
0x15e: {  	v3 =	vsub.f32 v3, v4;
	v4 =	vshll.u32 v1, $0x10;
	v1 =	vand.u32 $0xFFFF0000, v1;
	v15 =	vld [tilespmem:s12+$0xFFFFFFF0]  }
0x15f: {  	v17 =	vshll.u32 v6, $0x10;
	v6 =	vand.u32 $0xFFFF0000, v6;
	v4 =	vsub.f32 v13, v4;
	v16 =	vld [tilespmem:s15+$0x0]  }
0x160: {  	v0 =	vsub.f32 v17, v0;
	v2 =	vsub.f32 v6, v2;
	v6 =	vmul.f32 v11, v11;
	v13 =	vld [tilespmem:s12+$0x0]  }
0x161: {  	v7 =	vmul.f32 v7, v7;
	v8 =	vmul.f32 v8, v8;
	v1 =	vsub.f32 v5, v1;
	v11 =	vld [tilespmem:s15+$0x10]  }
0x162: {  	v0 =	vmul.f32 v0, v0;
	v2 =	vmul.f32 v2, v2;
	v5 =	vld.idx.msk [tilespmem:v12+s5+$0x0], $0xffff  }
0x163: {  	v3 =	vmul.f32 v3, v3;
	v4 =	vmul.f32 v4, v4;
	v6 =	vadd.f32 v7, v6;
	v10 =	vld.idx.msk [tilespmem:v10+s5+$0x0], $0xffff  }
0x164: {  	v1 =	vmul.f32 v1, v1;
	v0 =	vadd.f32 v2, v0;
	v12 =	vld [tilespmem:s12+$0x10]  }
0x165: {  	v3 =	vadd.f32 v3, v8;
	v2 =	vld [tilespmem:s15+$0xFFFFFFE0];
	[tilespmem:s13+$0xFFFFFFF0] =	vst v6  }
0x166: {  	v8 =	vld.idx.msk [tilespmem:v14+s5+$0x0], $0xffff;
	[tilespmem:s13+$0xFFFFFFE0] =	vst v0;
	v0 =	vadd.f32 v1, v4  }
0x167: {  	v14 =	vld.idx.msk [tilespmem:v9+s5+$0x0], $0xffff;
	[tilespmem:s13+$0x0] =	vst v3  }
0x168: {  	v1 =	vshll.u32 v5, $0x10;
	v7 =	vld.idx.msk [tilespmem:v15+s5+$0x0], $0xffff;
	[tilespmem:s13+$0x10] =	vst v0  }
.Ltmp4:
0x169: {  	v5 =	vand.u32 $0xFFFF0000, v5;
	v0 =	vshll.u32 v10, $0x10;
	v6 =	vand.u32 $0xFFFF0000, v10;
	v3 =	vld.idx.msk [tilespmem:v16+s5+$0x0], $0xffff;
	(pc) =	sbr.rel @p0 .LBB2_10-.Ltmp4, $4  }
0x16a: {  	v9 =	vsub.f32 v1, v0;
	v6 =	vsub.f32 v5, v6;
	v4 =	vld.idx.msk [tilespmem:v13+s5+$0x0], $0xffff  }
0x16b: {  	v5 =	vld.idx.msk [tilespmem:v11+s5+$0x0], $0xffff  }
0x16c: {  	v0 =	vshll.u32 v8, $0x10;
	v9 =	vmul.f32 v9, v9;
	v10 =	vmul.f32 v6, v6;
	v1 =	vld.idx.msk [tilespmem:v12+s5+$0x0], $0xffff  }
0x16d: {  	s15 =	sadd.s32 $0x50, s15;
	v11 =	vshll.u32 v14, $0x10;
	v6 =	vld.idx.msk [tilespmem:v2+s5+$0x0], $0xffff;
	v2 =	vand.u32 $0xFFFF0000, v8;
	v8 =	vand.u32 $0xFFFF0000, v14  }
0x16e: {  	v12 =	vshll.u32 v7, $0x10  }
0x16f: {  	v51 =	vand.u32 $0xFFFF0000, v7;
	v9 =	vadd.f32 v10, v9;
	v53 =	vshll.u32 v3, $0x10  }
0x170: {  	v3 =	vand.u32 $0xFFFF0000, v3;
	v52 =	vsub.f32 v11, v12;
	v54 =	vshll.u32 v4, $0x10  }
0x171: {  	v7 =	vsub.f32 v8, v51;
	v55 =	vand.u32 $0xFFFF0000, v4;
	v56 =	vsub.f32 v53, v54  }
0x172: {  	v57 =	vshll.u32 v5, $0x10;
	v58 =	vand.u32 $0xFFFF0000, v5;
	v3 =	vsub.f32 v3, v55  }
0x173: {  	v59 =	vshll.u32 v1, $0x10;
	v60 =	vshll.u32 v6, $0x10;
	v61 =	vand.u32 $0xFFFF0000, v6  }
0x174: {  	v1 =	vand.u32 $0xFFFF0000, v1;
	v0 =	vsub.f32 v60, v0;
	v2 =	vsub.f32 v61, v2  }
0x175: {  	v62 =	vmul.f32 v52, v52;
	v7 =	vmul.f32 v7, v7;
	v4 =	vsub.f32 v57, v59  }
0x176: {  	v1 =	vsub.f32 v58, v1;
	v0 =	vmul.f32 v0, v0;
	v2 =	vmul.f32 v2, v2  }
0x177: {  	s12 =	sadd.s32 $0x50, s13;
	v63 =	vmul.f32 v56, v56;
	v3 =	vmul.f32 v3, v3;
	v6 =	vadd.f32 v7, v62  }
0x178: {  	[tilespmem:s12+$0x20] =	vst v9;
	v4 =	vmul.f32 v4, v4;
	v1 =	vmul.f32 v1, v1;
	v0 =	vadd.f32 v2, v0  }
0x179: {  	[tilespmem:s12+$0xFFFFFFF0] =	vst v6;
	v2 =	vadd.f32 v3, v63  }
0x17a: {  	[tilespmem:s12+$0xFFFFFFE0] =	vst v0;
	v0 =	vadd.f32 v1, v4  }
0x17b: {  	[tilespmem:s12+$0x0] =	vst v2  }
0x17c: {  	[tilespmem:s12+$0x10] =	vst v0  }
0x17d: {  	s18 =	simm.s32 $0x0;
	s12 =	rddreg [dreg:$0x12]  }
0x17e: {  	[hbm4b:s12+s18] =	stream.linear.scatter [tilespmem:s20], [sflag:$0x4], $0x7D0, $0x38;
	[tilespmem:$0x1D4D0] =	vst v63  }
0x17f: {  	_ =	swait.ge [sflag:s21], $0x7D0  }
0x180: {  	[sflag:s21] =	ssyncset.done $0x0  }
0x181: {  	[sflag:s21] =	ssyncadd.s32 $0xFFFFF830  }
0x182: {  	_ =	swait.ge [sflag:s22], $0x7D0  }
0x183: {  	[sflag:s22] =	ssyncset.done $0x0  }
0x184: {  	[sflag:s22] =	ssyncadd.s32 $0xFFFFF830  }
0x185: {  	s15 =	simm.s32 $0x5;
	s14 =	rddreg [dreg:$0x0]  }
0x186: {  	[tilespmem:s18], [sflag:$0x5] =	stream.linear.gather [hbm4b:s14+s18], $0x186A0, $0x38;
	[tilespmem:$0x1D4D0] =	vst v63  }
0x187: {  	_ =	swait.ge [sflag:s15], $0x186A0  }
0x188: {  	[sflag:s15] =	ssyncset.done $0x0  }
0x189: {  	[sflag:s15] =	ssyncadd.s32 $0xFFFE7960  }
0x18a: {  	[tilespmem:s30], [sflag:$0x1] =	stream.linear.gather [hbm4b:s28+s18], $0x7D0, $0x38;
	[tilespmem:$0x1D4D0] =	vst v63  }
0x18b: {  	_ = 	snop  }
0x18c: {  	[tilespmem:s31], [sflag:$0x1] =	stream.linear.gather [hbm4b:s29+s18], $0x7D0, $0x38;
	[tilespmem:$0x1D4D0] =	vst v63  }
0x18d: {  	s23 =	rddreg [dreg:$0x9]  }
0x18e: {  	[tilespmem:s6], [sflag:$0x1] =	stream.linear.gather [hbm4b:s23+s18], $0x7D0, $0x38;
	[tilespmem:$0x1D4D0] =	vst v63  }
0x18f: {  	s28 =	rddreg [dreg:$0xa];
	s29 =	simm.s32 $0x19E10  }
0x190: {  	[tilespmem:s29], [sflag:$0x1] =	stream.linear.gather [hbm4b:s28+s18], $0x7D0, $0x38;
	[tilespmem:$0x1D4D0] =	vst v63  }
0x191: {  	s13 =	rddreg [dreg:$0xb]  }
0x192: {  	[tilespmem:s24], [sflag:$0x1] =	stream.linear.gather [hbm4b:s13+s18], $0x7D0, $0x38;
	[tilespmem:$0x1D4D0] =	vst v63  }
0x193: {  	s14 =	rddreg [dreg:$0x7]  }
0x194: {  	[tilespmem:s0], [sflag:$0x2] =	stream.linear.gather [hbm4b:s14+s18], $0x7D0, $0x38;
	[tilespmem:$0x1D4D0] =	vst v63  }
0x195: {  	s15 =	rddreg [dreg:$0x8]  }
0x196: {  	[tilespmem:s3], [sflag:$0x2] =	stream.linear.gather [hbm4b:s15+s18], $0x7D0, $0x38;
	[tilespmem:$0x1D4D0] =	vst v63  }
0x197: {  	s23 =	rddreg [dreg:$0xc]  }
0x198: {  	[tilespmem:s20], [sflag:$0x2] =	stream.linear.gather [hbm4b:s23+s18], $0x7D0, $0x38;
	[tilespmem:$0x1D4D0] =	vst v63  }
0x199: {  	s28 =	rddreg [dreg:$0xd]  }
0x19a: {  	[tilespmem:s25], [sflag:$0x2] =	stream.linear.gather [hbm4b:s28+s18], $0x7D0, $0x38;
	[tilespmem:$0x1D4D0] =	vst v63  }
0x19b: {  	s29 =	rddreg [dreg:$0xe]  }
0x19c: {  	v0 =	vimm.f32 $0.0e+00;
	[tilespmem:s26], [sflag:$0x2] =	stream.linear.gather [hbm4b:s29+s18], $0x7D0, $0x38;
	[tilespmem:$0x1D4D0] =	vst v63  }
.LBB2_12:
0x19d: {  	_ =	swait.ge [sflag:s1], $0x7D0  }
0x19e: {  	[sflag:s1] =	ssyncset.done $0x0  }
0x19f: {  	[sflag:s1] =	ssyncadd.s32 $0xFFFFF830  }
0x1a0: {  	_ =	swait.ge [sflag:s1], $0x7D0  }
0x1a1: {  	[sflag:s1] =	ssyncset.done $0x0  }
0x1a2: {  	[sflag:s1] =	ssyncadd.s32 $0xFFFFF830  }
0x1a3: {  	_ =	swait.ge [sflag:s1], $0x7D0  }
0x1a4: {  	[sflag:s1] =	ssyncset.done $0x0  }
0x1a5: {  	[sflag:s1] =	ssyncadd.s32 $0xFFFFF830  }
0x1a6: {  	_ =	swait.ge [sflag:s1], $0x7D0  }
0x1a7: {  	[sflag:s1] =	ssyncset.done $0x0  }
0x1a8: {  	[sflag:s1] =	ssyncadd.s32 $0xFFFFF830  }
0x1a9: {  	_ =	swait.ge [sflag:s1], $0x7D0  }
0x1aa: {  	[sflag:s1] =	ssyncset.done $0x0  }
0x1ab: {  	s13 =	simm.s32 $0x186C0;
	[sflag:s1] =	ssyncadd.s32 $0xFFFFF830  }
0x1ac: {  	s12 =	simm.s32 $0x18E90;
	v1 =	vld [tilespmem:s13+$0x20]  }
0x1ad: {  	v2 =	vld [tilespmem:s12+$0x20]  }
0x1ae: {  	v3 =	vld [tilespmem:s13+$0x10]  }
0x1af: {  	v4 =	vld [tilespmem:s12+$0x10]  }
0x1b0: {  	v5 =	vld [tilespmem:s13+$0x0]  }
0x1b1: {  	v6 =	vld [tilespmem:s12+$0x0]  }
0x1b2: {  	v7 =	vld [tilespmem:s13+$0xFFFFFFF0]  }
0x1b3: {  	v8 =	vld [tilespmem:s12+$0xFFFFFFF0]  }
0x1b4: {  	v9 =	vld [tilespmem:s13+$0xFFFFFFE0]  }
0x1b5: {  	v10 =	vld [tilespmem:s12+$0xFFFFFFE0];
	s13 =	simm.s32 $0x19660  }
0x1b6: {  	v11 =	vld [tilespmem:s13+$0x20]  }
0x1b7: {  	v1 =	vld.idx.msk [tilespmem:v1+s5+$0x0], $0xffff  }
0x1b8: {  	v2 =	vld.idx.msk [tilespmem:v2+s5+$0x0], $0xffff  }
0x1b9: {  	v3 =	vld.idx.msk [tilespmem:v3+s5+$0x0], $0xffff  }
0x1ba: {  	v4 =	vld.idx.msk [tilespmem:v4+s5+$0x0], $0xffff  }
0x1bb: {  	v5 =	vld.idx.msk [tilespmem:v5+s5+$0x0], $0xffff  }
0x1bc: {  	v6 =	vld.idx.msk [tilespmem:v6+s5+$0x0], $0xffff  }
0x1bd: {  	v9 =	vld.idx.msk [tilespmem:v9+s5+$0x0], $0xffff  }
0x1be: {  	v10 =	vld.idx.msk [tilespmem:v10+s5+$0x0], $0xffff  }
0x1bf: {  	v7 =	vld.idx.msk [tilespmem:v7+s5+$0x0], $0xffff  }
0x1c0: {  	v8 =	vld.idx.msk [tilespmem:v8+s5+$0x0], $0xffff  }
0x1c1: {  	v12 =	vld [tilespmem:s13+$0x10]  }
0x1c2: {  	v13 =	vld [tilespmem:s13+$0x0]  }
0x1c3: {  	v3 =	vsub.f32 v3, v4;
	v4 =	vld [tilespmem:s13+$0xFFFFFFE0]  }
0x1c4: {  	s14 =	simm.s32 $0x1A600;
	v2 =	vsub.f32 v1, v2;
	v9 =	vsub.f32 v9, v10;
	v10 =	vld [tilespmem:s13+$0xFFFFFFF0]  }
0x1c5: {  	v5 =	vsub.f32 v5, v6;
	v1 =	vld [tilespmem:s14+$0x20];
	v6 =	vmul.f32 v3, v3;
	v3 =	vsub.f32 v7, v8  }
0x1c6: {  	v7 =	vmul.f32 v2, v2;
	v8 =	vmul.f32 v9, v9;
	v2 =	vld [tilespmem:s14+$0x10]  }
0x1c7: {  	v5 =	vmul.f32 v5, v5;
	v9 =	vmul.f32 v3, v3;
	v3 =	vld [tilespmem:s14+$0x0];
	v12 =	vadd.f32 v6, v12  }
0x1c8: {  	s15 =	simm.s32 $0x19E30;
	v7 =	vadd.f32 v7, v11;
	v6 =	vld [tilespmem:s14+$0xFFFFFFE0];
	v8 =	vadd.f32 v8, v4  }
0x1c9: {  	v4 =	vld [tilespmem:s15+$0x20];
	v14 =	vadd.f32 v9, v10;
	v9 =	vadd.f32 v5, v13  }
0x1ca: {  	v5 =	vmax.f32 v7, $9.999999960e-13;
	v7 =	vld [tilespmem:s15+$0x0];
	v11 =	vmax.f32 v8, $9.999999960e-13;
	v8 =	vmax.f32 v12, $9.999999960e-13  }
0x1cb: {  	v10 =	vld [tilespmem:s15+$0xFFFFFFF0];
	v12 =	vshra.s32 v11, $0x1;
	v15 =	vmul.f32 $5.000000000e-01, v11;
	v9 =	vmax.f32 v9, $9.999999960e-13  }
0x1cc: {  	s29 =	simm.s32 $0x0;
	s28 =	simm.s32 $0x18710;
	v13 =	vld [tilespmem:s15+$0xFFFFFFE0];
	v16 =	vsub.s32 $0x5F3759DF, v12;
	v12 =	vmax.f32 v14, $9.999999960e-13;
	v14 =	vmul.f32 $5.000000000e-01, v5  }
.LBB2_13:
0x1cd: {  	v17 =	vld [tilespmem:s28+$0x20];
	v18 =	vmul.f32 v16, v15;
	v19 =	vshra.s32 v12, $0x1;
	v20 =	vmul.f32 $5.000000000e-01, v12;
	s12 =	sadd.s32 $0x50, s12  }
0x1ce: {  	v22 =	vshra.s32 v9, $0x1;
	v23 =	vmul.f32 $5.000000000e-01, v9;
	v21 =	vld [tilespmem:s12+$0x20];
	v19 =	vsub.s32 $0x5F3759DF, v19  }
0x1cf: {  	v22 =	vsub.s32 $0x5F3759DF, v22;
	v24 =	vld [tilespmem:s28+$0x10];
	v18 =	vmul.f32 v16, v18;
	v25 =	vmul.f32 v19, v20  }
0x1d0: {  	v28 =	vshra.s32 v8, $0x1;
	v29 =	vmul.f32 $5.000000000e-01, v8;
	v27 =	vmul.f32 v22, v23;
	v26 =	vld [tilespmem:s12+$0x10]  }
0x1d1: {  	v28 =	vsub.s32 $0x5F3759DF, v28;
	v30 =	vld [tilespmem:s28+$0x0];
	v18 =	vsub.f32 $1.500000000e+00, v18;
	v25 =	vmul.f32 v19, v25  }
0x1d2: {  	v33 =	vshra.s32 v5, $0x1;
	v32 =	vmul.f32 v28, v29;
	v27 =	vmul.f32 v22, v27;
	v31 =	vld [tilespmem:s12+$0x0]  }
0x1d3: {  	v34 =	vld [tilespmem:s28+$0xFFFFFFF0];
	v16 =	vmul.f32 v16, v18;
	v18 =	vsub.f32 $1.500000000e+00, v25;
	v25 =	vsub.s32 $0x5F3759DF, v33  }
0x1d4: {  	v32 =	vmul.f32 v28, v32;
	v27 =	vsub.f32 $1.500000000e+00, v27;
	v33 =	vld [tilespmem:s12+$0xFFFFFFF0];
	v35 =	vmul.f32 v25, v14  }
0x1d5: {  	v36 =	vld [tilespmem:s28+$0xFFFFFFE0];
	v15 =	vmul.f32 v16, v15;
	v18 =	vmul.f32 v19, v18  }
0x1d6: {  	v22 =	vmul.f32 v22, v27;
	v27 =	vsub.f32 $1.500000000e+00, v32;
	v19 =	vld [tilespmem:s12+$0xFFFFFFE0];
	v32 =	vmul.f32 v25, v35  }
0x1d7: {  	v17 =	vld.idx.msk [tilespmem:v17+s5+$0x0], $0xffff;
	v15 =	vmul.f32 v15, v16;
	v20 =	vmul.f32 v18, v20  }
0x1d8: {  	v27 =	vmul.f32 v28, v27;
	v21 =	vld.idx.msk [tilespmem:v21+s5+$0x0], $0xffff;
	v28 =	vsub.f32 $1.500000000e+00, v32  }
0x1d9: {  	s29 =	sadd.s32 $0x5, s29;
	v23 =	vmul.f32 v22, v23;
	v24 =	vld.idx.msk [tilespmem:v24+s5+$0x0], $0xffff;
	v15 =	vsub.f32 $1.500000000e+00, v15;
	v20 =	vmul.f32 v20, v18  }
0x1da: {  	p0 =	slt.u32 s29, $0x78;
	v29 =	vmul.f32 v27, v29;
	v26 =	vld.idx.msk [tilespmem:v26+s5+$0x0], $0xffff;
	v25 =	vmul.f32 v25, v28  }
0x1db: {  	v28 =	vld.idx.msk [tilespmem:v30+s5+$0x0], $0xffff;
	v15 =	vmul.f32 v15, v16;
	v16 =	vsub.f32 $1.500000000e+00, v20;
	v20 =	vmul.f32 v23, v22  }
0x1dc: {  	v29 =	vmul.f32 v29, v27;
	v23 =	vld.idx.msk [tilespmem:v31+s5+$0x0], $0xffff;
	v14 =	vmul.f32 v25, v14  }
0x1dd: {  	v30 =	vld.idx.msk [tilespmem:v36+s5+$0x0], $0xffff;
	v11 =	vmul.f32 v15, v11;
	v15 =	vmul.f32 v16, v18;
	v16 =	vsub.f32 $1.500000000e+00, v20  }
0x1de: {  	v17 =	vsub.f32 v17, v21;
	v18 =	vld.idx.msk [tilespmem:v19+s5+$0x0], $0xffff;
	v19 =	vsub.f32 $1.500000000e+00, v29;
	v14 =	vmul.f32 v14, v25  }
0x1df: {  	v11 =	vsub.f32 v11, v13;
	v12 =	vmul.f32 v15, v12;
	v13 =	vmul.f32 v16, v22;
	v15 =	vld [tilespmem:s15+$0x10]  }
0x1e0: {  	v16 =	vsub.f32 v24, v26;
	v20 =	vld [tilespmem:s14+$0xFFFFFFF0];
	v19 =	vmul.f32 v19, v27;
	v14 =	vsub.f32 $1.500000000e+00, v14  }
0x1e1: {  	v21 =	vld.idx.msk [tilespmem:v34+s5+$0x0], $0xffff;
	v11 =	vmul.f32 v11, v11;
	v10 =	vsub.f32 v12, v10;
	v9 =	vmul.f32 v13, v9  }
0x1e2: {  	s13 =	sadd.s32 $0x50, s13;
	v13 =	vsub.f32 v28, v23;
	v12 =	vld.idx.msk [tilespmem:v33+s5+$0x0], $0xffff;
	v8 =	vmul.f32 v19, v8;
	v14 =	vmul.f32 v14, v25  }
0x1e3: {  	v19 =	vld [tilespmem:s13+$0x20];
	v6 =	vmul.f32 v11, v6;
	v10 =	vmul.f32 v10, v10;
	v7 =	vsub.f32 v9, v7  }
0x1e4: {  	v9 =	vsub.f32 v30, v18;
	v11 =	vld [tilespmem:s13+$0x10];
	v8 =	vsub.f32 v8, v15;
	v5 =	vmul.f32 v14, v5  }
0x1e5: {  	v14 =	vld [tilespmem:s13+$0x0];
	v0 =	vadd.f32 v6, v0;
	v6 =	vmul.f32 v10, v20;
	v7 =	vmul.f32 v7, v7  }
0x1e6: {  	v15 =	vmul.f32 v16, v16;
	v16 =	vmul.f32 v17, v17;
	v10 =	vld [tilespmem:s13+$0xFFFFFFE0];
	v4 =	vsub.f32 v5, v4  }
0x1e7: {  	s14 =	sadd.s32 $0x50, s14;
	v5 =	vld [tilespmem:s13+$0xFFFFFFF0];
	v0 =	vadd.f32 v6, v0;
	v3 =	vmul.f32 v7, v3;
	v6 =	vmul.f32 v8, v8  }
0x1e8: {  	v7 =	vmul.f32 v9, v9;
	v8 =	vsub.f32 v21, v12;
	v9 =	vmul.f32 v13, v13;
	v12 =	vld [tilespmem:s14+$0x20]  }
0x1e9: {  	v13 =	vmul.f32 v4, v4;
	v0 =	vadd.f32 v3, v0;
	v6 =	vmul.f32 v6, v2;
	v2 =	vld [tilespmem:s14+$0x10]  }
0x1ea: {  	s15 =	sadd.s32 $0x50, s15;
	v8 =	vmul.f32 v8, v8;
	v15 =	vadd.f32 v15, v11;
	v11 =	vadd.f32 v16, v19;
	v3 =	vld [tilespmem:s14+$0x0]  }
.Ltmp5:
0x1eb: {  	v7 =	vadd.f32 v7, v10;
	v4 =	vld [tilespmem:s15+$0x20];
	v0 =	vadd.f32 v6, v0;
	v10 =	vmul.f32 v13, v1;
	(pc) =	sbr.rel @p0 .LBB2_13-.Ltmp5, $4  }
0x1ec: {  	v9 =	vadd.f32 v9, v14;
	v6 =	vld [tilespmem:s14+$0xFFFFFFE0];
	v17 =	vadd.f32 v8, v5;
	v5 =	vmax.f32 v11, $9.999999960e-13  }
0x1ed: {  	v8 =	vmax.f32 v15, $9.999999960e-13;
	v11 =	vmax.f32 v7, $9.999999960e-13;
	v7 =	vld [tilespmem:s15+$0x0];
	v0 =	vadd.f32 v10, v0;
	v1 =	vmovc v12  }
0x1ee: {  	v9 =	vmax.f32 v9, $9.999999960e-13;
	v12 =	vshra.s32 v11, $0x1;
	v15 =	vmul.f32 $5.000000000e-01, v11;
	v10 =	vld [tilespmem:s15+$0xFFFFFFF0]  }
0x1ef: {  	s28 =	sadd.s32 $0x50, s28;
	v14 =	vmul.f32 $5.000000000e-01, v5;
	v16 =	vsub.s32 $0x5F3759DF, v12;
	v13 =	vld [tilespmem:s15+$0xFFFFFFE0];
	v12 =	vmax.f32 v17, $9.999999960e-13  }
0x1f0: {  	s12 =	smul.u32 $0xFA0, s18;
	_ =	sdelay $0x1  }
0x1f1: {  	s13 =	sadd.s32 s12, s16  }
0x1f2: {  	s13 =	sshrl.u32 s13, $0x3  }
0x1f3: {  	v17 =	vld [tilespmem:s15+$0x10];
	s23 =	sadd.s32 s7, s13  }
0x1f4: {  	v18 =	vld [tilespmem:s14+$0xFFFFFFF0];
	[tilespmem:s30], [sflag:$0x1] =	stream.linear.gather [hbm4b:s23+s5], $0x7D0, $0x38  }
0x1f5: {  	s15 =	sadd.s32 s9, s13  }
0x1f6: {  	[tilespmem:s31], [sflag:$0x1] =	stream.linear.gather [hbm4b:s15+s5], $0x7D0, $0x38;
	[tilespmem:$0x1D4D0] =	vst v63  }
0x1f7: {  	s23 =	sadd.s32 s10, s13  }
0x1f8: {  	[tilespmem:s6], [sflag:$0x1] =	stream.linear.gather [hbm4b:s23+s5], $0x7D0, $0x38;
	[tilespmem:$0x1D4D0] =	vst v63  }
0x1f9: {  	s15 =	sadd.s32 s2, s13;
	s23 =	simm.s32 $0x19E10  }
0x1fa: {  	[tilespmem:s23], [sflag:$0x1] =	stream.linear.gather [hbm4b:s15+s5], $0x7D0, $0x38;
	[tilespmem:$0x1D4D0] =	vst v63  }
0x1fb: {  	s13 =	sadd.s32 s4, s13  }
0x1fc: {  	v19 =	vmul.f32 v16, v15;
	v20 =	vshra.s32 v12, $0x1;
	v21 =	vmul.f32 $5.000000000e-01, v12;
	[tilespmem:s24], [sflag:$0x1] =	stream.linear.gather [hbm4b:s13+s5], $0x7D0, $0x38;
	[tilespmem:$0x1D4D0] =	vst v63  }
0x1fd: {  	v22 =	vshra.s32 v9, $0x1;
	v23 =	vmul.f32 $5.000000000e-01, v9;
	v20 =	vsub.s32 $0x5F3759DF, v20;
	_ =	swait.ge [sflag:s19], $0x7D0  }
0x1fe: {  	v22 =	vsub.s32 $0x5F3759DF, v22;
	v19 =	vmul.f32 v16, v19;
	v24 =	vmul.f32 v20, v21;
	[sflag:s19] =	ssyncset.done $0x0  }
0x1ff: {  	v25 =	vmul.f32 v22, v23;
	[sflag:s19] =	ssyncadd.s32 $0xFFFFF830  }
0x200: {  	v19 =	vsub.f32 $1.500000000e+00, v19;
	v24 =	vmul.f32 v20, v24;
	_ =	swait.ge [sflag:s19], $0x7D0  }
0x201: {  	v53 =	vshra.s32 v5, $0x1;
	v25 =	vmul.f32 v22, v25;
	[sflag:s19] =	ssyncset.done $0x0  }
0x202: {  	v16 =	vmul.f32 v16, v19;
	v19 =	vsub.f32 $1.500000000e+00, v24;
	v24 =	vsub.s32 $0x5F3759DF, v53;
	[sflag:s19] =	ssyncadd.s32 $0xFFFFF830  }
0x203: {  	v25 =	vsub.f32 $1.500000000e+00, v25;
	v30 =	vmul.f32 v24, v14;
	_ =	swait.ge [sflag:s19], $0x7D0  }
0x204: {  	v15 =	vmul.f32 v16, v15;
	v19 =	vmul.f32 v20, v19;
	[sflag:s19] =	ssyncset.done $0x0  }
0x205: {  	v22 =	vmul.f32 v22, v25;
	v30 =	vmul.f32 v24, v30;
	[sflag:s19] =	ssyncadd.s32 $0xFFFFF830  }
0x206: {  	v26 =	vshra.s32 v8, $0x1;
	v15 =	vmul.f32 v15, v16;
	v21 =	vmul.f32 v19, v21;
	_ =	swait.ge [sflag:s19], $0x7D0  }
0x207: {  	v27 =	vmul.f32 $5.000000000e-01, v8;
	v26 =	vsub.s32 $0x5F3759DF, v26;
	v30 =	vsub.f32 $1.500000000e+00, v30;
	[sflag:s19] =	ssyncset.done $0x0  }
0x208: {  	v23 =	vmul.f32 v22, v23;
	v15 =	vsub.f32 $1.500000000e+00, v15;
	v21 =	vmul.f32 v21, v19;
	[sflag:s19] =	ssyncadd.s32 $0xFFFFF830  }
0x209: {  	v28 =	vmul.f32 v26, v27;
	v24 =	vmul.f32 v24, v30;
	_ =	swait.ge [sflag:s19], $0x7D0  }
0x20a: {  	v58 =	vmul.f32 v23, v22;
	v15 =	vmul.f32 v15, v16;
	v16 =	vsub.f32 $1.500000000e+00, v21;
	[sflag:s19] =	ssyncset.done $0x0  }
0x20b: {  	v28 =	vmul.f32 v26, v28;
	s23 =	simm.s32 $0x1ADD0;
	v14 =	vmul.f32 v24, v14;
	[sflag:s19] =	ssyncadd.s32 $0xFFFFF830  }
0x20c: {  	s13 =	simm.s32 $0x1B5A0;
	v11 =	vmul.f32 v15, v11;
	v15 =	vmul.f32 v16, v19;
	v16 =	vsub.f32 $1.500000000e+00, v58;
	v29 =	vld [tilespmem:s23+$0x20]  }
0x20d: {  	v55 =	vsub.f32 $1.500000000e+00, v28;
	v54 =	vld [tilespmem:s13+$0x20]  }
0x20e: {  	v14 =	vmul.f32 v14, v24;
	v11 =	vsub.f32 v11, v13;
	v13 =	vmul.f32 v16, v22;
	v56 =	vld [tilespmem:s23+$0x10]  }
0x20f: {  	v25 =	vmul.f32 v26, v55;
	v31 =	vld [tilespmem:s13+$0x10]  }
0x210: {  	v11 =	vmul.f32 v11, v11;
	v9 =	vmul.f32 v13, v9;
	v13 =	vsub.f32 $1.500000000e+00, v14;
	v57 =	vld [tilespmem:s23+$0x0]  }
0x211: {  	v27 =	vmul.f32 v25, v27;
	v32 =	vld [tilespmem:s13+$0x0]  }
0x212: {  	v6 =	vmul.f32 v11, v6;
	v11 =	vmul.f32 v13, v24;
	v33 =	vld [tilespmem:s23+$0xFFFFFFF0]  }
0x213: {  	v59 =	vld [tilespmem:s13+$0xFFFFFFF0]  }
0x214: {  	v27 =	vmul.f32 v27, v25;
	v5 =	vmul.f32 v11, v5;
	v60 =	vld [tilespmem:s23+$0xFFFFFFE0]  }
0x215: {  	s29 =	simm.s32 $0x1BD70;
	v19 =	vld [tilespmem:s13+$0xFFFFFFE0]  }
0x216: {  	v61 =	vsub.f32 $1.500000000e+00, v27;
	v4 =	vsub.f32 v5, v4;
	v5 =	vld [tilespmem:s29+$0x20]  }
0x217: {  	v12 =	vmul.f32 v15, v12;
	v62 =	vld.idx.msk [tilespmem:v29+s5+$0x0], $0xffff  }
0x218: {  	v16 =	vmul.f32 v61, v25;
	v15 =	vld.idx.msk [tilespmem:v54+s5+$0x0], $0xffff  }
0x219: {  	v10 =	vsub.f32 v12, v10;
	v63 =	vld.idx.msk [tilespmem:v56+s5+$0x0], $0xffff  }
0x21a: {  	v8 =	vmul.f32 v16, v8;
	v12 =	vld.idx.msk [tilespmem:v31+s5+$0x0], $0xffff  }
0x21b: {  	v10 =	vmul.f32 v10, v10;
	v7 =	vsub.f32 v9, v7;
	v14 =	vld.idx.msk [tilespmem:v57+s5+$0x0], $0xffff  }
0x21c: {  	v8 =	vsub.f32 v8, v17;
	v9 =	vld.idx.msk [tilespmem:v32+s5+$0x0], $0xffff  }
0x21d: {  	v0 =	vadd.f32 v6, v0;
	v6 =	vmul.f32 v10, v18;
	v7 =	vmul.f32 v7, v7;
	v13 =	vld.idx.msk [tilespmem:v60+s5+$0x0], $0xffff  }
0x21e: {  	v10 =	vld.idx.msk [tilespmem:v19+s5+$0x0], $0xffff  }
0x21f: {  	v0 =	vadd.f32 v6, v0;
	v3 =	vmul.f32 v7, v3;
	v6 =	vmul.f32 v8, v8;
	v11 =	vld.idx.msk [tilespmem:v33+s5+$0x0], $0xffff  }
0x220: {  	v7 =	vld.idx.msk [tilespmem:v59+s5+$0x0], $0xffff  }
0x221: {  	v0 =	vadd.f32 v3, v0;
	v2 =	vmul.f32 v6, v2;
	v3 =	vld [tilespmem:s29+$0x10]  }
0x222: {  	v4 =	vmul.f32 v4, v4;
	v8 =	vld [tilespmem:s29+$0x0]  }
0x223: {  	v6 =	vld [tilespmem:s29+$0xFFFFFFE0];
	v0 =	vadd.f32 v2, v0;
	v2 =	vsub.f32 v63, v12  }
0x224: {  	s14 =	simm.s32 $0x1CD10;
	v4 =	vmul.f32 v4, v1;
	v12 =	vsub.f32 v62, v15;
	v10 =	vsub.f32 v13, v10;
	v13 =	vld [tilespmem:s29+$0xFFFFFFF0]  }
0x225: {  	v1 =	vld [tilespmem:s14+$0x20];
	v9 =	vsub.f32 v14, v9;
	v14 =	vmul.f32 v2, v2;
	v2 =	vsub.f32 v11, v7  }
0x226: {  	v4 =	vadd.f32 v4, v0;
	v0 =	vld [tilespmem:s14+$0x10];
	v7 =	vmul.f32 v12, v12;
	v10 =	vmul.f32 v10, v10  }
0x227: {  	s15 =	simm.s32 $0x1C540;
	v9 =	vmul.f32 v9, v9;
	v11 =	vmul.f32 v2, v2;
	v2 =	vld [tilespmem:s14+$0x0];
	v12 =	vadd.f32 v14, v3  }
0x228: {  	v5 =	vadd.f32 v7, v5;
	v7 =	vadd.f32 v10, v6;
	v3 =	vld [tilespmem:s15+$0x20]  }
0x229: {  	v6 =	vld [tilespmem:s14+$0xFFFFFFE0];
	v9 =	vadd.f32 v9, v8;
	v14 =	vadd.f32 v11, v13  }
0x22a: {  	v10 =	vld [tilespmem:s15+$0xFFFFFFF0];
	v5 =	vmax.f32 v5, $9.999999960e-13;
	v11 =	vmax.f32 v7, $9.999999960e-13;
	v8 =	vmax.f32 v12, $9.999999960e-13  }
0x22b: {  	v7 =	vld [tilespmem:s15+$0x0];
	v9 =	vmax.f32 v9, $9.999999960e-13;
	v12 =	vshra.s32 v11, $0x1;
	v15 =	vmul.f32 $5.000000000e-01, v11  }
0x22c: {  	s28 =	simm.s32 $0x0;
	s23 =	simm.s32 $0x1AE20;
	v13 =	vld [tilespmem:s15+$0xFFFFFFE0];
	v16 =	vsub.s32 $0x5F3759DF, v12;
	v12 =	vmax.f32 v14, $9.999999960e-13;
	v14 =	vmul.f32 $5.000000000e-01, v5  }
.LBB2_15:
0x22d: {  	v17 =	vld [tilespmem:s23+$0x20];
	v18 =	vmul.f32 v16, v15;
	v19 =	vshra.s32 v12, $0x1;
	v20 =	vmul.f32 $5.000000000e-01, v12;
	s13 =	sadd.s32 $0x50, s13  }
0x22e: {  	v22 =	vshra.s32 v9, $0x1;
	v23 =	vmul.f32 $5.000000000e-01, v9;
	v21 =	vld [tilespmem:s13+$0x20];
	v19 =	vsub.s32 $0x5F3759DF, v19  }
0x22f: {  	v22 =	vsub.s32 $0x5F3759DF, v22;
	v24 =	vld [tilespmem:s23+$0x10];
	v18 =	vmul.f32 v16, v18;
	v25 =	vmul.f32 v19, v20  }
0x230: {  	v28 =	vshra.s32 v8, $0x1;
	v29 =	vmul.f32 $5.000000000e-01, v8;
	v27 =	vmul.f32 v22, v23;
	v26 =	vld [tilespmem:s13+$0x10]  }
0x231: {  	v28 =	vsub.s32 $0x5F3759DF, v28;
	v30 =	vld [tilespmem:s23+$0x0];
	v18 =	vsub.f32 $1.500000000e+00, v18;
	v25 =	vmul.f32 v19, v25  }
0x232: {  	v33 =	vshra.s32 v5, $0x1;
	v32 =	vmul.f32 v28, v29;
	v27 =	vmul.f32 v22, v27;
	v31 =	vld [tilespmem:s13+$0x0]  }
0x233: {  	v34 =	vld [tilespmem:s23+$0xFFFFFFF0];
	v16 =	vmul.f32 v16, v18;
	v18 =	vsub.f32 $1.500000000e+00, v25;
	v25 =	vsub.s32 $0x5F3759DF, v33  }
0x234: {  	v32 =	vmul.f32 v28, v32;
	v27 =	vsub.f32 $1.500000000e+00, v27;
	v33 =	vld [tilespmem:s13+$0xFFFFFFF0];
	v35 =	vmul.f32 v25, v14  }
0x235: {  	v36 =	vld [tilespmem:s23+$0xFFFFFFE0];
	v15 =	vmul.f32 v16, v15;
	v18 =	vmul.f32 v19, v18  }
0x236: {  	v22 =	vmul.f32 v22, v27;
	v27 =	vsub.f32 $1.500000000e+00, v32;
	v19 =	vld [tilespmem:s13+$0xFFFFFFE0];
	v32 =	vmul.f32 v25, v35  }
0x237: {  	v17 =	vld.idx.msk [tilespmem:v17+s5+$0x0], $0xffff;
	v15 =	vmul.f32 v15, v16;
	v20 =	vmul.f32 v18, v20  }
0x238: {  	v27 =	vmul.f32 v28, v27;
	v21 =	vld.idx.msk [tilespmem:v21+s5+$0x0], $0xffff;
	v28 =	vsub.f32 $1.500000000e+00, v32  }
0x239: {  	s28 =	sadd.s32 $0x5, s28;
	v23 =	vmul.f32 v22, v23;
	v24 =	vld.idx.msk [tilespmem:v24+s5+$0x0], $0xffff;
	v15 =	vsub.f32 $1.500000000e+00, v15;
	v20 =	vmul.f32 v20, v18  }
0x23a: {  	p0 =	slt.u32 s28, $0x78;
	v29 =	vmul.f32 v27, v29;
	v26 =	vld.idx.msk [tilespmem:v26+s5+$0x0], $0xffff;
	v25 =	vmul.f32 v25, v28  }
0x23b: {  	v28 =	vld.idx.msk [tilespmem:v30+s5+$0x0], $0xffff;
	v15 =	vmul.f32 v15, v16;
	v16 =	vsub.f32 $1.500000000e+00, v20;
	v20 =	vmul.f32 v23, v22  }
0x23c: {  	v29 =	vmul.f32 v29, v27;
	v23 =	vld.idx.msk [tilespmem:v31+s5+$0x0], $0xffff;
	v14 =	vmul.f32 v25, v14  }
0x23d: {  	v30 =	vld.idx.msk [tilespmem:v36+s5+$0x0], $0xffff;
	v11 =	vmul.f32 v15, v11;
	v15 =	vmul.f32 v16, v18;
	v16 =	vsub.f32 $1.500000000e+00, v20  }
0x23e: {  	v17 =	vsub.f32 v17, v21;
	v18 =	vld.idx.msk [tilespmem:v19+s5+$0x0], $0xffff;
	v19 =	vsub.f32 $1.500000000e+00, v29;
	v14 =	vmul.f32 v14, v25  }
0x23f: {  	v11 =	vsub.f32 v11, v13;
	v12 =	vmul.f32 v15, v12;
	v13 =	vmul.f32 v16, v22;
	v15 =	vld [tilespmem:s15+$0x10]  }
0x240: {  	v16 =	vsub.f32 v24, v26;
	v20 =	vld [tilespmem:s14+$0xFFFFFFF0];
	v19 =	vmul.f32 v19, v27;
	v14 =	vsub.f32 $1.500000000e+00, v14  }
0x241: {  	v21 =	vld.idx.msk [tilespmem:v34+s5+$0x0], $0xffff;
	v11 =	vmul.f32 v11, v11;
	v10 =	vsub.f32 v12, v10;
	v9 =	vmul.f32 v13, v9  }
0x242: {  	s29 =	sadd.s32 $0x50, s29;
	v13 =	vsub.f32 v28, v23;
	v12 =	vld.idx.msk [tilespmem:v33+s5+$0x0], $0xffff;
	v8 =	vmul.f32 v19, v8;
	v14 =	vmul.f32 v14, v25  }
0x243: {  	v19 =	vld [tilespmem:s29+$0x20];
	v6 =	vmul.f32 v11, v6;
	v10 =	vmul.f32 v10, v10;
	v7 =	vsub.f32 v9, v7  }
0x244: {  	v9 =	vsub.f32 v30, v18;
	v11 =	vld [tilespmem:s29+$0x10];
	v8 =	vsub.f32 v8, v15;
	v5 =	vmul.f32 v14, v5  }
0x245: {  	v14 =	vld [tilespmem:s29+$0x0];
	v4 =	vadd.f32 v6, v4;
	v6 =	vmul.f32 v10, v20;
	v7 =	vmul.f32 v7, v7  }
0x246: {  	v15 =	vmul.f32 v16, v16;
	v16 =	vmul.f32 v17, v17;
	v10 =	vld [tilespmem:s29+$0xFFFFFFE0];
	v3 =	vsub.f32 v5, v3  }
0x247: {  	s14 =	sadd.s32 $0x50, s14;
	v5 =	vld [tilespmem:s29+$0xFFFFFFF0];
	v4 =	vadd.f32 v6, v4;
	v2 =	vmul.f32 v7, v2;
	v6 =	vmul.f32 v8, v8  }
0x248: {  	v7 =	vmul.f32 v9, v9;
	v8 =	vsub.f32 v21, v12;
	v9 =	vmul.f32 v13, v13;
	v12 =	vld [tilespmem:s14+$0x20]  }
0x249: {  	v13 =	vmul.f32 v3, v3;
	v4 =	vadd.f32 v2, v4;
	v6 =	vmul.f32 v6, v0;
	v0 =	vld [tilespmem:s14+$0x10]  }
0x24a: {  	s15 =	sadd.s32 $0x50, s15;
	v8 =	vmul.f32 v8, v8;
	v15 =	vadd.f32 v15, v11;
	v11 =	vadd.f32 v16, v19;
	v2 =	vld [tilespmem:s14+$0x0]  }
.Ltmp6:
0x24b: {  	v7 =	vadd.f32 v7, v10;
	v3 =	vld [tilespmem:s15+$0x20];
	v4 =	vadd.f32 v6, v4;
	v10 =	vmul.f32 v13, v1;
	(pc) =	sbr.rel @p0 .LBB2_15-.Ltmp6, $4  }
0x24c: {  	v9 =	vadd.f32 v9, v14;
	v6 =	vld [tilespmem:s14+$0xFFFFFFE0];
	v17 =	vadd.f32 v8, v5;
	v5 =	vmax.f32 v11, $9.999999960e-13  }
0x24d: {  	v8 =	vmax.f32 v15, $9.999999960e-13;
	v11 =	vmax.f32 v7, $9.999999960e-13;
	v7 =	vld [tilespmem:s15+$0x0];
	v4 =	vadd.f32 v10, v4;
	v1 =	vmovc v12  }
0x24e: {  	v9 =	vmax.f32 v9, $9.999999960e-13;
	v12 =	vshra.s32 v11, $0x1;
	v15 =	vmul.f32 $5.000000000e-01, v11;
	v10 =	vld [tilespmem:s15+$0xFFFFFFF0]  }
0x24f: {  	s23 =	sadd.s32 $0x50, s23;
	v14 =	vmul.f32 $5.000000000e-01, v5;
	v16 =	vsub.s32 $0x5F3759DF, v12;
	v13 =	vld [tilespmem:s15+$0xFFFFFFE0];
	v12 =	vmax.f32 v17, $9.999999960e-13  }
0x250: {  	v17 =	vmul.f32 v16, v15;
	v18 =	vshra.s32 v12, $0x1;
	v19 =	vmul.f32 $5.000000000e-01, v12  }
0x251: {  	v20 =	vshra.s32 v9, $0x1;
	v21 =	vmul.f32 $5.000000000e-01, v9;
	v18 =	vsub.s32 $0x5F3759DF, v18  }
0x252: {  	v20 =	vsub.s32 $0x5F3759DF, v20;
	v17 =	vmul.f32 v16, v17;
	v22 =	vmul.f32 v18, v19  }
0x253: {  	v24 =	vshra.s32 v8, $0x1;
	v25 =	vmul.f32 $5.000000000e-01, v8;
	v23 =	vmul.f32 v20, v21  }
0x254: {  	v24 =	vsub.s32 $0x5F3759DF, v24;
	v17 =	vsub.f32 $1.500000000e+00, v17;
	v22 =	vmul.f32 v18, v22  }
0x255: {  	v27 =	vshra.s32 v5, $0x1;
	v26 =	vmul.f32 v24, v25;
	v23 =	vmul.f32 v20, v23  }
0x256: {  	v42 =	vsub.s32 $0x5F3759DF, v27;
	v40 =	vmul.f32 v16, v17;
	v41 =	vsub.f32 $1.500000000e+00, v22  }
0x257: {  	v27 =	vmul.f32 v42, v14;
	v26 =	vmul.f32 v24, v26;
	v23 =	vsub.f32 $1.500000000e+00, v23  }
0x258: {  	v43 =	vmul.f32 v40, v15;
	v17 =	vmul.f32 v18, v41  }
0x259: {  	v46 =	vmul.f32 v42, v27;
	v45 =	vsub.f32 $1.500000000e+00, v26;
	v44 =	vmul.f32 v20, v23  }
0x25a: {  	v15 =	vmul.f32 v43, v40;
	v19 =	vmul.f32 v17, v19  }
0x25b: {  	v20 =	vmul.f32 v24, v45;
	v23 =	vsub.f32 $1.500000000e+00, v46  }
0x25c: {  	v21 =	vmul.f32 v44, v21;
	v15 =	vsub.f32 $1.500000000e+00, v15;
	v19 =	vmul.f32 v19, v17  }
0x25d: {  	v24 =	vmul.f32 v20, v25;
	v22 =	vmul.f32 v42, v23  }
0x25e: {  	v48 =	vmul.f32 v21, v44;
	v15 =	vmul.f32 v15, v40;
	v47 =	vsub.f32 $1.500000000e+00, v19  }
0x25f: {  	v49 =	vmul.f32 v24, v20;
	v50 =	vmul.f32 v22, v14  }
0x260: {  	v52 =	vsub.f32 $1.500000000e+00, v48;
	v11 =	vmul.f32 v15, v11;
	v51 =	vmul.f32 v47, v17  }
0x261: {  	v53 =	vsub.f32 $1.500000000e+00, v49;
	v14 =	vmul.f32 v50, v22  }
0x262: {  	v56 =	vld [tilespmem:s15+$0x10];
	v55 =	vmul.f32 v52, v44;
	v11 =	vsub.f32 v11, v13;
	v54 =	vmul.f32 v51, v12  }
0x263: {  	v57 =	vld [tilespmem:s14+$0xFFFFFFF0];
	v17 =	vmul.f32 v53, v20;
	v14 =	vsub.f32 $1.500000000e+00, v14  }
0x264: {  	s12 =	sadd.s32 s12, s17;
	v58 =	vmul.f32 v55, v9;
	v11 =	vmul.f32 v11, v11;
	v10 =	vsub.f32 v54, v10  }
0x265: {  	s12 =	sshrl.u32 s12, $0x3;
	v59 =	vmul.f32 v17, v8;
	v60 =	vmul.f32 v14, v22  }
0x266: {  	s13 =	sadd.s32 s7, s12;
	v7 =	vsub.f32 v58, v7;
	v6 =	vmul.f32 v11, v6;
	v10 =	vmul.f32 v10, v10  }
0x267: {  	[tilespmem:s0], [sflag:$0x2] =	stream.linear.gather [hbm4b:s13+s5], $0x7D0, $0x38;
	v8 =	vsub.f32 v59, v56;
	v61 =	vmul.f32 v60, v5;
	[tilespmem:$0x1D4D0] =	vst v63  }
0x268: {  	s18 =	sadd.s32 $0x1, s18;
	s23 =	sadd.s32 s9, s12;
	v7 =	vmul.f32 v7, v7;
	v4 =	vadd.f32 v6, v4;
	v62 =	vmul.f32 v10, v57  }
0x269: {  	[tilespmem:s3], [sflag:$0x2] =	stream.linear.gather [hbm4b:s23+s5], $0x7D0, $0x38;
	v3 =	vsub.f32 v61, v3;
	[tilespmem:$0x1D4D0] =	vst v63  }
0x26a: {  	p0 =	sne.s32 s18, $0x18;
	s28 =	sadd.s32 s10, s12;
	v63 =	vmul.f32 v8, v8;
	v2 =	vmul.f32 v7, v2;
	v4 =	vadd.f32 v62, v4  }
0x26b: {  	[tilespmem:s20], [sflag:$0x2] =	stream.linear.gather [hbm4b:s28+s5], $0x7D0, $0x38;
	[tilespmem:$0x1D4D0] =	vst v63  }
.Ltmp7:
0x26c: {  	v0 =	vmul.f32 v63, v0;
	v3 =	vmul.f32 v3, v3;
	v2 =	vadd.f32 v2, v4;
	(pc) =	sbr.rel @p0 .LBB2_12-.Ltmp7, $4  }
0x26d: {  	s29 =	sadd.s32 s2, s12  }
0x26e: {  	[tilespmem:s25], [sflag:$0x2] =	stream.linear.gather [hbm4b:s29+s5], $0x7D0, $0x38;
	v1 =	vmul.f32 v3, v1;
	v0 =	vadd.f32 v0, v2;
	[tilespmem:$0x1D4D0] =	vst v63  }
0x26f: {  	s12 =	sadd.s32 s4, s12  }
0x270: {  	[tilespmem:s26], [sflag:$0x2] =	stream.linear.gather [hbm4b:s12+s5], $0x7D0, $0x38;
	v0 =	vadd.f32 v1, v0;
	[tilespmem:$0x1D4D0] =	vst v63  }
0x271: {  	_ =	swait.ge [sflag:s1], $0x7D0  }
0x272: {  	[sflag:s1] =	ssyncset.done $0x0  }
0x273: {  	[sflag:s1] =	ssyncadd.s32 $0xFFFFF830  }
0x274: {  	_ =	swait.ge [sflag:s1], $0x7D0  }
0x275: {  	[sflag:s1] =	ssyncset.done $0x0  }
0x276: {  	[sflag:s1] =	ssyncadd.s32 $0xFFFFF830  }
0x277: {  	_ =	swait.ge [sflag:s1], $0x7D0  }
0x278: {  	[sflag:s1] =	ssyncset.done $0x0  }
0x279: {  	[sflag:s1] =	ssyncadd.s32 $0xFFFFF830  }
0x27a: {  	_ =	swait.ge [sflag:s1], $0x7D0  }
0x27b: {  	[sflag:s1] =	ssyncset.done $0x0  }
0x27c: {  	[sflag:s1] =	ssyncadd.s32 $0xFFFFF830  }
0x27d: {  	_ =	swait.ge [sflag:s1], $0x7D0  }
0x27e: {  	[sflag:s1] =	ssyncset.done $0x0  }
0x27f: {  	s13 =	simm.s32 $0x186C0;
	[sflag:s1] =	ssyncadd.s32 $0xFFFFF830  }
0x280: {  	s12 =	simm.s32 $0x18E90;
	v1 =	vld [tilespmem:s13+$0x20]  }
0x281: {  	v2 =	vld [tilespmem:s12+$0x20]  }
0x282: {  	v3 =	vld [tilespmem:s13+$0x10]  }
0x283: {  	v4 =	vld [tilespmem:s12+$0x10]  }
0x284: {  	v5 =	vld [tilespmem:s13+$0x0]  }
0x285: {  	v6 =	vld [tilespmem:s12+$0x0]  }
0x286: {  	v7 =	vld [tilespmem:s13+$0xFFFFFFF0]  }
0x287: {  	v8 =	vld [tilespmem:s12+$0xFFFFFFF0]  }
0x288: {  	v9 =	vld [tilespmem:s13+$0xFFFFFFE0]  }
0x289: {  	v10 =	vld [tilespmem:s12+$0xFFFFFFE0];
	s13 =	simm.s32 $0x19660  }
0x28a: {  	v11 =	vld [tilespmem:s13+$0x20]  }
0x28b: {  	v1 =	vld.idx.msk [tilespmem:v1+s5+$0x0], $0xffff  }
0x28c: {  	v2 =	vld.idx.msk [tilespmem:v2+s5+$0x0], $0xffff  }
0x28d: {  	v3 =	vld.idx.msk [tilespmem:v3+s5+$0x0], $0xffff  }
0x28e: {  	v4 =	vld.idx.msk [tilespmem:v4+s5+$0x0], $0xffff  }
0x28f: {  	v5 =	vld.idx.msk [tilespmem:v5+s5+$0x0], $0xffff  }
0x290: {  	v6 =	vld.idx.msk [tilespmem:v6+s5+$0x0], $0xffff  }
0x291: {  	v9 =	vld.idx.msk [tilespmem:v9+s5+$0x0], $0xffff  }
0x292: {  	v10 =	vld.idx.msk [tilespmem:v10+s5+$0x0], $0xffff  }
0x293: {  	v7 =	vld.idx.msk [tilespmem:v7+s5+$0x0], $0xffff  }
0x294: {  	v8 =	vld.idx.msk [tilespmem:v8+s5+$0x0], $0xffff  }
0x295: {  	v12 =	vld [tilespmem:s13+$0x10]  }
0x296: {  	v13 =	vld [tilespmem:s13+$0x0]  }
0x297: {  	v3 =	vsub.f32 v3, v4;
	v4 =	vld [tilespmem:s13+$0xFFFFFFE0]  }
0x298: {  	s14 =	simm.s32 $0x1A600;
	v2 =	vsub.f32 v1, v2;
	v9 =	vsub.f32 v9, v10;
	v10 =	vld [tilespmem:s13+$0xFFFFFFF0]  }
0x299: {  	v5 =	vsub.f32 v5, v6;
	v1 =	vld [tilespmem:s14+$0x20];
	v6 =	vmul.f32 v3, v3;
	v3 =	vsub.f32 v7, v8  }
0x29a: {  	v7 =	vmul.f32 v2, v2;
	v8 =	vmul.f32 v9, v9;
	v2 =	vld [tilespmem:s14+$0x10]  }
0x29b: {  	v5 =	vmul.f32 v5, v5;
	v9 =	vmul.f32 v3, v3;
	v3 =	vld [tilespmem:s14+$0x0];
	v12 =	vadd.f32 v6, v12  }
0x29c: {  	s15 =	simm.s32 $0x19E30;
	v7 =	vadd.f32 v7, v11;
	v6 =	vld [tilespmem:s14+$0xFFFFFFE0];
	v8 =	vadd.f32 v8, v4  }
0x29d: {  	v4 =	vld [tilespmem:s15+$0x20];
	v14 =	vadd.f32 v9, v10;
	v9 =	vadd.f32 v5, v13  }
0x29e: {  	v5 =	vmax.f32 v7, $9.999999960e-13;
	v7 =	vld [tilespmem:s15+$0x0];
	v11 =	vmax.f32 v8, $9.999999960e-13;
	v8 =	vmax.f32 v12, $9.999999960e-13  }
0x29f: {  	v10 =	vld [tilespmem:s15+$0xFFFFFFF0];
	v12 =	vshra.s32 v11, $0x1;
	v15 =	vmul.f32 $5.000000000e-01, v11;
	v9 =	vmax.f32 v9, $9.999999960e-13  }
0x2a0: {  	s18 =	simm.s32 $0x0;
	s23 =	simm.s32 $0x18710;
	v13 =	vld [tilespmem:s15+$0xFFFFFFE0];
	v16 =	vsub.s32 $0x5F3759DF, v12;
	v12 =	vmax.f32 v14, $9.999999960e-13;
	v14 =	vmul.f32 $5.000000000e-01, v5  }
.LBB2_18:
0x2a1: {  	v17 =	vld [tilespmem:s23+$0x20];
	v18 =	vmul.f32 v16, v15;
	v19 =	vshra.s32 v12, $0x1;
	v20 =	vmul.f32 $5.000000000e-01, v12;
	s12 =	sadd.s32 $0x50, s12  }
0x2a2: {  	v22 =	vshra.s32 v9, $0x1;
	v23 =	vmul.f32 $5.000000000e-01, v9;
	v21 =	vld [tilespmem:s12+$0x20];
	v19 =	vsub.s32 $0x5F3759DF, v19  }
0x2a3: {  	v22 =	vsub.s32 $0x5F3759DF, v22;
	v24 =	vld [tilespmem:s23+$0x10];
	v18 =	vmul.f32 v16, v18;
	v25 =	vmul.f32 v19, v20  }
0x2a4: {  	v28 =	vshra.s32 v8, $0x1;
	v29 =	vmul.f32 $5.000000000e-01, v8;
	v27 =	vmul.f32 v22, v23;
	v26 =	vld [tilespmem:s12+$0x10]  }
0x2a5: {  	v28 =	vsub.s32 $0x5F3759DF, v28;
	v30 =	vld [tilespmem:s23+$0x0];
	v18 =	vsub.f32 $1.500000000e+00, v18;
	v25 =	vmul.f32 v19, v25  }
0x2a6: {  	v33 =	vshra.s32 v5, $0x1;
	v32 =	vmul.f32 v28, v29;
	v27 =	vmul.f32 v22, v27;
	v31 =	vld [tilespmem:s12+$0x0]  }
0x2a7: {  	v34 =	vld [tilespmem:s23+$0xFFFFFFF0];
	v16 =	vmul.f32 v16, v18;
	v18 =	vsub.f32 $1.500000000e+00, v25;
	v25 =	vsub.s32 $0x5F3759DF, v33  }
0x2a8: {  	v32 =	vmul.f32 v28, v32;
	v27 =	vsub.f32 $1.500000000e+00, v27;
	v33 =	vld [tilespmem:s12+$0xFFFFFFF0];
	v35 =	vmul.f32 v25, v14  }
0x2a9: {  	v36 =	vld [tilespmem:s23+$0xFFFFFFE0];
	v15 =	vmul.f32 v16, v15;
	v18 =	vmul.f32 v19, v18  }
0x2aa: {  	v22 =	vmul.f32 v22, v27;
	v27 =	vsub.f32 $1.500000000e+00, v32;
	v19 =	vld [tilespmem:s12+$0xFFFFFFE0];
	v32 =	vmul.f32 v25, v35  }
0x2ab: {  	v17 =	vld.idx.msk [tilespmem:v17+s5+$0x0], $0xffff;
	v15 =	vmul.f32 v15, v16;
	v20 =	vmul.f32 v18, v20  }
0x2ac: {  	v27 =	vmul.f32 v28, v27;
	v21 =	vld.idx.msk [tilespmem:v21+s5+$0x0], $0xffff;
	v28 =	vsub.f32 $1.500000000e+00, v32  }
0x2ad: {  	s18 =	sadd.s32 $0x5, s18;
	v23 =	vmul.f32 v22, v23;
	v24 =	vld.idx.msk [tilespmem:v24+s5+$0x0], $0xffff;
	v15 =	vsub.f32 $1.500000000e+00, v15;
	v20 =	vmul.f32 v20, v18  }
0x2ae: {  	p0 =	slt.u32 s18, $0x78;
	v29 =	vmul.f32 v27, v29;
	v26 =	vld.idx.msk [tilespmem:v26+s5+$0x0], $0xffff;
	v25 =	vmul.f32 v25, v28  }
0x2af: {  	v28 =	vld.idx.msk [tilespmem:v30+s5+$0x0], $0xffff;
	v15 =	vmul.f32 v15, v16;
	v16 =	vsub.f32 $1.500000000e+00, v20;
	v20 =	vmul.f32 v23, v22  }
0x2b0: {  	v29 =	vmul.f32 v29, v27;
	v23 =	vld.idx.msk [tilespmem:v31+s5+$0x0], $0xffff;
	v14 =	vmul.f32 v25, v14  }
0x2b1: {  	v30 =	vld.idx.msk [tilespmem:v36+s5+$0x0], $0xffff;
	v11 =	vmul.f32 v15, v11;
	v15 =	vmul.f32 v16, v18;
	v16 =	vsub.f32 $1.500000000e+00, v20  }
0x2b2: {  	v17 =	vsub.f32 v17, v21;
	v18 =	vld.idx.msk [tilespmem:v19+s5+$0x0], $0xffff;
	v19 =	vsub.f32 $1.500000000e+00, v29;
	v14 =	vmul.f32 v14, v25  }
0x2b3: {  	v11 =	vsub.f32 v11, v13;
	v12 =	vmul.f32 v15, v12;
	v13 =	vmul.f32 v16, v22;
	v15 =	vld [tilespmem:s15+$0x10]  }
0x2b4: {  	v16 =	vsub.f32 v24, v26;
	v20 =	vld [tilespmem:s14+$0xFFFFFFF0];
	v19 =	vmul.f32 v19, v27;
	v14 =	vsub.f32 $1.500000000e+00, v14  }
0x2b5: {  	v21 =	vld.idx.msk [tilespmem:v34+s5+$0x0], $0xffff;
	v11 =	vmul.f32 v11, v11;
	v10 =	vsub.f32 v12, v10;
	v9 =	vmul.f32 v13, v9  }
0x2b6: {  	s13 =	sadd.s32 $0x50, s13;
	v13 =	vsub.f32 v28, v23;
	v12 =	vld.idx.msk [tilespmem:v33+s5+$0x0], $0xffff;
	v8 =	vmul.f32 v19, v8;
	v14 =	vmul.f32 v14, v25  }
0x2b7: {  	v19 =	vld [tilespmem:s13+$0x20];
	v6 =	vmul.f32 v11, v6;
	v10 =	vmul.f32 v10, v10;
	v7 =	vsub.f32 v9, v7  }
0x2b8: {  	v9 =	vsub.f32 v30, v18;
	v11 =	vld [tilespmem:s13+$0x10];
	v8 =	vsub.f32 v8, v15;
	v5 =	vmul.f32 v14, v5  }
0x2b9: {  	v14 =	vld [tilespmem:s13+$0x0];
	v0 =	vadd.f32 v6, v0;
	v6 =	vmul.f32 v10, v20;
	v7 =	vmul.f32 v7, v7  }
0x2ba: {  	v15 =	vmul.f32 v16, v16;
	v16 =	vmul.f32 v17, v17;
	v10 =	vld [tilespmem:s13+$0xFFFFFFE0];
	v4 =	vsub.f32 v5, v4  }
0x2bb: {  	s14 =	sadd.s32 $0x50, s14;
	v5 =	vld [tilespmem:s13+$0xFFFFFFF0];
	v0 =	vadd.f32 v6, v0;
	v3 =	vmul.f32 v7, v3;
	v6 =	vmul.f32 v8, v8  }
0x2bc: {  	v7 =	vmul.f32 v9, v9;
	v8 =	vsub.f32 v21, v12;
	v9 =	vmul.f32 v13, v13;
	v12 =	vld [tilespmem:s14+$0x20]  }
0x2bd: {  	v13 =	vmul.f32 v4, v4;
	v0 =	vadd.f32 v3, v0;
	v6 =	vmul.f32 v6, v2;
	v2 =	vld [tilespmem:s14+$0x10]  }
0x2be: {  	s15 =	sadd.s32 $0x50, s15;
	v8 =	vmul.f32 v8, v8;
	v15 =	vadd.f32 v15, v11;
	v11 =	vadd.f32 v16, v19;
	v3 =	vld [tilespmem:s14+$0x0]  }
.Ltmp8:
0x2bf: {  	v7 =	vadd.f32 v7, v10;
	v4 =	vld [tilespmem:s15+$0x20];
	v0 =	vadd.f32 v6, v0;
	v10 =	vmul.f32 v13, v1;
	(pc) =	sbr.rel @p0 .LBB2_18-.Ltmp8, $4  }
0x2c0: {  	v9 =	vadd.f32 v9, v14;
	v6 =	vld [tilespmem:s14+$0xFFFFFFE0];
	v17 =	vadd.f32 v8, v5;
	v5 =	vmax.f32 v11, $9.999999960e-13  }
0x2c1: {  	v8 =	vmax.f32 v15, $9.999999960e-13;
	v11 =	vmax.f32 v7, $9.999999960e-13;
	v7 =	vld [tilespmem:s15+$0x0];
	v0 =	vadd.f32 v10, v0;
	v1 =	vmovc v12  }
0x2c2: {  	v9 =	vmax.f32 v9, $9.999999960e-13;
	v12 =	vshra.s32 v11, $0x1;
	v15 =	vmul.f32 $5.000000000e-01, v11;
	v10 =	vld [tilespmem:s15+$0xFFFFFFF0]  }
0x2c3: {  	s23 =	sadd.s32 $0x50, s23;
	v14 =	vmul.f32 $5.000000000e-01, v5;
	v16 =	vsub.s32 $0x5F3759DF, v12;
	v13 =	vld [tilespmem:s15+$0xFFFFFFE0];
	v12 =	vmax.f32 v17, $9.999999960e-13  }
0x2c4: {  	v17 =	vld [tilespmem:s15+$0x10]  }
0x2c5: {  	v18 =	vld [tilespmem:s14+$0xFFFFFFF0];
	_ =	swait.ge [sflag:s19], $0x7D0  }
0x2c6: {  	[sflag:s19] =	ssyncset.done $0x0  }
0x2c7: {  	[sflag:s19] =	ssyncadd.s32 $0xFFFFF830  }
0x2c8: {  	_ =	swait.ge [sflag:s19], $0x7D0  }
0x2c9: {  	[sflag:s19] =	ssyncset.done $0x0  }
0x2ca: {  	[sflag:s19] =	ssyncadd.s32 $0xFFFFF830  }
0x2cb: {  	_ =	swait.ge [sflag:s19], $0x7D0  }
0x2cc: {  	[sflag:s19] =	ssyncset.done $0x0  }
0x2cd: {  	v19 =	vmul.f32 v16, v15;
	v20 =	vshra.s32 v12, $0x1;
	v21 =	vmul.f32 $5.000000000e-01, v12;
	[sflag:s19] =	ssyncadd.s32 $0xFFFFF830  }
0x2ce: {  	v22 =	vshra.s32 v9, $0x1;
	v23 =	vmul.f32 $5.000000000e-01, v9;
	v20 =	vsub.s32 $0x5F3759DF, v20;
	_ =	swait.ge [sflag:s19], $0x7D0  }
0x2cf: {  	v22 =	vsub.s32 $0x5F3759DF, v22;
	v19 =	vmul.f32 v16, v19;
	v24 =	vmul.f32 v20, v21;
	[sflag:s19] =	ssyncset.done $0x0  }
0x2d0: {  	v26 =	vshra.s32 v8, $0x1;
	v27 =	vmul.f32 $5.000000000e-01, v8;
	v25 =	vmul.f32 v22, v23;
	[sflag:s19] =	ssyncadd.s32 $0xFFFFF830  }
0x2d1: {  	v26 =	vsub.s32 $0x5F3759DF, v26;
	v19 =	vsub.f32 $1.500000000e+00, v19;
	v24 =	vmul.f32 v20, v24;
	_ =	swait.ge [sflag:s19], $0x7D0  }
0x2d2: {  	v28 =	vmul.f32 v26, v27;
	v25 =	vmul.f32 v22, v25;
	[sflag:s19] =	ssyncset.done $0x0  }
0x2d3: {  	s13 =	simm.s32 $0x1ADD0;
	v16 =	vmul.f32 v16, v19;
	v19 =	vsub.f32 $1.500000000e+00, v24;
	[sflag:s19] =	ssyncadd.s32 $0xFFFFF830  }
0x2d4: {  	v53 =	vshra.s32 v5, $0x1;
	s12 =	simm.s32 $0x1B5A0;
	v28 =	vmul.f32 v26, v28;
	v25 =	vsub.f32 $1.500000000e+00, v25;
	v29 =	vld [tilespmem:s13+$0x20]  }
0x2d5: {  	v24 =	vsub.s32 $0x5F3759DF, v53;
	v15 =	vmul.f32 v16, v15;
	v19 =	vmul.f32 v20, v19;
	v54 =	vld [tilespmem:s12+$0x20]  }
0x2d6: {  	v55 =	vsub.f32 $1.500000000e+00, v28;
	v30 =	vmul.f32 v24, v14;
	v22 =	vmul.f32 v22, v25;
	v56 =	vld [tilespmem:s13+$0x10]  }
0x2d7: {  	v15 =	vmul.f32 v15, v16;
	v21 =	vmul.f32 v19, v21;
	v31 =	vld [tilespmem:s12+$0x10]  }
0x2d8: {  	v25 =	vmul.f32 v26, v55;
	v30 =	vmul.f32 v24, v30;
	v57 =	vld [tilespmem:s13+$0x0]  }
0x2d9: {  	v23 =	vmul.f32 v22, v23;
	v15 =	vsub.f32 $1.500000000e+00, v15;
	v21 =	vmul.f32 v21, v19;
	v32 =	vld [tilespmem:s12+$0x0]  }
0x2da: {  	v27 =	vmul.f32 v25, v27;
	v30 =	vsub.f32 $1.500000000e+00, v30;
	v33 =	vld [tilespmem:s13+$0xFFFFFFF0]  }
0x2db: {  	v58 =	vmul.f32 v23, v22;
	v15 =	vmul.f32 v15, v16;
	v16 =	vsub.f32 $1.500000000e+00, v21;
	v59 =	vld [tilespmem:s12+$0xFFFFFFF0]  }
0x2dc: {  	v27 =	vmul.f32 v27, v25;
	v24 =	vmul.f32 v24, v30;
	v60 =	vld [tilespmem:s13+$0xFFFFFFE0]  }
0x2dd: {  	v11 =	vmul.f32 v15, v11;
	v15 =	vmul.f32 v16, v19;
	v16 =	vsub.f32 $1.500000000e+00, v58;
	v19 =	vld [tilespmem:s12+$0xFFFFFFE0]  }
0x2de: {  	v61 =	vsub.f32 $1.500000000e+00, v27;
	v14 =	vmul.f32 v24, v14;
	v62 =	vld.idx.msk [tilespmem:v29+s5+$0x0], $0xffff  }
0x2df: {  	v11 =	vsub.f32 v11, v13;
	v12 =	vmul.f32 v15, v12;
	v13 =	vmul.f32 v16, v22;
	v15 =	vld.idx.msk [tilespmem:v54+s5+$0x0], $0xffff  }
0x2e0: {  	v14 =	vmul.f32 v14, v24;
	v16 =	vmul.f32 v61, v25;
	v63 =	vld.idx.msk [tilespmem:v56+s5+$0x0], $0xffff  }
0x2e1: {  	v10 =	vsub.f32 v12, v10;
	v11 =	vmul.f32 v11, v11;
	v9 =	vmul.f32 v13, v9;
	v12 =	vld.idx.msk [tilespmem:v31+s5+$0x0], $0xffff  }
0x2e2: {  	v13 =	vsub.f32 $1.500000000e+00, v14;
	v8 =	vmul.f32 v16, v8;
	v14 =	vld.idx.msk [tilespmem:v57+s5+$0x0], $0xffff  }
0x2e3: {  	v6 =	vmul.f32 v11, v6;
	v10 =	vmul.f32 v10, v10;
	v7 =	vsub.f32 v9, v7;
	v9 =	vld.idx.msk [tilespmem:v32+s5+$0x0], $0xffff  }
0x2e4: {  	v11 =	vmul.f32 v13, v24;
	v8 =	vsub.f32 v8, v17;
	v13 =	vld.idx.msk [tilespmem:v60+s5+$0x0], $0xffff  }
0x2e5: {  	v0 =	vadd.f32 v6, v0;
	v6 =	vmul.f32 v10, v18;
	v7 =	vmul.f32 v7, v7;
	v10 =	vld.idx.msk [tilespmem:v19+s5+$0x0], $0xffff  }
0x2e6: {  	v5 =	vmul.f32 v11, v5;
	v11 =	vld.idx.msk [tilespmem:v33+s5+$0x0], $0xffff  }
0x2e7: {  	s15 =	simm.s32 $0x1BD70;
	v0 =	vadd.f32 v6, v0;
	v3 =	vmul.f32 v7, v3;
	v6 =	vmul.f32 v8, v8;
	v7 =	vld.idx.msk [tilespmem:v59+s5+$0x0], $0xffff  }
0x2e8: {  	v4 =	vsub.f32 v5, v4;
	v5 =	vld [tilespmem:s15+$0x20]  }
0x2e9: {  	v8 =	vld [tilespmem:s15+$0x0];
	v0 =	vadd.f32 v3, v0;
	v2 =	vmul.f32 v6, v2  }
0x2ea: {  	v3 =	vld [tilespmem:s15+$0x10];
	v4 =	vmul.f32 v4, v4;
	v9 =	vsub.f32 v14, v9  }
0x2eb: {  	v6 =	vld [tilespmem:s15+$0xFFFFFFE0];
	v0 =	vadd.f32 v2, v0;
	v2 =	vsub.f32 v63, v12  }
0x2ec: {  	s13 =	simm.s32 $0x1CD10;
	v10 =	vsub.f32 v13, v10;
	v13 =	vld [tilespmem:s15+$0xFFFFFFF0];
	v4 =	vmul.f32 v4, v1;
	v12 =	vsub.f32 v62, v15  }
0x2ed: {  	v1 =	vld [tilespmem:s13+$0x20];
	v9 =	vmul.f32 v9, v9;
	v14 =	vmul.f32 v2, v2;
	v2 =	vsub.f32 v11, v7  }
0x2ee: {  	v10 =	vmul.f32 v10, v10;
	v4 =	vadd.f32 v4, v0;
	v7 =	vmul.f32 v12, v12;
	v0 =	vld [tilespmem:s13+$0x10]  }
0x2ef: {  	s14 =	simm.s32 $0x1C540;
	v9 =	vadd.f32 v9, v8;
	v11 =	vmul.f32 v2, v2;
	v2 =	vld [tilespmem:s13+$0x0];
	v12 =	vadd.f32 v14, v3  }
0x2f0: {  	v5 =	vadd.f32 v7, v5;
	v7 =	vadd.f32 v10, v6;
	v3 =	vld [tilespmem:s14+$0x20]  }
0x2f1: {  	v6 =	vld [tilespmem:s13+$0xFFFFFFE0];
	v9 =	vmax.f32 v9, $9.999999960e-13  }
0x2f2: {  	v10 =	vld [tilespmem:s14+$0xFFFFFFF0];
	v14 =	vadd.f32 v11, v13;
	v5 =	vmax.f32 v5, $9.999999960e-13;
	v11 =	vmax.f32 v7, $9.999999960e-13  }
0x2f3: {  	s28 =	rddreg [dreg:$0x5];
	v7 =	vld [tilespmem:s14+$0x0];
	v8 =	vmax.f32 v12, $9.999999960e-13;
	v12 =	vshra.s32 v11, $0x1;
	v15 =	vmul.f32 $5.000000000e-01, v11  }
0x2f4: {  	s18 =	simm.s32 $0x0;
	s23 =	simm.s32 $0x1AE20;
	s29 =	rddreg [dreg:$0x6];
	v13 =	vld [tilespmem:s14+$0xFFFFFFE0];
	v16 =	vsub.s32 $0x5F3759DF, v12;
	v12 =	vmax.f32 v14, $9.999999960e-13;
	v14 =	vmul.f32 $5.000000000e-01, v5  }
.LBB2_20:
0x2f5: {  	v17 =	vld [tilespmem:s23+$0x20];
	v18 =	vmul.f32 v16, v15;
	v19 =	vshra.s32 v12, $0x1;
	v20 =	vmul.f32 $5.000000000e-01, v12;
	s12 =	sadd.s32 $0x50, s12  }
0x2f6: {  	v22 =	vshra.s32 v9, $0x1;
	v23 =	vmul.f32 $5.000000000e-01, v9;
	v21 =	vld [tilespmem:s12+$0x20];
	v19 =	vsub.s32 $0x5F3759DF, v19  }
0x2f7: {  	v22 =	vsub.s32 $0x5F3759DF, v22;
	v24 =	vld [tilespmem:s23+$0x10];
	v18 =	vmul.f32 v16, v18;
	v25 =	vmul.f32 v19, v20  }
0x2f8: {  	v28 =	vshra.s32 v8, $0x1;
	v29 =	vmul.f32 $5.000000000e-01, v8;
	v27 =	vmul.f32 v22, v23;
	v26 =	vld [tilespmem:s12+$0x10]  }
0x2f9: {  	v28 =	vsub.s32 $0x5F3759DF, v28;
	v30 =	vld [tilespmem:s23+$0x0];
	v18 =	vsub.f32 $1.500000000e+00, v18;
	v25 =	vmul.f32 v19, v25  }
0x2fa: {  	v33 =	vshra.s32 v5, $0x1;
	v32 =	vmul.f32 v28, v29;
	v27 =	vmul.f32 v22, v27;
	v31 =	vld [tilespmem:s12+$0x0]  }
0x2fb: {  	v34 =	vld [tilespmem:s23+$0xFFFFFFF0];
	v16 =	vmul.f32 v16, v18;
	v18 =	vsub.f32 $1.500000000e+00, v25;
	v25 =	vsub.s32 $0x5F3759DF, v33  }
0x2fc: {  	v32 =	vmul.f32 v28, v32;
	v27 =	vsub.f32 $1.500000000e+00, v27;
	v33 =	vld [tilespmem:s12+$0xFFFFFFF0];
	v35 =	vmul.f32 v25, v14  }
0x2fd: {  	v36 =	vld [tilespmem:s23+$0xFFFFFFE0];
	v15 =	vmul.f32 v16, v15;
	v18 =	vmul.f32 v19, v18  }
0x2fe: {  	v22 =	vmul.f32 v22, v27;
	v27 =	vsub.f32 $1.500000000e+00, v32;
	v19 =	vld [tilespmem:s12+$0xFFFFFFE0];
	v32 =	vmul.f32 v25, v35  }
0x2ff: {  	v17 =	vld.idx.msk [tilespmem:v17+s5+$0x0], $0xffff;
	v15 =	vmul.f32 v15, v16;
	v20 =	vmul.f32 v18, v20  }
0x300: {  	v27 =	vmul.f32 v28, v27;
	v21 =	vld.idx.msk [tilespmem:v21+s5+$0x0], $0xffff;
	v28 =	vsub.f32 $1.500000000e+00, v32  }
0x301: {  	s18 =	sadd.s32 $0x5, s18;
	v23 =	vmul.f32 v22, v23;
	v24 =	vld.idx.msk [tilespmem:v24+s5+$0x0], $0xffff;
	v15 =	vsub.f32 $1.500000000e+00, v15;
	v20 =	vmul.f32 v20, v18  }
0x302: {  	p0 =	slt.u32 s18, $0x78;
	v29 =	vmul.f32 v27, v29;
	v26 =	vld.idx.msk [tilespmem:v26+s5+$0x0], $0xffff;
	v25 =	vmul.f32 v25, v28  }
0x303: {  	v28 =	vld.idx.msk [tilespmem:v30+s5+$0x0], $0xffff;
	v15 =	vmul.f32 v15, v16;
	v16 =	vsub.f32 $1.500000000e+00, v20;
	v20 =	vmul.f32 v23, v22  }
0x304: {  	v29 =	vmul.f32 v29, v27;
	v23 =	vld.idx.msk [tilespmem:v31+s5+$0x0], $0xffff;
	v14 =	vmul.f32 v25, v14  }
0x305: {  	v30 =	vld.idx.msk [tilespmem:v36+s5+$0x0], $0xffff;
	v11 =	vmul.f32 v15, v11;
	v15 =	vmul.f32 v16, v18;
	v16 =	vsub.f32 $1.500000000e+00, v20  }
0x306: {  	v17 =	vsub.f32 v17, v21;
	v18 =	vld.idx.msk [tilespmem:v19+s5+$0x0], $0xffff;
	v19 =	vsub.f32 $1.500000000e+00, v29;
	v14 =	vmul.f32 v14, v25  }
0x307: {  	v11 =	vsub.f32 v11, v13;
	v12 =	vmul.f32 v15, v12;
	v13 =	vmul.f32 v16, v22;
	v15 =	vld [tilespmem:s14+$0x10]  }
0x308: {  	v16 =	vsub.f32 v24, v26;
	v20 =	vld [tilespmem:s13+$0xFFFFFFF0];
	v19 =	vmul.f32 v19, v27;
	v14 =	vsub.f32 $1.500000000e+00, v14  }
0x309: {  	v21 =	vld.idx.msk [tilespmem:v34+s5+$0x0], $0xffff;
	v11 =	vmul.f32 v11, v11;
	v10 =	vsub.f32 v12, v10;
	v9 =	vmul.f32 v13, v9  }
0x30a: {  	s15 =	sadd.s32 $0x50, s15;
	v13 =	vsub.f32 v28, v23;
	v12 =	vld.idx.msk [tilespmem:v33+s5+$0x0], $0xffff;
	v8 =	vmul.f32 v19, v8;
	v14 =	vmul.f32 v14, v25  }
0x30b: {  	v19 =	vld [tilespmem:s15+$0x20];
	v6 =	vmul.f32 v11, v6;
	v10 =	vmul.f32 v10, v10;
	v7 =	vsub.f32 v9, v7  }
0x30c: {  	v9 =	vsub.f32 v30, v18;
	v11 =	vld [tilespmem:s15+$0x10];
	v8 =	vsub.f32 v8, v15;
	v5 =	vmul.f32 v14, v5  }
0x30d: {  	v14 =	vld [tilespmem:s15+$0x0];
	v4 =	vadd.f32 v6, v4;
	v6 =	vmul.f32 v10, v20;
	v7 =	vmul.f32 v7, v7  }
0x30e: {  	v15 =	vmul.f32 v16, v16;
	v16 =	vmul.f32 v17, v17;
	v10 =	vld [tilespmem:s15+$0xFFFFFFE0];
	v3 =	vsub.f32 v5, v3  }
0x30f: {  	s13 =	sadd.s32 $0x50, s13;
	v5 =	vld [tilespmem:s15+$0xFFFFFFF0];
	v4 =	vadd.f32 v6, v4;
	v2 =	vmul.f32 v7, v2;
	v6 =	vmul.f32 v8, v8  }
0x310: {  	v7 =	vmul.f32 v9, v9;
	v8 =	vsub.f32 v21, v12;
	v9 =	vmul.f32 v13, v13;
	v12 =	vld [tilespmem:s13+$0x20]  }
0x311: {  	v13 =	vmul.f32 v3, v3;
	v4 =	vadd.f32 v2, v4;
	v6 =	vmul.f32 v6, v0;
	v0 =	vld [tilespmem:s13+$0x10]  }
0x312: {  	s14 =	sadd.s32 $0x50, s14;
	v8 =	vmul.f32 v8, v8;
	v15 =	vadd.f32 v15, v11;
	v11 =	vadd.f32 v16, v19;
	v2 =	vld [tilespmem:s13+$0x0]  }
.Ltmp9:
0x313: {  	v7 =	vadd.f32 v7, v10;
	v3 =	vld [tilespmem:s14+$0x20];
	v4 =	vadd.f32 v6, v4;
	v10 =	vmul.f32 v13, v1;
	(pc) =	sbr.rel @p0 .LBB2_20-.Ltmp9, $4  }
0x314: {  	v9 =	vadd.f32 v9, v14;
	v6 =	vld [tilespmem:s13+$0xFFFFFFE0];
	v17 =	vadd.f32 v8, v5;
	v5 =	vmax.f32 v11, $9.999999960e-13  }
0x315: {  	v8 =	vmax.f32 v15, $9.999999960e-13;
	v11 =	vmax.f32 v7, $9.999999960e-13;
	v7 =	vld [tilespmem:s14+$0x0];
	v4 =	vadd.f32 v10, v4;
	v1 =	vmovc v12  }
0x316: {  	v9 =	vmax.f32 v9, $9.999999960e-13;
	v12 =	vshra.s32 v11, $0x1;
	v15 =	vmul.f32 $5.000000000e-01, v11;
	v10 =	vld [tilespmem:s14+$0xFFFFFFF0]  }
0x317: {  	s23 =	sadd.s32 $0x50, s23;
	v14 =	vmul.f32 $5.000000000e-01, v5;
	v16 =	vsub.s32 $0x5F3759DF, v12;
	v13 =	vld [tilespmem:s14+$0xFFFFFFE0];
	v12 =	vmax.f32 v17, $9.999999960e-13  }
0x318: {  	v17 =	vmul.f32 v16, v15;
	v18 =	vshra.s32 v12, $0x1;
	v19 =	vmul.f32 $5.000000000e-01, v12  }
0x319: {  	v20 =	vshra.s32 v9, $0x1;
	v21 =	vmul.f32 $5.000000000e-01, v9;
	v18 =	vsub.s32 $0x5F3759DF, v18  }
0x31a: {  	v20 =	vsub.s32 $0x5F3759DF, v20;
	v17 =	vmul.f32 v16, v17;
	v22 =	vmul.f32 v18, v19  }
0x31b: {  	v24 =	vshra.s32 v8, $0x1;
	v25 =	vmul.f32 $5.000000000e-01, v8;
	v23 =	vmul.f32 v20, v21  }
0x31c: {  	v24 =	vsub.s32 $0x5F3759DF, v24;
	v17 =	vsub.f32 $1.500000000e+00, v17;
	v22 =	vmul.f32 v18, v22  }
0x31d: {  	v27 =	vshra.s32 v5, $0x1;
	v26 =	vmul.f32 v24, v25;
	v23 =	vmul.f32 v20, v23  }
0x31e: {  	v42 =	vsub.s32 $0x5F3759DF, v27;
	v40 =	vmul.f32 v16, v17;
	v41 =	vsub.f32 $1.500000000e+00, v22  }
0x31f: {  	v27 =	vmul.f32 v42, v14;
	v26 =	vmul.f32 v24, v26;
	v23 =	vsub.f32 $1.500000000e+00, v23  }
0x320: {  	v43 =	vmul.f32 v40, v15;
	v17 =	vmul.f32 v18, v41  }
0x321: {  	v46 =	vmul.f32 v42, v27;
	v45 =	vsub.f32 $1.500000000e+00, v26;
	v44 =	vmul.f32 v20, v23  }
0x322: {  	v15 =	vmul.f32 v43, v40;
	v19 =	vmul.f32 v17, v19  }
0x323: {  	v20 =	vmul.f32 v24, v45;
	v23 =	vsub.f32 $1.500000000e+00, v46  }
0x324: {  	v21 =	vmul.f32 v44, v21;
	v15 =	vsub.f32 $1.500000000e+00, v15;
	v19 =	vmul.f32 v19, v17  }
0x325: {  	v24 =	vmul.f32 v20, v25;
	v22 =	vmul.f32 v42, v23  }
0x326: {  	v48 =	vmul.f32 v21, v44;
	v15 =	vmul.f32 v15, v40;
	v47 =	vsub.f32 $1.500000000e+00, v19  }
0x327: {  	v49 =	vmul.f32 v24, v20;
	v50 =	vmul.f32 v22, v14  }
0x328: {  	v52 =	vsub.f32 $1.500000000e+00, v48;
	v11 =	vmul.f32 v15, v11;
	v51 =	vmul.f32 v47, v17  }
0x329: {  	v53 =	vsub.f32 $1.500000000e+00, v49;
	v14 =	vmul.f32 v50, v22  }
0x32a: {  	v56 =	vld [tilespmem:s14+$0x10];
	v55 =	vmul.f32 v52, v44;
	v11 =	vsub.f32 v11, v13;
	v54 =	vmul.f32 v51, v12  }
0x32b: {  	v57 =	vld [tilespmem:s13+$0xFFFFFFF0];
	v17 =	vmul.f32 v53, v20;
	v14 =	vsub.f32 $1.500000000e+00, v14  }
0x32c: {  	v58 =	vmul.f32 v55, v9;
	v11 =	vmul.f32 v11, v11;
	v10 =	vsub.f32 v54, v10  }
0x32d: {  	v59 =	vmul.f32 v17, v8;
	v60 =	vmul.f32 v14, v22  }
0x32e: {  	v7 =	vsub.f32 v58, v7;
	v6 =	vmul.f32 v11, v6;
	v10 =	vmul.f32 v10, v10  }
0x32f: {  	v8 =	vsub.f32 v59, v56;
	v61 =	vmul.f32 v60, v5  }
0x330: {  	v7 =	vmul.f32 v7, v7;
	v4 =	vadd.f32 v6, v4;
	v62 =	vmul.f32 v10, v57  }
0x331: {  	v3 =	vsub.f32 v61, v3  }
0x332: {  	v63 =	vmul.f32 v8, v8;
	v2 =	vmul.f32 v7, v2;
	v4 =	vadd.f32 v62, v4;
	_ =	sdelay $0x1  }
0x333: {  	v0 =	vmul.f32 v63, v0;
	v3 =	vmul.f32 v3, v3;
	v2 =	vadd.f32 v2, v4;
	_ =	sdelay $0x1  }
0x334: {  	v1 =	vmul.f32 v3, v1;
	v0 =	vadd.f32 v0, v2;
	_ =	sdelay $0x1  }
0x335: {  	v0 =	vadd.f32 v1, v0;
	_ =	sdelay $0x1  }
0x336: {  	v0 =	vmul.f32 $5.000000000e-01, v0;
	_ =	sdelay $0x1  }
0x337: {  	s12 =	rddreg [dreg:$0xf];
	s15 =	simm.s32 $0x1D4C0;
	s13 =	simm.s32 $0x5;
	[tilespmem:$0x1D4C0] =	vst v0  }
0x338: {  	[hbm4b:s12+s5] =	stream.linear.scatter [tilespmem:s15], [sflag:$0x5], $0x10, $0x38;
	[tilespmem:$0x1D4D0] =	vst v63  }
0x339: {  	_ =	swait.ge [sflag:s13], $0x10  }
0x33a: {  	s18 =	rddreg [dreg:$0x13]  }
0x33b: {  	s23 =	rddreg [dreg:$0x10];
	s14 =	sadd.s32 $0x1, s18  }
0x33c: {  	p0 =	sne.s32 s14, s23  }
.Ltmp10:
0x33d: {  	_ = 	snop;
	(pc) =	sbr.rel @p0 .LBB2_1-.Ltmp10, $3  }
0x33e: {  	_ =	sdelay $0x1  }
0x33f: {  	[sflag:s13] =	ssyncset.done $0x0  }
0x340: {  	[sflag:s13] =	ssyncadd.s32 $0xFFFFFFF0  }
0x341: {  	_ =	sfence.sel $0x180000  }
0x342: {  	[bflag:$0x0] =	sbarrier.arrive $0xFFFF  }
0x343: {  	_ =	strace $0x90000047  }
0x344: {  	s0 =	stileid.u32;
	[bflag:$0x2] =	sbarrier.arrive $0xFFFF  }
0x345: {  	p0 =	sne.s32 s0, $0x0;
	s0 =	rddreg [dreg:$0x3]  }
0x346: {  	s0 =	sadd.s32 @!p0 $0x100000, s0  }
0x347: {  	[sflag:s0] =	ssyncadd.tile.s32 @!p0 $0x1;
	_ =	shalt  }
.Lfunc_end2:
_tile_overlayer_lowered:
.L_overlay_start_2:
0x348: {  	(tag) =	ssettag $0x2  }
0x349: {  	s0 =	rddreg [dreg:$0x0];
	s2 =	stileid.u32  }
0x34a: {  	s1 =	rddreg [dreg:$0x1];
	p0 =	sne.s32 s2, $0x0  }
0x34b: {  	s3 =	rddreg [dreg:$0x2];
	[bflag:$0x3] =	sbarrier.arrive $0xFFFF;
	s2 =	simm.s32 @!p0 $0x1C05  }
0x34c: {  	[timem:s3], [sflag:s2] =	dma.local @!p0 [hbm:s0], s1  }
0x34d: {  	s0 =	simm.s32 @!p0 $0x5  }
0x34e: {  	_ =	swait.ge @!p0 [sflag:s0], s1  }
0x34f: {  	s1 =	ssub.s32 @!p0 $0x0, s1;
	[sflag:s0] =	ssyncset.done @!p0 $0x0  }
0x350: {  	[sflag:s0] =	ssyncadd.s32 @!p0 s1  }
0x351: {  	[bflag:$0x3] =	sbarrier.arrive $0xFFFF  }
0x352: {  	_ =	shalt  }

</sc_bundles>
